<compile_context>
chip_gen: v7x
topology: tpu7x:2x2x1
jax: 0.10.2.dev20260603
libtpu: 0.0.44.dev20260713+nightly
codegen_flags: <defaults>
</compile_context>

<pallas_src>
import functools

import jax
import jax.numpy as jnp
from jax import lax
from jax.experimental import pallas as pl
from jax.experimental.pallas import tpu as pltpu
from jax.experimental.pallas import tpu_sc as plsc

B, L, D = 4096, 200, 16
P = B * L
G = 8
ROWS = P // G
NC, NS = 2, 16
NW = NC * NS
QV = P // NW
CH = 1024
NCHUNK = QV // CH
BB = 128
RB = BB * L // G
GRID = B // BB


N_TAB = 1000000
RC = 32768
RC8 = RC // 8
RSH = RC8.bit_length() - 1
RGRID = -(-N_TAB // RC)
SLOTS = RGRID * RC


def _repack_body(v2e_t, u2e_t, xv_ref, xu_ref):
  for src, dst in ((v2e_t, xv_ref), (u2e_t, xu_ref)):
    blk = src[...]
    cat = jnp.concatenate(
        [blk[:, g * RC8:(g + 1) * RC8] for g in range(8)], axis=0)
    dst[...] = cat.T


def _repack(v2e_t, u2e_t):
  return pl.pallas_call(
      _repack_body,
      grid=(RGRID,),
      in_specs=[
          pl.BlockSpec((D, RC), lambda i: (0, i)),
          pl.BlockSpec((D, RC), lambda i: (0, i)),
      ],
      out_specs=[
          pl.BlockSpec((RC8, 8 * D), lambda i: (i, 0)),
          pl.BlockSpec((RC8, 8 * D), lambda i: (i, 0)),
      ],
      out_shape=[
          jax.ShapeDtypeStruct((SLOTS // 8, 8 * D), jnp.float32),
          jax.ShapeDtypeStruct((SLOTS // 8, 8 * D), jnp.float32),
      ],
      compiler_params=pltpu.CompilerParams(
          dimension_semantics=("arbitrary",)),
  )(v2e_t, u2e_t)


def _sigma(vec):
  return ((vec & (-RC)) | ((vec & (RC8 - 1)) << 3)
          | ((vec & (RC - 1)) >> RSH))


def _sc_body(huv, nodes, xv, xu, out_euv, out_uv,
             idx_v, idx2_v, rows_v, nidx_v, nidx2_v, urows_v, sem):
  wid = lax.axis_index("s") * NC + lax.axis_index("c")

  pltpu.sync_copy(nodes.at[pl.ds(wid * (B // NW), B // NW)], nidx_v)
  for k in range(8):
    nidx2_v[pl.ds(k * 16, 16)] = _sigma(nidx_v[pl.ds(k * 16, 16)])
  pltpu.async_copy(xu.at[nidx2_v], urows_v, sem).wait()
  pltpu.sync_copy(urows_v, out_uv.at[pl.ds(wid * (B // NW), B // NW)])

  @pl.loop(0, NCHUNK)
  def _(i):
    row0 = wid * (QV // 128) + i * (CH // 128)
    base = wid * QV + i * CH
    pltpu.sync_copy(huv.at[pl.ds(row0, CH // 128)], idx_v)
    for j in range(CH // 128):
      for k in range(8):
        idx2_v[j, pl.ds(k * 16, 16)] = _sigma(idx_v[j, pl.ds(k * 16, 16)])
    copies = [
        pltpu.async_copy(xv.at[idx2_v.at[j]],
                         rows_v.at[pl.ds(j * 128, 128)], sem)
        for j in range(CH // 128)
    ]
    for c in copies:
      c.wait()
    pltpu.sync_copy(rows_v, out_euv.at[pl.ds(base, CH)])


def _sc_gather(huv2d, nodes1d, xv, xu):
  mesh = plsc.VectorSubcoreMesh(core_axis_name="c", subcore_axis_name="s",
                                num_cores=NC, num_subcores=NS)
  return pl.kernel(
      _sc_body,
      out_type=[
          jax.ShapeDtypeStruct((P, D), jnp.float32),
          jax.ShapeDtypeStruct((B, D), jnp.float32),
      ],
      mesh=mesh,
      scratch_types=[
          pltpu.VMEM((CH // 128, 128), jnp.int32),
          pltpu.VMEM((CH // 128, 128), jnp.int32),
          pltpu.VMEM((CH, D), jnp.float32),
          pltpu.VMEM((B // NW,), jnp.int32),
          pltpu.VMEM((B // NW,), jnp.int32),
          pltpu.VMEM((B // NW, D), jnp.float32),
          pltpu.SemaphoreType.DMA,
      ],
      compiler_params=pltpu.CompilerParams(use_tc_tiling_on_sc=False),
  )(huv2d, nodes1d, xv, xu)


def _tc_body(euv, hist, uv, bw1a, br2e, bw1b, bw2, a1b, ba1a, ba2, ba3,
             e5, e16, e16d, t16, seg, sege, b1t, b2t, ab1t, ab2t, ab3t,
             out_ref):
  f32 = jnp.float32
  dot = functools.partial(jnp.dot, preferred_element_type=f32)

  ohv = dot(hist[...], e5[...])
  lane = lax.broadcasted_iota(jnp.int32, (RB, 5 * G), 1) % 5
  oh = jnp.where(ohv == lane.astype(f32), 1.0, 0.0)

  brw = dot(br2e[...], bw1b[...])

  x = dot(euv[...], bw1a[...]) + dot(oh, brw) + b1t[...]
  x = jnp.maximum(x, 0.0)
  o = jnp.maximum(dot(x, bw2[...]) + b2t[...], 0.0)

  uvc = dot(uv[...], a1b[...])
  uvrows = dot(dot(sege[...], uvc), e16d[...])
  a1 = jnp.maximum(dot(o, ba1a[...]) + uvrows + ab1t[...], 0.0)
  a2 = jnp.maximum(dot(a1, ba2[...]) + ab2t[...], 0.0)
  lg = dot(a2, ba3[...]) + ab3t[...]
  ex = jnp.exp(lg)

  owg = dot(o * dot(ex, e16[...]), t16[...])
  num = dot(seg[...], owg)
  den = jnp.sum(dot(seg[...], ex), axis=1, keepdims=True)
  out_ref[...] = num / den


def _tc_call(euv_p, hist_p, uv_rep, consts):
  cspecs = [pl.BlockSpec(c.shape, lambda i, nd=c.ndim: (0,) * nd)
            for c in consts]
  return pl.pallas_call(
      _tc_body,
      grid=(GRID,),
      in_specs=[
          pl.BlockSpec((RB, G * D), lambda i: (i, 0)),
          pl.BlockSpec((RB, G), lambda i: (i, 0)),
          pl.BlockSpec((BB, D), lambda i: (i, 0)),
          *cspecs,
      ],
      out_specs=pl.BlockSpec((BB, D), lambda i: (i, 0)),
      out_shape=jax.ShapeDtypeStruct((B, D), jnp.float32),
      compiler_params=pltpu.CompilerParams(
          dimension_semantics=("arbitrary",)),
  )(euv_p, hist_p, uv_rep, *consts)


def _build_consts(W_r1, b_r1, W_r2, b_r2, r2e,
                  att_w1, att_b1, att_w2, att_b2, att_w3, att_b3):
  i8 = jnp.eye(G, dtype=jnp.float32)
  i16 = jnp.eye(D, dtype=jnp.float32)
  kron = jnp.kron
  return [
      kron(i8, W_r1[:D]),
      kron(i8, r2e),
      kron(i8, W_r1[D:]),
      kron(i8, W_r2),
      att_w1[D:],
      kron(i8, att_w1[:D]),
      kron(i8, att_w2),
      kron(i8, att_w3),
      kron(i8, jnp.ones((1, 5), jnp.float32)),
      kron(i8, jnp.ones((1, D), jnp.float32)),
      kron(jnp.ones((1, G), jnp.float32), i16),
      kron(jnp.ones((G, 1), jnp.float32), i16),
      kron(jnp.eye(BB, dtype=jnp.float32),
           jnp.ones((1, L // G), jnp.float32)),
      kron(jnp.eye(BB, dtype=jnp.float32),
           jnp.ones((L // G, 1), jnp.float32)),
      jnp.tile(b_r1, G)[None],
      jnp.tile(b_r2, G)[None],
      jnp.tile(att_b1, G)[None],
      jnp.tile(att_b2, G)[None],
      jnp.tile(att_b3, G)[None],
  ]


def kernel(nodes, history_uv, history_r, v2e, r2e, u2e, W_r1, b_r1, W_r2,
           b_r2, att_w1, att_b1, att_w2, att_b2, att_w3, att_b3):
  huv2d = history_uv.reshape(P // 128, 128).astype(jnp.int32)
  xv8, xu8 = _repack(v2e.T, u2e.T)
  xv = xv8.reshape(SLOTS, D)
  xu = xu8.reshape(SLOTS, D)
  euv_flat, uv_rep = _sc_gather(huv2d, nodes.astype(jnp.int32), xv, xu)
  euv_p = euv_flat.reshape(ROWS, G * D)
  hist_p = history_r.reshape(ROWS, G).astype(jnp.float32)
  consts = _build_consts(W_r1, b_r1, W_r2, b_r2, r2e,
                         att_w1, att_b1, att_w2, att_b2, att_w3, att_b3)
  return _tc_call(euv_p, hist_p, uv_rep, consts)

# --- scband reference (transcript-rebuilt; emitter-appended) ---
"""Pipeline reference for scband-uv-aggregator-39075612459416 (READ-ONLY COPY).

The authoritative reference and input builder live on the scoring server;
editing this copy changes nothing except your own understanding.
"""

import jax, jax.numpy as jnp
import numpy as np

B, L, D = 4096, 200, 16
N_USERS, N_ITEMS, N_RATINGS = 1000000, 1000000, 5


def setup_inputs(seed: int = 0) -> dict:
    key = jax.random.key(seed)
    ks = jax.random.split(key, 16)
    nodes = jax.random.randint(ks[0], (B,), 0, N_USERS)
    history_uv = jax.random.randint(ks[1], (B, L), 0, N_ITEMS)
    history_r = jax.random.randint(ks[2], (B, L), 0, N_RATINGS)
    # embedding tables (learned params of v2e / r2e / u2e)
    v2e = jax.random.normal(ks[3], (N_ITEMS, D), dtype=jnp.float32) * 0.05
    r2e = jax.random.normal(ks[4], (N_RATINGS, D), dtype=jnp.float32) * 0.05
    u2e = jax.random.normal(ks[5], (N_USERS, D), dtype=jnp.float32) * 0.05
    # w_r1: Dense(2D -> D), w_r2: Dense(D -> D)
    W_r1 = jax.random.normal(ks[6], (2 * D, D), dtype=jnp.float32) * (1.0 / np.sqrt(2 * D))
    b_r1 = jnp.zeros((D,), dtype=jnp.float32)
    W_r2 = jax.random.normal(ks[7], (D, D), dtype=jnp.float32) * (1.0 / np.sqrt(D))
    b_r2 = jnp.zeros((D,), dtype=jnp.float32)
    # GraphRec Attention: Dense(2D->D) -> relu -> Dense(D->D) -> relu -> Dense(D->1) -> softmax over history
    att_w1 = jax.random.normal(ks[8], (2 * D, D), dtype=jnp.float32) * (1.0 / np.sqrt(2 * D))
    att_b1 = jnp.zeros((D,), dtype=jnp.float32)
    att_w2 = jax.random.normal(ks[9], (D, D), dtype=jnp.float32) * (1.0 / np.sqrt(D))
    att_b2 = jnp.zeros((D,), dtype=jnp.float32)
    att_w3 = jax.random.normal(ks[10], (D, 1), dtype=jnp.float32) * (1.0 / np.sqrt(D))
    att_b3 = jnp.zeros((1,), dtype=jnp.float32)
    return {
        "nodes": nodes,
        "history_uv": history_uv,
        "history_r": history_r,
        "v2e": v2e,
        "r2e": r2e,
        "u2e": u2e,
        "W_r1": W_r1,
        "b_r1": b_r1,
        "W_r2": W_r2,
        "b_r2": b_r2,
        "att_w1": att_w1,
        "att_b1": att_b1,
        "att_w2": att_w2,
        "att_b2": att_b2,
        "att_w3": att_w3,
        "att_b3": att_b3,
    }


def reference(nodes, history_uv, history_r, v2e, r2e, u2e, W_r1, b_r1, W_r2, b_r2, att_w1, att_b1, att_w2, att_b2, att_w3, att_b3):
    # uv=True path: gather item embeddings for each history item, user embedding for node
    e_uv = jnp.take(v2e, history_uv, axis=0)          # [B, L, D]
    uv_rep = jnp.take(u2e, nodes, axis=0)             # [B, D]
    e_r = jnp.take(r2e, history_r, axis=0)            # [B, L, D]
    x = jnp.concatenate([e_uv, e_r], axis=-1)         # [B, L, 2D]
    x = jax.nn.relu(x @ W_r1 + b_r1)                  # [B, L, D]
    o_history = jax.nn.relu(x @ W_r2 + b_r2)          # [B, L, D]
    # attention over the history dimension, conditioned on uv_rep
    uv_b = jnp.broadcast_to(uv_rep[:, None, :], o_history.shape)
    a = jnp.concatenate([o_history, uv_b], axis=-1)   # [B, L, 2D]
    a = jax.nn.relu(a @ att_w1 + att_b1)
    a = jax.nn.relu(a @ att_w2 + att_b2)
    a = a @ att_w3 + att_b3                           # [B, L, 1]
    att_w = jax.nn.softmax(a, axis=1)                 # softmax over history items
    # att_history = o_history^T @ att_w per batch row -> weighted sum over history
    to_feats = jnp.sum(o_history * att_w, axis=1)     # [B, D]
    return to_feats

if __name__ == "__main__":
    import jax
    _d = setup_inputs()
    print(jax.jit(kernel)(*tuple(_d.values())))

</pallas_src>

<mosaic_0001>
#map = affine_map<(d0, d1) -> (0, 0)>
#map1 = affine_map<(d0, d1) -> (0)>
module attributes {stable_mosaic.version = 14 : i64} {
  func.func @_sc_body(%arg0: i32, %arg1: i32, %arg2: memref<6400x128xi32, #tpu.memory_space<hbm>>, %arg3: memref<4096xi32, #tpu.memory_space<hbm>>, %arg4: memref<1015808x16xf32, #tpu.memory_space<hbm>>, %arg5: memref<1015808x16xf32, #tpu.memory_space<hbm>>, %arg6: memref<819200x16xf32, #tpu.memory_space<hbm>>, %arg7: memref<4096x16xf32, #tpu.memory_space<hbm>>, %arg8: memref<8x128xi32, #tpu.memory_space<vmem>>, %arg9: memref<8x128xi32, #tpu.memory_space<vmem>>, %arg10: memref<1024x16xf32, #tpu.memory_space<vmem>>, %arg11: memref<128xi32, #tpu.memory_space<vmem>>, %arg12: memref<128xi32, #tpu.memory_space<vmem>>, %arg13: memref<128x16xf32, #tpu.memory_space<vmem>>, %arg14: memref<!tpu.dma_semaphore, #tpu.memory_space<semaphore_mem>>) attributes {dimension_semantics = [#tpu.dimension_semantics<core_parallel>, #tpu.dimension_semantics<subcore_parallel>], iteration_bounds = array<i64: 2, 16>, scalar_prefetch = 0 : i64, scratch_operands = 7 : i64, tpu.core_type = #tpu.core_type<sc_vector_subcore>, window_params = [{transform_indices = #map}, {transform_indices = #map1}, {transform_indices = #map}, {transform_indices = #map}, {transform_indices = #map}, {transform_indices = #map}]} {
    %mul3A = arith.constant 2 : i32
    %mul3A_0 = arith.muli %arg1, %mul3A : i32
    %add3A = arith.addi %mul3A_0, %arg0 : i32
    %mul3A_1 = arith.constant 128 : i32
    %mul3A_2 = arith.muli %add3A, %mul3A_1 : i32
    "tpu.region"() ({
      %run_scoped3A = tpu.sem_alloc : memref<!tpu.dma_semaphore, #tpu.memory_space<semaphore_mem>>
      %dma_start3A_199 = tpu.memref_slice %arg3[%mul3A_2] : memref<4096xi32, #tpu.memory_space<hbm>> -> memref<128xi32, #tpu.memory_space<hbm>>
      %dma_start3A_200 = tpu.memref_slice %arg3[%mul3A_2] : memref<4096xi32, #tpu.memory_space<hbm>> -> memref<128xi32, #tpu.memory_space<hbm>>
      tpu.enqueue_dma source(%dma_start3A_200 : memref<128xi32, #tpu.memory_space<hbm>>) target(%arg11 : memref<128xi32, #tpu.memory_space<vmem>>) target_semaphore(%run_scoped3A : memref<!tpu.dma_semaphore, #tpu.memory_space<semaphore_mem>>)
      %dma_wait3A_201 = tpu.memref_slice %arg3[%mul3A_2] : memref<4096xi32, #tpu.memory_space<hbm>> -> memref<128xi32, #tpu.memory_space<hbm>>
      %dma_wait3A_202 = tpu.memref_slice %arg3[%mul3A_2] : memref<4096xi32, #tpu.memory_space<hbm>> -> memref<128xi32, #tpu.memory_space<hbm>>
      tpu.wait_dma2 semaphore(%run_scoped3A : memref<!tpu.dma_semaphore, #tpu.memory_space<semaphore_mem>>) src(%dma_wait3A_202 : memref<128xi32, #tpu.memory_space<hbm>>) dst(%arg11 : memref<128xi32, #tpu.memory_space<vmem>>)
      tpu.yield
    }) : () -> ()
    %get3A = arith.constant 0 : index
    %get3A_3 = tpu.vector_load %arg11[%get3A] {strides = array<i32>} : memref<128xi32, #tpu.memory_space<vmem>>, vector<16xi32>,
    %get3A_4 = vector.shape_cast %get3A_3 : vector<16xi32> to vector<16xi32>
    %and3A = arith.constant -32768 : i32
    %and3A_5 = vector.broadcast %and3A : i32 to vector<16xi32>
    %and3A_6 = arith.andi %get3A_4, %and3A_5 : vector<16xi32>
    %and3A_7 = arith.constant 4095 : i32
    %and3A_8 = vector.broadcast %and3A_7 : i32 to vector<16xi32>
    %and3A_9 = arith.andi %get3A_4, %and3A_8 : vector<16xi32>
    %shift_left3A = arith.constant 3 : i32
    %shift_left3A_10 = vector.broadcast %shift_left3A : i32 to vector<16xi32>
    %shift_left3A_11 = arith.shli %and3A_9, %shift_left3A_10 : vector<16xi32>
    %or3A = arith.ori %and3A_6, %shift_left3A_11 : vector<16xi32>
    %and3A_12 = arith.constant 32767 : i32
    %and3A_13 = vector.broadcast %and3A_12 : i32 to vector<16xi32>
    %and3A_14 = arith.andi %get3A_4, %and3A_13 : vector<16xi32>
    %shift_right_arithmetic3A = arith.constant 12 : i32
    %shift_right_arithmetic3A_15 = vector.broadcast %shift_right_arithmetic3A : i32 to vector<16xi32>
    %shift_right_arithmetic3A_16 = arith.shrsi %and3A_14, %shift_right_arithmetic3A_15 : vector<16xi32>
    %or3A_17 = arith.ori %or3A, %shift_right_arithmetic3A_16 : vector<16xi32>
    %swap3A = arith.constant 0 : index
    %swap3A_18 = tpu.vector_load %arg12[%swap3A] {strides = array<i32>} : memref<128xi32, #tpu.memory_space<vmem>>, vector<16xi32>,
    %swap3A_19 = vector.shape_cast %swap3A_18 : vector<16xi32> to vector<16xi32>
    %swap3A_20 = vector.shape_cast %or3A_17 : vector<16xi32> to vector<16xi32>
    tpu.vector_store %arg12[%swap3A], %swap3A_20 {strides = array<i32>} : memref<128xi32, #tpu.memory_space<vmem>>, vector<16xi32>,
    %get3A_21 = arith.constant 16 : index
    %get3A_22 = tpu.vector_load %arg11[%get3A_21] {strides = array<i32>} : memref<128xi32, #tpu.memory_space<vmem>>, vector<16xi32>,
    %get3A_23 = vector.shape_cast %get3A_22 : vector<16xi32> to vector<16xi32>
    %and3A_24 = arith.constant -32768 : i32
    %and3A_25 = vector.broadcast %and3A_24 : i32 to vector<16xi32>
    %and3A_26 = arith.andi %get3A_23, %and3A_25 : vector<16xi32>
    %and3A_27 = arith.constant 4095 : i32
    %and3A_28 = vector.broadcast %and3A_27 : i32 to vector<16xi32>
    %and3A_29 = arith.andi %get3A_23, %and3A_28 : vector<16xi32>
    %shift_left3A_30 = arith.constant 3 : i32
    %shift_left3A_31 = vector.broadcast %shift_left3A_30 : i32 to vector<16xi32>
    %shift_left3A_32 = arith.shli %and3A_29, %shift_left3A_31 : vector<16xi32>
    %or3A_33 = arith.ori %and3A_26, %shift_left3A_32 : vector<16xi32>
    %and3A_34 = arith.constant 32767 : i32
    %and3A_35 = vector.broadcast %and3A_34 : i32 to vector<16xi32>
    %and3A_36 = arith.andi %get3A_23, %and3A_35 : vector<16xi32>
    %shift_right_arithmetic3A_37 = arith.constant 12 : i32
    %shift_right_arithmetic3A_38 = vector.broadcast %shift_right_arithmetic3A_37 : i32 to vector<16xi32>
    %shift_right_arithmetic3A_39 = arith.shrsi %and3A_36, %shift_right_arithmetic3A_38 : vector<16xi32>
    %or3A_40 = arith.ori %or3A_33, %shift_right_arithmetic3A_39 : vector<16xi32>
    %swap3A_41 = arith.constant 16 : index
    %swap3A_42 = tpu.vector_load %arg12[%swap3A_41] {strides = array<i32>} : memref<128xi32, #tpu.memory_space<vmem>>, vector<16xi32>,
    %swap3A_43 = vector.shape_cast %swap3A_42 : vector<16xi32> to vector<16xi32>
    %swap3A_44 = vector.shape_cast %or3A_40 : vector<16xi32> to vector<16xi32>
    tpu.vector_store %arg12[%swap3A_41], %swap3A_44 {strides = array<i32>} : memref<128xi32, #tpu.memory_space<vmem>>, vector<16xi32>,
    %get3A_45 = arith.constant 32 : index
    %get3A_46 = tpu.vector_load %arg11[%get3A_45] {strides = array<i32>} : memref<128xi32, #tpu.memory_space<vmem>>, vector<16xi32>,
    %get3A_47 = vector.shape_cast %get3A_46 : vector<16xi32> to vector<16xi32>
    %and3A_48 = arith.constant -32768 : i32
    %and3A_49 = vector.broadcast %and3A_48 : i32 to vector<16xi32>
    %and3A_50 = arith.andi %get3A_47, %and3A_49 : vector<16xi32>
    %and3A_51 = arith.constant 4095 : i32
    %and3A_52 = vector.broadcast %and3A_51 : i32 to vector<16xi32>
    %and3A_53 = arith.andi %get3A_47, %and3A_52 : vector<16xi32>
    %shift_left3A_54 = arith.constant 3 : i32
    %shift_left3A_55 = vector.broadcast %shift_left3A_54 : i32 to vector<16xi32>
    %shift_left3A_56 = arith.shli %and3A_53, %shift_left3A_55 : vector<16xi32>
    %or3A_57 = arith.ori %and3A_50, %shift_left3A_56 : vector<16xi32>
    %and3A_58 = arith.constant 32767 : i32
    %and3A_59 = vector.broadcast %and3A_58 : i32 to vector<16xi32>
    %and3A_60 = arith.andi %get3A_47, %and3A_59 : vector<16xi32>
    %shift_right_arithmetic3A_61 = arith.constant 12 : i32
    %shift_right_arithmetic3A_62 = vector.broadcast %shift_right_arithmetic3A_61 : i32 to vector<16xi32>
    %shift_right_arithmetic3A_63 = arith.shrsi %and3A_60, %shift_right_arithmetic3A_62 : vector<16xi32>
    %or3A_64 = arith.ori %or3A_57, %shift_right_arithmetic3A_63 : vector<16xi32>
    %swap3A_65 = arith.constant 32 : index
    %swap3A_66 = tpu.vector_load %arg12[%swap3A_65] {strides = array<i32>} : memref<128xi32, #tpu.memory_space<vmem>>, vector<16xi32>,
    %swap3A_67 = vector.shape_cast %swap3A_66 : vector<16xi32> to vector<16xi32>
    %swap3A_68 = vector.shape_cast %or3A_64 : vector<16xi32> to vector<16xi32>
    tpu.vector_store %arg12[%swap3A_65], %swap3A_68 {strides = array<i32>} : memref<128xi32, #tpu.memory_space<vmem>>, vector<16xi32>,
    %get3A_69 = arith.constant 48 : index
    %get3A_70 = tpu.vector_load %arg11[%get3A_69] {strides = array<i32>} : memref<128xi32, #tpu.memory_space<vmem>>, vector<16xi32>,
    %get3A_71 = vector.shape_cast %get3A_70 : vector<16xi32> to vector<16xi32>
    %and3A_72 = arith.constant -32768 : i32
    %and3A_73 = vector.broadcast %and3A_72 : i32 to vector<16xi32>
    %and3A_74 = arith.andi %get3A_71, %and3A_73 : vector<16xi32>
    %and3A_75 = arith.constant 4095 : i32
    %and3A_76 = vector.broadcast %and3A_75 : i32 to vector<16xi32>
    %and3A_77 = arith.andi %get3A_71, %and3A_76 : vector<16xi32>
    %shift_left3A_78 = arith.constant 3 : i32
    %shift_left3A_79 = vector.broadcast %shift_left3A_78 : i32 to vector<16xi32>
    %shift_left3A_80 = arith.shli %and3A_77, %shift_left3A_79 : vector<16xi32>
    %or3A_81 = arith.ori %and3A_74, %shift_left3A_80 : vector<16xi32>
    %and3A_82 = arith.constant 32767 : i32
    %and3A_83 = vector.broadcast %and3A_82 : i32 to vector<16xi32>
    %and3A_84 = arith.andi %get3A_71, %and3A_83 : vector<16xi32>
    %shift_right_arithmetic3A_85 = arith.constant 12 : i32
    %shift_right_arithmetic3A_86 = vector.broadcast %shift_right_arithmetic3A_85 : i32 to vector<16xi32>
    %shift_right_arithmetic3A_87 = arith.shrsi %and3A_84, %shift_right_arithmetic3A_86 : vector<16xi32>
    %or3A_88 = arith.ori %or3A_81, %shift_right_arithmetic3A_87 : vector<16xi32>
    %swap3A_89 = arith.constant 48 : index
    %swap3A_90 = tpu.vector_load %arg12[%swap3A_89] {strides = array<i32>} : memref<128xi32, #tpu.memory_space<vmem>>, vector<16xi32>,
    %swap3A_91 = vector.shape_cast %swap3A_90 : vector<16xi32> to vector<16xi32>
    %swap3A_92 = vector.shape_cast %or3A_88 : vector<16xi32> to vector<16xi32>
    tpu.vector_store %arg12[%swap3A_89], %swap3A_92 {strides = array<i32>} : memref<128xi32, #tpu.memory_space<vmem>>, vector<16xi32>,
    %get3A_93 = arith.constant 64 : index
    %get3A_94 = tpu.vector_load %arg11[%get3A_93] {strides = array<i32>} : memref<128xi32, #tpu.memory_space<vmem>>, vector<16xi32>,
    %get3A_95 = vector.shape_cast %get3A_94 : vector<16xi32> to vector<16xi32>
    %and3A_96 = arith.constant -32768 : i32
    %and3A_97 = vector.broadcast %and3A_96 : i32 to vector<16xi32>
    %and3A_98 = arith.andi %get3A_95, %and3A_97 : vector<16xi32>
    %and3A_99 = arith.constant 4095 : i32
    %and3A_100 = vector.broadcast %and3A_99 : i32 to vector<16xi32>
    %and3A_101 = arith.andi %get3A_95, %and3A_100 : vector<16xi32>
    %shift_left3A_102 = arith.constant 3 : i32
    %shift_left3A_103 = vector.broadcast %shift_left3A_102 : i32 to vector<16xi32>
    %shift_left3A_104 = arith.shli %and3A_101, %shift_left3A_103 : vector<16xi32>
    %or3A_105 = arith.ori %and3A_98, %shift_left3A_104 : vector<16xi32>
    %and3A_106 = arith.constant 32767 : i32
    %and3A_107 = vector.broadcast %and3A_106 : i32 to vector<16xi32>
    %and3A_108 = arith.andi %get3A_95, %and3A_107 : vector<16xi32>
    %shift_right_arithmetic3A_109 = arith.constant 12 : i32
    %shift_right_arithmetic3A_110 = vector.broadcast %shift_right_arithmetic3A_109 : i32 to vector<16xi32>
    %shift_right_arithmetic3A_111 = arith.shrsi %and3A_108, %shift_right_arithmetic3A_110 : vector<16xi32>
    %or3A_112 = arith.ori %or3A_105, %shift_right_arithmetic3A_111 : vector<16xi32>
    %swap3A_113 = arith.constant 64 : index
    %swap3A_114 = tpu.vector_load %arg12[%swap3A_113] {strides = array<i32>} : memref<128xi32, #tpu.memory_space<vmem>>, vector<16xi32>,
    %swap3A_115 = vector.shape_cast %swap3A_114 : vector<16xi32> to vector<16xi32>
    %swap3A_116 = vector.shape_cast %or3A_112 : vector<16xi32> to vector<16xi32>
    tpu.vector_store %arg12[%swap3A_113], %swap3A_116 {strides = array<i32>} : memref<128xi32, #tpu.memory_space<vmem>>, vector<16xi32>,
    %get3A_117 = arith.constant 80 : index
    %get3A_118 = tpu.vector_load %arg11[%get3A_117] {strides = array<i32>} : memref<128xi32, #tpu.memory_space<vmem>>, vector<16xi32>,
    %get3A_119 = vector.shape_cast %get3A_118 : vector<16xi32> to vector<16xi32>
    %and3A_120 = arith.constant -32768 : i32
    %and3A_121 = vector.broadcast %and3A_120 : i32 to vector<16xi32>
    %and3A_122 = arith.andi %get3A_119, %and3A_121 : vector<16xi32>
    %and3A_123 = arith.constant 4095 : i32
    %and3A_124 = vector.broadcast %and3A_123 : i32 to vector<16xi32>
    %and3A_125 = arith.andi %get3A_119, %and3A_124 : vector<16xi32>
    %shift_left3A_126 = arith.constant 3 : i32
    %shift_left3A_127 = vector.broadcast %shift_left3A_126 : i32 to vector<16xi32>
    %shift_left3A_128 = arith.shli %and3A_125, %shift_left3A_127 : vector<16xi32>
    %or3A_129 = arith.ori %and3A_122, %shift_left3A_128 : vector<16xi32>
    %and3A_130 = arith.constant 32767 : i32
    %and3A_131 = vector.broadcast %and3A_130 : i32 to vector<16xi32>
    %and3A_132 = arith.andi %get3A_119, %and3A_131 : vector<16xi32>
    %shift_right_arithmetic3A_133 = arith.constant 12 : i32
    %shift_right_arithmetic3A_134 = vector.broadcast %shift_right_arithmetic3A_133 : i32 to vector<16xi32>
    %shift_right_arithmetic3A_135 = arith.shrsi %and3A_132, %shift_right_arithmetic3A_134 : vector<16xi32>
    %or3A_136 = arith.ori %or3A_129, %shift_right_arithmetic3A_135 : vector<16xi32>
    %swap3A_137 = arith.constant 80 : index
    %swap3A_138 = tpu.vector_load %arg12[%swap3A_137] {strides = array<i32>} : memref<128xi32, #tpu.memory_space<vmem>>, vector<16xi32>,
    %swap3A_139 = vector.shape_cast %swap3A_138 : vector<16xi32> to vector<16xi32>
    %swap3A_140 = vector.shape_cast %or3A_136 : vector<16xi32> to vector<16xi32>
    tpu.vector_store %arg12[%swap3A_137], %swap3A_140 {strides = array<i32>} : memref<128xi32, #tpu.memory_space<vmem>>, vector<16xi32>,
    %get3A_141 = arith.constant 96 : index
    %get3A_142 = tpu.vector_load %arg11[%get3A_141] {strides = array<i32>} : memref<128xi32, #tpu.memory_space<vmem>>, vector<16xi32>,
    %get3A_143 = vector.shape_cast %get3A_142 : vector<16xi32> to vector<16xi32>
    %and3A_144 = arith.constant -32768 : i32
    %and3A_145 = vector.broadcast %and3A_144 : i32 to vector<16xi32>
    %and3A_146 = arith.andi %get3A_143, %and3A_145 : vector<16xi32>
    %and3A_147 = arith.constant 4095 : i32
    %and3A_148 = vector.broadcast %and3A_147 : i32 to vector<16xi32>
    %and3A_149 = arith.andi %get3A_143, %and3A_148 : vector<16xi32>
    %shift_left3A_150 = arith.constant 3 : i32
    %shift_left3A_151 = vector.broadcast %shift_left3A_150 : i32 to vector<16xi32>
    %shift_left3A_152 = arith.shli %and3A_149, %shift_left3A_151 : vector<16xi32>
    %or3A_153 = arith.ori %and3A_146, %shift_left3A_152 : vector<16xi32>
    %and3A_154 = arith.constant 32767 : i32
    %and3A_155 = vector.broadcast %and3A_154 : i32 to vector<16xi32>
    %and3A_156 = arith.andi %get3A_143, %and3A_155 : vector<16xi32>
    %shift_right_arithmetic3A_157 = arith.constant 12 : i32
    %shift_right_arithmetic3A_158 = vector.broadcast %shift_right_arithmetic3A_157 : i32 to vector<16xi32>
    %shift_right_arithmetic3A_159 = arith.shrsi %and3A_156, %shift_right_arithmetic3A_158 : vector<16xi32>
    %or3A_160 = arith.ori %or3A_153, %shift_right_arithmetic3A_159 : vector<16xi32>
    %swap3A_161 = arith.constant 96 : index
    %swap3A_162 = tpu.vector_load %arg12[%swap3A_161] {strides = array<i32>} : memref<128xi32, #tpu.memory_space<vmem>>, vector<16xi32>,
    %swap3A_163 = vector.shape_cast %swap3A_162 : vector<16xi32> to vector<16xi32>
    %swap3A_164 = vector.shape_cast %or3A_160 : vector<16xi32> to vector<16xi32>
    tpu.vector_store %arg12[%swap3A_161], %swap3A_164 {strides = array<i32>} : memref<128xi32, #tpu.memory_space<vmem>>, vector<16xi32>,
    %get3A_165 = arith.constant 112 : index
    %get3A_166 = tpu.vector_load %arg11[%get3A_165] {strides = array<i32>} : memref<128xi32, #tpu.memory_space<vmem>>, vector<16xi32>,
    %get3A_167 = vector.shape_cast %get3A_166 : vector<16xi32> to vector<16xi32>
    %and3A_168 = arith.constant -32768 : i32
    %and3A_169 = vector.broadcast %and3A_168 : i32 to vector<16xi32>
    %and3A_170 = arith.andi %get3A_167, %and3A_169 : vector<16xi32>
    %and3A_171 = arith.constant 4095 : i32
    %and3A_172 = vector.broadcast %and3A_171 : i32 to vector<16xi32>
    %and3A_173 = arith.andi %get3A_167, %and3A_172 : vector<16xi32>
    %shift_left3A_174 = arith.constant 3 : i32
    %shift_left3A_175 = vector.broadcast %shift_left3A_174 : i32 to vector<16xi32>
    %shift_left3A_176 = arith.shli %and3A_173, %shift_left3A_175 : vector<16xi32>
    %or3A_177 = arith.ori %and3A_170, %shift_left3A_176 : vector<16xi32>
    %and3A_178 = arith.constant 32767 : i32
    %and3A_179 = vector.broadcast %and3A_178 : i32 to vector<16xi32>
    %and3A_180 = arith.andi %get3A_167, %and3A_179 : vector<16xi32>
    %shift_right_arithmetic3A_181 = arith.constant 12 : i32
    %shift_right_arithmetic3A_182 = vector.broadcast %shift_right_arithmetic3A_181 : i32 to vector<16xi32>
    %shift_right_arithmetic3A_183 = arith.shrsi %and3A_180, %shift_right_arithmetic3A_182 : vector<16xi32>
    %or3A_184 = arith.ori %or3A_177, %shift_right_arithmetic3A_183 : vector<16xi32>
    %swap3A_185 = arith.constant 112 : index
    %swap3A_186 = tpu.vector_load %arg12[%swap3A_185] {strides = array<i32>} : memref<128xi32, #tpu.memory_space<vmem>>, vector<16xi32>,
    %swap3A_187 = vector.shape_cast %swap3A_186 : vector<16xi32> to vector<16xi32>
    %swap3A_188 = vector.shape_cast %or3A_184 : vector<16xi32> to vector<16xi32>
    tpu.vector_store %arg12[%swap3A_185], %swap3A_188 {strides = array<i32>} : memref<128xi32, #tpu.memory_space<vmem>>, vector<16xi32>,
    %dma_start3A = arith.constant 0 : i32
    %dma_start3A_189 = arith.constant 0 : i32
    %dma_start3A_190 = tpu.memref_slice %arg5[%dma_start3A, %dma_start3A_189] : memref<1015808x16xf32, #tpu.memory_space<hbm>> -> memref<1015808x16xf32, #tpu.memory_space<hbm>>
    tpu.enqueue_indirect_dma source(%dma_start3A_190 : memref<1015808x16xf32, #tpu.memory_space<hbm>>) target(%arg13 : memref<128x16xf32, #tpu.memory_space<vmem>>) offsets(%arg12 : memref<128xi32, #tpu.memory_space<vmem>>) semaphore(%arg14 : memref<!tpu.dma_semaphore, #tpu.memory_space<semaphore_mem>>)
    %dma_wait3A = arith.constant 0 : i32
    %dma_wait3A_191 = arith.constant 0 : i32
    %dma_wait3A_192 = tpu.memref_slice %arg5[%dma_wait3A, %dma_wait3A_191] : memref<1015808x16xf32, #tpu.memory_space<hbm>> -> memref<1015808x16xf32, #tpu.memory_space<hbm>>
    tpu.wait_indirect_dma semaphore(%arg14 : memref<!tpu.dma_semaphore, #tpu.memory_space<semaphore_mem>>) src(%dma_wait3A_192 : memref<1015808x16xf32, #tpu.memory_space<hbm>>) dst(%arg13 : memref<128x16xf32, #tpu.memory_space<vmem>>)
    %mul3A_193 = arith.constant 128 : i32
    %mul3A_194 = arith.muli %add3A, %mul3A_193 : i32
    "tpu.region"() ({
      %run_scoped3A = tpu.sem_alloc : memref<!tpu.dma_semaphore, #tpu.memory_space<semaphore_mem>>
      %dma_start3A_199 = arith.constant 0 : i32
      %dma_start3A_200 = tpu.memref_slice %arg7[%mul3A_194, %dma_start3A_199] : memref<4096x16xf32, #tpu.memory_space<hbm>> -> memref<128x16xf32, #tpu.memory_space<hbm>>
      %dma_start3A_201 = arith.constant 0 : i32
      %dma_start3A_202 = tpu.memref_slice %arg7[%mul3A_194, %dma_start3A_201] : memref<4096x16xf32, #tpu.memory_space<hbm>> -> memref<128x16xf32, #tpu.memory_space<hbm>>
      tpu.enqueue_dma source(%arg13 : memref<128x16xf32, #tpu.memory_space<vmem>>) target(%dma_start3A_202 : memref<128x16xf32, #tpu.memory_space<hbm>>) target_semaphore(%run_scoped3A : memref<!tpu.dma_semaphore, #tpu.memory_space<semaphore_mem>>)
      %dma_wait3A_203 = arith.constant 0 : i32
      %dma_wait3A_204 = tpu.memref_slice %arg7[%mul3A_194, %dma_wait3A_203] : memref<4096x16xf32, #tpu.memory_space<hbm>> -> memref<128x16xf32, #tpu.memory_space<hbm>>
      %dma_wait3A_205 = arith.constant 0 : i32
      %dma_wait3A_206 = tpu.memref_slice %arg7[%mul3A_194, %dma_wait3A_205] : memref<4096x16xf32, #tpu.memory_space<hbm>> -> memref<128x16xf32, #tpu.memory_space<hbm>>
      tpu.wait_dma2 semaphore(%run_scoped3A : memref<!tpu.dma_semaphore, #tpu.memory_space<semaphore_mem>>) src(%arg13 : memref<128x16xf32, #tpu.memory_space<vmem>>) dst(%dma_wait3A_206 : memref<128x16xf32, #tpu.memory_space<hbm>>)
      tpu.yield
    }) : () -> ()
    %scan3A = arith.constant 0 : i32
    %scan3A_195 = arith.constant 25 : i32
    %scan3A_196 = arith.addi %scan3A, %scan3A_195 : i32
    %scan3A_197 = arith.constant 1 : i32
    scf.for %scan3A_199 = %scan3A to %scan3A_196 step %scan3A_197  : i32 {
      %mul3A_200 = arith.constant 1 : i32
      %mul3A_201 = arith.muli %scan3A_199, %mul3A_200 : i32
      %add3A_202 = arith.constant 0 : i32
      %add3A_203 = arith.addi %add3A_202, %mul3A_201 : i32
      %mul3A_204 = arith.constant 200 : i32
      %mul3A_205 = arith.muli %add3A, %mul3A_204 : i32
      %mul3A_206 = arith.constant 8 : i32
      %mul3A_207 = arith.muli %add3A_203, %mul3A_206 : i32
      %add3A_208 = arith.addi %mul3A_205, %mul3A_207 : i32
      %mul3A_209 = arith.constant 25600 : i32
      %mul3A_210 = arith.muli %add3A, %mul3A_209 : i32
      %mul3A_211 = arith.constant 1024 : i32
      %mul3A_212 = arith.muli %add3A_203, %mul3A_211 : i32
      %add3A_213 = arith.addi %mul3A_210, %mul3A_212 : i32
      "tpu.region"() ({
        %run_scoped3A = tpu.sem_alloc : memref<!tpu.dma_semaphore, #tpu.memory_space<semaphore_mem>>
        %dma_start3A_2166 = arith.constant 0 : i32
        %dma_start3A_2167 = tpu.memref_slice %arg2[%add3A_208, %dma_start3A_2166] : memref<6400x128xi32, #tpu.memory_space<hbm>> -> memref<8x128xi32, #tpu.memory_space<hbm>>
        %dma_start3A_2168 = arith.constant 0 : i32
        %dma_start3A_2169 = tpu.memref_slice %arg2[%add3A_208, %dma_start3A_2168] : memref<6400x128xi32, #tpu.memory_space<hbm>> -> memref<8x128xi32, #tpu.memory_space<hbm>>
        tpu.enqueue_dma source(%dma_start3A_2169 : memref<8x128xi32, #tpu.memory_space<hbm>>) target(%arg8 : memref<8x128xi32, #tpu.memory_space<vmem>>) target_semaphore(%run_scoped3A : memref<!tpu.dma_semaphore, #tpu.memory_space<semaphore_mem>>)
        %dma_wait3A_2170 = arith.constant 0 : i32
        %dma_wait3A_2171 = tpu.memref_slice %arg2[%add3A_208, %dma_wait3A_2170] : memref<6400x128xi32, #tpu.memory_space<hbm>> -> memref<8x128xi32, #tpu.memory_space<hbm>>
        %dma_wait3A_2172 = arith.constant 0 : i32
        %dma_wait3A_2173 = tpu.memref_slice %arg2[%add3A_208, %dma_wait3A_2172] : memref<6400x128xi32, #tpu.memory_space<hbm>> -> memref<8x128xi32, #tpu.memory_space<hbm>>
        tpu.wait_dma2 semaphore(%run_scoped3A : memref<!tpu.dma_semaphore, #tpu.memory_space<semaphore_mem>>) src(%dma_wait3A_2173 : memref<8x128xi32, #tpu.memory_space<hbm>>) dst(%arg8 : memref<8x128xi32, #tpu.memory_space<vmem>>)
        tpu.yield
      }) : () -> ()
      %get3A_214 = arith.constant 0 : i32
      %get3A_215 = arith.index_cast %get3A_214 : i32 to index
      %get3A_216 = arith.constant 0 : index
      %get3A_217 = tpu.vector_load %arg8[%get3A_215, %get3A_216] {strides = array<i32>} : memref<8x128xi32, #tpu.memory_space<vmem>>, vector<1x16xi32>,
      %get3A_218 = vector.shape_cast %get3A_217 : vector<1x16xi32> to vector<16xi32>
      %and3A_219 = arith.constant -32768 : i32
      %and3A_220 = vector.broadcast %and3A_219 : i32 to vector<16xi32>
      %and3A_221 = arith.andi %get3A_218, %and3A_220 : vector<16xi32>
      %and3A_222 = arith.constant 4095 : i32
      %and3A_223 = vector.broadcast %and3A_222 : i32 to vector<16xi32>
      %and3A_224 = arith.andi %get3A_218, %and3A_223 : vector<16xi32>
      %shift_left3A_225 = arith.constant 3 : i32
      %shift_left3A_226 = vector.broadcast %shift_left3A_225 : i32 to vector<16xi32>
      %shift_left3A_227 = arith.shli %and3A_224, %shift_left3A_226 : vector<16xi32>
      %or3A_228 = arith.ori %and3A_221, %shift_left3A_227 : vector<16xi32>
      %and3A_229 = arith.constant 32767 : i32
      %and3A_230 = vector.broadcast %and3A_229 : i32 to vector<16xi32>
      %and3A_231 = arith.andi %get3A_218, %and3A_230 : vector<16xi32>
      %shift_right_arithmetic3A_232 = arith.constant 12 : i32
      %shift_right_arithmetic3A_233 = vector.broadcast %shift_right_arithmetic3A_232 : i32 to vector<16xi32>
      %shift_right_arithmetic3A_234 = arith.shrsi %and3A_231, %shift_right_arithmetic3A_233 : vector<16xi32>
      %or3A_235 = arith.ori %or3A_228, %shift_right_arithmetic3A_234 : vector<16xi32>
      %swap3A_236 = arith.constant 0 : i32
      %swap3A_237 = arith.index_cast %swap3A_236 : i32 to index
      %swap3A_238 = arith.constant 0 : index
      %swap3A_239 = tpu.vector_load %arg9[%swap3A_237, %swap3A_238] {strides = array<i32>} : memref<8x128xi32, #tpu.memory_space<vmem>>, vector<1x16xi32>,
      %swap3A_240 = vector.shape_cast %swap3A_239 : vector<1x16xi32> to vector<16xi32>
      %swap3A_241 = vector.shape_cast %or3A_235 : vector<16xi32> to vector<1x16xi32>
      tpu.vector_store %arg9[%swap3A_237, %swap3A_238], %swap3A_241 {strides = array<i32>} : memref<8x128xi32, #tpu.memory_space<vmem>>, vector<1x16xi32>,
      %get3A_242 = arith.constant 0 : i32
      %get3A_243 = arith.index_cast %get3A_242 : i32 to index
      %get3A_244 = arith.constant 16 : index
      %get3A_245 = tpu.vector_load %arg8[%get3A_243, %get3A_244] {strides = array<i32>} : memref<8x128xi32, #tpu.memory_space<vmem>>, vector<1x16xi32>,
      %get3A_246 = vector.shape_cast %get3A_245 : vector<1x16xi32> to vector<16xi32>
      %and3A_247 = arith.constant -32768 : i32
      %and3A_248 = vector.broadcast %and3A_247 : i32 to vector<16xi32>
      %and3A_249 = arith.andi %get3A_246, %and3A_248 : vector<16xi32>
      %and3A_250 = arith.constant 4095 : i32
      %and3A_251 = vector.broadcast %and3A_250 : i32 to vector<16xi32>
      %and3A_252 = arith.andi %get3A_246, %and3A_251 : vector<16xi32>
      %shift_left3A_253 = arith.constant 3 : i32
      %shift_left3A_254 = vector.broadcast %shift_left3A_253 : i32 to vector<16xi32>
      %shift_left3A_255 = arith.shli %and3A_252, %shift_left3A_254 : vector<16xi32>
      %or3A_256 = arith.ori %and3A_249, %shift_left3A_255 : vector<16xi32>
      %and3A_257 = arith.constant 32767 : i32
      %and3A_258 = vector.broadcast %and3A_257 : i32 to vector<16xi32>
      %and3A_259 = arith.andi %get3A_246, %and3A_258 : vector<16xi32>
      %shift_right_arithmetic3A_260 = arith.constant 12 : i32
      %shift_right_arithmetic3A_261 = vector.broadcast %shift_right_arithmetic3A_260 : i32 to vector<16xi32>
      %shift_right_arithmetic3A_262 = arith.shrsi %and3A_259, %shift_right_arithmetic3A_261 : vector<16xi32>
      %or3A_263 = arith.ori %or3A_256, %shift_right_arithmetic3A_262 : vector<16xi32>
      %swap3A_264 = arith.constant 0 : i32
      %swap3A_265 = arith.index_cast %swap3A_264 : i32 to index
      %swap3A_266 = arith.constant 16 : index
      %swap3A_267 = tpu.vector_load %arg9[%swap3A_265, %swap3A_266] {strides = array<i32>} : memref<8x128xi32, #tpu.memory_space<vmem>>, vector<1x16xi32>,
      %swap3A_268 = vector.shape_cast %swap3A_267 : vector<1x16xi32> to vector<16xi32>
      %swap3A_269 = vector.shape_cast %or3A_263 : vector<16xi32> to vector<1x16xi32>
      tpu.vector_store %arg9[%swap3A_265, %swap3A_266], %swap3A_269 {strides = array<i32>} : memref<8x128xi32, #tpu.memory_space<vmem>>, vector<1x16xi32>,
      %get3A_270 = arith.constant 0 : i32
      %get3A_271 = arith.index_cast %get3A_270 : i32 to index
      %get3A_272 = arith.constant 32 : index
      %get3A_273 = tpu.vector_load %arg8[%get3A_271, %get3A_272] {strides = array<i32>} : memref<8x128xi32, #tpu.memory_space<vmem>>, vector<1x16xi32>,
      %get3A_274 = vector.shape_cast %get3A_273 : vector<1x16xi32> to vector<16xi32>
      %and3A_275 = arith.constant -32768 : i32
      %and3A_276 = vector.broadcast %and3A_275 : i32 to vector<16xi32>
      %and3A_277 = arith.andi %get3A_274, %and3A_276 : vector<16xi32>
      %and3A_278 = arith.constant 4095 : i32
      %and3A_279 = vector.broadcast %and3A_278 : i32 to vector<16xi32>
      %and3A_280 = arith.andi %get3A_274, %and3A_279 : vector<16xi32>
      %shift_left3A_281 = arith.constant 3 : i32
      %shift_left3A_282 = vector.broadcast %shift_left3A_281 : i32 to vector<16xi32>
      %shift_left3A_283 = arith.shli %and3A_280, %shift_left3A_282 : vector<16xi32>
      %or3A_284 = arith.ori %and3A_277, %shift_left3A_283 : vector<16xi32>
      %and3A_285 = arith.constant 32767 : i32
      %and3A_286 = vector.broadcast %and3A_285 : i32 to vector<16xi32>
      %and3A_287 = arith.andi %get3A_274, %and3A_286 : vector<16xi32>
      %shift_right_arithmetic3A_288 = arith.constant 12 : i32
      %shift_right_arithmetic3A_289 = vector.broadcast %shift_right_arithmetic3A_288 : i32 to vector<16xi32>
      %shift_right_arithmetic3A_290 = arith.shrsi %and3A_287, %shift_right_arithmetic3A_289 : vector<16xi32>
      %or3A_291 = arith.ori %or3A_284, %shift_right_arithmetic3A_290 : vector<16xi32>
      %swap3A_292 = arith.constant 0 : i32
      %swap3A_293 = arith.index_cast %swap3A_292 : i32 to index
      %swap3A_294 = arith.constant 32 : index
      %swap3A_295 = tpu.vector_load %arg9[%swap3A_293, %swap3A_294] {strides = array<i32>} : memref<8x128xi32, #tpu.memory_space<vmem>>, vector<1x16xi32>,
      %swap3A_296 = vector.shape_cast %swap3A_295 : vector<1x16xi32> to vector<16xi32>
      %swap3A_297 = vector.shape_cast %or3A_291 : vector<16xi32> to vector<1x16xi32>
      tpu.vector_store %arg9[%swap3A_293, %swap3A_294], %swap3A_297 {strides = array<i32>} : memref<8x128xi32, #tpu.memory_space<vmem>>, vector<1x16xi32>,
      %get3A_298 = arith.constant 0 : i32
      %get3A_299 = arith.index_cast %get3A_298 : i32 to index
      %get3A_300 = arith.constant 48 : index
      %get3A_301 = tpu.vector_load %arg8[%get3A_299, %get3A_300] {strides = array<i32>} : memref<8x128xi32, #tpu.memory_space<vmem>>, vector<1x16xi32>,
      %get3A_302 = vector.shape_cast %get3A_301 : vector<1x16xi32> to vector<16xi32>
      %and3A_303 = arith.constant -32768 : i32
      %and3A_304 = vector.broadcast %and3A_303 : i32 to vector<16xi32>
      %and3A_305 = arith.andi %get3A_302, %and3A_304 : vector<16xi32>
      %and3A_306 = arith.constant 4095 : i32
      %and3A_307 = vector.broadcast %and3A_306 : i32 to vector<16xi32>
      %and3A_308 = arith.andi %get3A_302, %and3A_307 : vector<16xi32>
      %shift_left3A_309 = arith.constant 3 : i32
      %shift_left3A_310 = vector.broadcast %shift_left3A_309 : i32 to vector<16xi32>
      %shift_left3A_311 = arith.shli %and3A_308, %shift_left3A_310 : vector<16xi32>
      %or3A_312 = arith.ori %and3A_305, %shift_left3A_311 : vector<16xi32>
      %and3A_313 = arith.constant 32767 : i32
      %and3A_314 = vector.broadcast %and3A_313 : i32 to vector<16xi32>
      %and3A_315 = arith.andi %get3A_302, %and3A_314 : vector<16xi32>
      %shift_right_arithmetic3A_316 = arith.constant 12 : i32
      %shift_right_arithmetic3A_317 = vector.broadcast %shift_right_arithmetic3A_316 : i32 to vector<16xi32>
      %shift_right_arithmetic3A_318 = arith.shrsi %and3A_315, %shift_right_arithmetic3A_317 : vector<16xi32>
      %or3A_319 = arith.ori %or3A_312, %shift_right_arithmetic3A_318 : vector<16xi32>
      %swap3A_320 = arith.constant 0 : i32
      %swap3A_321 = arith.index_cast %swap3A_320 : i32 to index
      %swap3A_322 = arith.constant 48 : index
      %swap3A_323 = tpu.vector_load %arg9[%swap3A_321, %swap3A_322] {strides = array<i32>} : memref<8x128xi32, #tpu.memory_space<vmem>>, vector<1x16xi32>,
      %swap3A_324 = vector.shape_cast %swap3A_323 : vector<1x16xi32> to vector<16xi32>
      %swap3A_325 = vector.shape_cast %or3A_319 : vector<16xi32> to vector<1x16xi32>
      tpu.vector_store %arg9[%swap3A_321, %swap3A_322], %swap3A_325 {strides = array<i32>} : memref<8x128xi32, #tpu.memory_space<vmem>>, vector<1x16xi32>,
      %get3A_326 = arith.constant 0 : i32
      %get3A_327 = arith.index_cast %get3A_326 : i32 to index
      %get3A_328 = arith.constant 64 : index
      %get3A_329 = tpu.vector_load %arg8[%get3A_327, %get3A_328] {strides = array<i32>} : memref<8x128xi32, #tpu.memory_space<vmem>>, vector<1x16xi32>,
      %get3A_330 = vector.shape_cast %get3A_329 : vector<1x16xi32> to vector<16xi32>
      %and3A_331 = arith.constant -32768 : i32
      %and3A_332 = vector.broadcast %and3A_331 : i32 to vector<16xi32>
      %and3A_333 = arith.andi %get3A_330, %and3A_332 : vector<16xi32>
      %and3A_334 = arith.constant 4095 : i32
      %and3A_335 = vector.broadcast %and3A_334 : i32 to vector<16xi32>
      %and3A_336 = arith.andi %get3A_330, %and3A_335 : vector<16xi32>
      %shift_left3A_337 = arith.constant 3 : i32
      %shift_left3A_338 = vector.broadcast %shift_left3A_337 : i32 to vector<16xi32>
      %shift_left3A_339 = arith.shli %and3A_336, %shift_left3A_338 : vector<16xi32>
      %or3A_340 = arith.ori %and3A_333, %shift_left3A_339 : vector<16xi32>
      %and3A_341 = arith.constant 32767 : i32
      %and3A_342 = vector.broadcast %and3A_341 : i32 to vector<16xi32>
      %and3A_343 = arith.andi %get3A_330, %and3A_342 : vector<16xi32>
      %shift_right_arithmetic3A_344 = arith.constant 12 : i32
      %shift_right_arithmetic3A_345 = vector.broadcast %shift_right_arithmetic3A_344 : i32 to vector<16xi32>
      %shift_right_arithmetic3A_346 = arith.shrsi %and3A_343, %shift_right_arithmetic3A_345 : vector<16xi32>
      %or3A_347 = arith.ori %or3A_340, %shift_right_arithmetic3A_346 : vector<16xi32>
      %swap3A_348 = arith.constant 0 : i32
      %swap3A_349 = arith.index_cast %swap3A_348 : i32 to index
      %swap3A_350 = arith.constant 64 : index
      %swap3A_351 = tpu.vector_load %arg9[%swap3A_349, %swap3A_350] {strides = array<i32>} : memref<8x128xi32, #tpu.memory_space<vmem>>, vector<1x16xi32>,
      %swap3A_352 = vector.shape_cast %swap3A_351 : vector<1x16xi32> to vector<16xi32>
      %swap3A_353 = vector.shape_cast %or3A_347 : vector<16xi32> to vector<1x16xi32>
      tpu.vector_store %arg9[%swap3A_349, %swap3A_350], %swap3A_353 {strides = array<i32>} : memref<8x128xi32, #tpu.memory_space<vmem>>, vector<1x16xi32>,
      %get3A_354 = arith.constant 0 : i32
      %get3A_355 = arith.index_cast %get3A_354 : i32 to index
      %get3A_356 = arith.constant 80 : index
      %get3A_357 = tpu.vector_load %arg8[%get3A_355, %get3A_356] {strides = array<i32>} : memref<8x128xi32, #tpu.memory_space<vmem>>, vector<1x16xi32>,
      %get3A_358 = vector.shape_cast %get3A_357 : vector<1x16xi32> to vector<16xi32>
      %and3A_359 = arith.constant -32768 : i32
      %and3A_360 = vector.broadcast %and3A_359 : i32 to vector<16xi32>
      %and3A_361 = arith.andi %get3A_358, %and3A_360 : vector<16xi32>
      %and3A_362 = arith.constant 4095 : i32
      %and3A_363 = vector.broadcast %and3A_362 : i32 to vector<16xi32>
      %and3A_364 = arith.andi %get3A_358, %and3A_363 : vector<16xi32>
      %shift_left3A_365 = arith.constant 3 : i32
      %shift_left3A_366 = vector.broadcast %shift_left3A_365 : i32 to vector<16xi32>
      %shift_left3A_367 = arith.shli %and3A_364, %shift_left3A_366 : vector<16xi32>
      %or3A_368 = arith.ori %and3A_361, %shift_left3A_367 : vector<16xi32>
      %and3A_369 = arith.constant 32767 : i32
      %and3A_370 = vector.broadcast %and3A_369 : i32 to vector<16xi32>
      %and3A_371 = arith.andi %get3A_358, %and3A_370 : vector<16xi32>
      %shift_right_arithmetic3A_372 = arith.constant 12 : i32
      %shift_right_arithmetic3A_373 = vector.broadcast %shift_right_arithmetic3A_372 : i32 to vector<16xi32>
      %shift_right_arithmetic3A_374 = arith.shrsi %and3A_371, %shift_right_arithmetic3A_373 : vector<16xi32>
      %or3A_375 = arith.ori %or3A_368, %shift_right_arithmetic3A_374 : vector<16xi32>
      %swap3A_376 = arith.constant 0 : i32
      %swap3A_377 = arith.index_cast %swap3A_376 : i32 to index
      %swap3A_378 = arith.constant 80 : index
      %swap3A_379 = tpu.vector_load %arg9[%swap3A_377, %swap3A_378] {strides = array<i32>} : memref<8x128xi32, #tpu.memory_space<vmem>>, vector<1x16xi32>,
      %swap3A_380 = vector.shape_cast %swap3A_379 : vector<1x16xi32> to vector<16xi32>
      %swap3A_381 = vector.shape_cast %or3A_375 : vector<16xi32> to vector<1x16xi32>
      tpu.vector_store %arg9[%swap3A_377, %swap3A_378], %swap3A_381 {strides = array<i32>} : memref<8x128xi32, #tpu.memory_space<vmem>>, vector<1x16xi32>,
      %get3A_382 = arith.constant 0 : i32
      %get3A_383 = arith.index_cast %get3A_382 : i32 to index
      %get3A_384 = arith.constant 96 : index
      %get3A_385 = tpu.vector_load %arg8[%get3A_383, %get3A_384] {strides = array<i32>} : memref<8x128xi32, #tpu.memory_space<vmem>>, vector<1x16xi32>,
      %get3A_386 = vector.shape_cast %get3A_385 : vector<1x16xi32> to vector<16xi32>
      %and3A_387 = arith.constant -32768 : i32
      %and3A_388 = vector.broadcast %and3A_387 : i32 to vector<16xi32>
      %and3A_389 = arith.andi %get3A_386, %and3A_388 : vector<16xi32>
      %and3A_390 = arith.constant 4095 : i32
      %and3A_391 = vector.broadcast %and3A_390 : i32 to vector<16xi32>
      %and3A_392 = arith.andi %get3A_386, %and3A_391 : vector<16xi32>
      %shift_left3A_393 = arith.constant 3 : i32
      %shift_left3A_394 = vector.broadcast %shift_left3A_393 : i32 to vector<16xi32>
      %shift_left3A_395 = arith.shli %and3A_392, %shift_left3A_394 : vector<16xi32>
      %or3A_396 = arith.ori %and3A_389, %shift_left3A_395 : vector<16xi32>
      %and3A_397 = arith.constant 32767 : i32
      %and3A_398 = vector.broadcast %and3A_397 : i32 to vector<16xi32>
      %and3A_399 = arith.andi %get3A_386, %and3A_398 : vector<16xi32>
      %shift_right_arithmetic3A_400 = arith.constant 12 : i32
      %shift_right_arithmetic3A_401 = vector.broadcast %shift_right_arithmetic3A_400 : i32 to vector<16xi32>
      %shift_right_arithmetic3A_402 = arith.shrsi %and3A_399, %shift_right_arithmetic3A_401 : vector<16xi32>
      %or3A_403 = arith.ori %or3A_396, %shift_right_arithmetic3A_402 : vector<16xi32>
      %swap3A_404 = arith.constant 0 : i32
      %swap3A_405 = arith.index_cast %swap3A_404 : i32 to index
      %swap3A_406 = arith.constant 96 : index
      %swap3A_407 = tpu.vector_load %arg9[%swap3A_405, %swap3A_406] {strides = array<i32>} : memref<8x128xi32, #tpu.memory_space<vmem>>, vector<1x16xi32>,
      %swap3A_408 = vector.shape_cast %swap3A_407 : vector<1x16xi32> to vector<16xi32>
      %swap3A_409 = vector.shape_cast %or3A_403 : vector<16xi32> to vector<1x16xi32>
      tpu.vector_store %arg9[%swap3A_405, %swap3A_406], %swap3A_409 {strides = array<i32>} : memref<8x128xi32, #tpu.memory_space<vmem>>, vector<1x16xi32>,
      %get3A_410 = arith.constant 0 : i32
      %get3A_411 = arith.index_cast %get3A_410 : i32 to index
      %get3A_412 = arith.constant 112 : index
      %get3A_413 = tpu.vector_load %arg8[%get3A_411, %get3A_412] {strides = array<i32>} : memref<8x128xi32, #tpu.memory_space<vmem>>, vector<1x16xi32>,
      %get3A_414 = vector.shape_cast %get3A_413 : vector<1x16xi32> to vector<16xi32>
      %and3A_415 = arith.constant -32768 : i32
      %and3A_416 = vector.broadcast %and3A_415 : i32 to vector<16xi32>
      %and3A_417 = arith.andi %get3A_414, %and3A_416 : vector<16xi32>
      %and3A_418 = arith.constant 4095 : i32
      %and3A_419 = vector.broadcast %and3A_418 : i32 to vector<16xi32>
      %and3A_420 = arith.andi %get3A_414, %and3A_419 : vector<16xi32>
      %shift_left3A_421 = arith.constant 3 : i32
      %shift_left3A_422 = vector.broadcast %shift_left3A_421 : i32 to vector<16xi32>
      %shift_left3A_423 = arith.shli %and3A_420, %shift_left3A_422 : vector<16xi32>
      %or3A_424 = arith.ori %and3A_417, %shift_left3A_423 : vector<16xi32>
      %and3A_425 = arith.constant 32767 : i32
      %and3A_426 = vector.broadcast %and3A_425 : i32 to vector<16xi32>
      %and3A_427 = arith.andi %get3A_414, %and3A_426 : vector<16xi32>
      %shift_right_arithmetic3A_428 = arith.constant 12 : i32
      %shift_right_arithmetic3A_429 = vector.broadcast %shift_right_arithmetic3A_428 : i32 to vector<16xi32>
      %shift_right_arithmetic3A_430 = arith.shrsi %and3A_427, %shift_right_arithmetic3A_429 : vector<16xi32>
      %or3A_431 = arith.ori %or3A_424, %shift_right_arithmetic3A_430 : vector<16xi32>
      %swap3A_432 = arith.constant 0 : i32
      %swap3A_433 = arith.index_cast %swap3A_432 : i32 to index
      %swap3A_434 = arith.constant 112 : index
      %swap3A_435 = tpu.vector_load %arg9[%swap3A_433, %swap3A_434] {strides = array<i32>} : memref<8x128xi32, #tpu.memory_space<vmem>>, vector<1x16xi32>,
      %swap3A_436 = vector.shape_cast %swap3A_435 : vector<1x16xi32> to vector<16xi32>
      %swap3A_437 = vector.shape_cast %or3A_431 : vector<16xi32> to vector<1x16xi32>
      tpu.vector_store %arg9[%swap3A_433, %swap3A_434], %swap3A_437 {strides = array<i32>} : memref<8x128xi32, #tpu.memory_space<vmem>>, vector<1x16xi32>,
      %get3A_438 = arith.constant 1 : i32
      %get3A_439 = arith.index_cast %get3A_438 : i32 to index
      %get3A_440 = arith.constant 0 : index
      %get3A_441 = tpu.vector_load %arg8[%get3A_439, %get3A_440] {strides = array<i32>} : memref<8x128xi32, #tpu.memory_space<vmem>>, vector<1x16xi32>,
      %get3A_442 = vector.shape_cast %get3A_441 : vector<1x16xi32> to vector<16xi32>
      %and3A_443 = arith.constant -32768 : i32
      %and3A_444 = vector.broadcast %and3A_443 : i32 to vector<16xi32>
      %and3A_445 = arith.andi %get3A_442, %and3A_444 : vector<16xi32>
      %and3A_446 = arith.constant 4095 : i32
      %and3A_447 = vector.broadcast %and3A_446 : i32 to vector<16xi32>
      %and3A_448 = arith.andi %get3A_442, %and3A_447 : vector<16xi32>
      %shift_left3A_449 = arith.constant 3 : i32
      %shift_left3A_450 = vector.broadcast %shift_left3A_449 : i32 to vector<16xi32>
      %shift_left3A_451 = arith.shli %and3A_448, %shift_left3A_450 : vector<16xi32>
      %or3A_452 = arith.ori %and3A_445, %shift_left3A_451 : vector<16xi32>
      %and3A_453 = arith.constant 32767 : i32
      %and3A_454 = vector.broadcast %and3A_453 : i32 to vector<16xi32>
      %and3A_455 = arith.andi %get3A_442, %and3A_454 : vector<16xi32>
      %shift_right_arithmetic3A_456 = arith.constant 12 : i32
      %shift_right_arithmetic3A_457 = vector.broadcast %shift_right_arithmetic3A_456 : i32 to vector<16xi32>
      %shift_right_arithmetic3A_458 = arith.shrsi %and3A_455, %shift_right_arithmetic3A_457 : vector<16xi32>
      %or3A_459 = arith.ori %or3A_452, %shift_right_arithmetic3A_458 : vector<16xi32>
      %swap3A_460 = arith.constant 1 : i32
      %swap3A_461 = arith.index_cast %swap3A_460 : i32 to index
      %swap3A_462 = arith.constant 0 : index
      %swap3A_463 = tpu.vector_load %arg9[%swap3A_461, %swap3A_462] {strides = array<i32>} : memref<8x128xi32, #tpu.memory_space<vmem>>, vector<1x16xi32>,
      %swap3A_464 = vector.shape_cast %swap3A_463 : vector<1x16xi32> to vector<16xi32>
      %swap3A_465 = vector.shape_cast %or3A_459 : vector<16xi32> to vector<1x16xi32>
      tpu.vector_store %arg9[%swap3A_461, %swap3A_462], %swap3A_465 {strides = array<i32>} : memref<8x128xi32, #tpu.memory_space<vmem>>, vector<1x16xi32>,
      %get3A_466 = arith.constant 1 : i32
      %get3A_467 = arith.index_cast %get3A_466 : i32 to index
      %get3A_468 = arith.constant 16 : index
      %get3A_469 = tpu.vector_load %arg8[%get3A_467, %get3A_468] {strides = array<i32>} : memref<8x128xi32, #tpu.memory_space<vmem>>, vector<1x16xi32>,
      %get3A_470 = vector.shape_cast %get3A_469 : vector<1x16xi32> to vector<16xi32>
      %and3A_471 = arith.constant -32768 : i32
      %and3A_472 = vector.broadcast %and3A_471 : i32 to vector<16xi32>
      %and3A_473 = arith.andi %get3A_470, %and3A_472 : vector<16xi32>
      %and3A_474 = arith.constant 4095 : i32
      %and3A_475 = vector.broadcast %and3A_474 : i32 to vector<16xi32>
      %and3A_476 = arith.andi %get3A_470, %and3A_475 : vector<16xi32>
      %shift_left3A_477 = arith.constant 3 : i32
      %shift_left3A_478 = vector.broadcast %shift_left3A_477 : i32 to vector<16xi32>
      %shift_left3A_479 = arith.shli %and3A_476, %shift_left3A_478 : vector<16xi32>
      %or3A_480 = arith.ori %and3A_473, %shift_left3A_479 : vector<16xi32>
      %and3A_481 = arith.constant 32767 : i32
      %and3A_482 = vector.broadcast %and3A_481 : i32 to vector<16xi32>
      %and3A_483 = arith.andi %get3A_470, %and3A_482 : vector<16xi32>
      %shift_right_arithmetic3A_484 = arith.constant 12 : i32
      %shift_right_arithmetic3A_485 = vector.broadcast %shift_right_arithmetic3A_484 : i32 to vector<16xi32>
      %shift_right_arithmetic3A_486 = arith.shrsi %and3A_483, %shift_right_arithmetic3A_485 : vector<16xi32>
      %or3A_487 = arith.ori %or3A_480, %shift_right_arithmetic3A_486 : vector<16xi32>
      %swap3A_488 = arith.constant 1 : i32
      %swap3A_489 = arith.index_cast %swap3A_488 : i32 to index
      %swap3A_490 = arith.constant 16 : index
      %swap3A_491 = tpu.vector_load %arg9[%swap3A_489, %swap3A_490] {strides = array<i32>} : memref<8x128xi32, #tpu.memory_space<vmem>>, vector<1x16xi32>,
      %swap3A_492 = vector.shape_cast %swap3A_491 : vector<1x16xi32> to vector<16xi32>
      %swap3A_493 = vector.shape_cast %or3A_487 : vector<16xi32> to vector<1x16xi32>
      tpu.vector_store %arg9[%swap3A_489, %swap3A_490], %swap3A_493 {strides = array<i32>} : memref<8x128xi32, #tpu.memory_space<vmem>>, vector<1x16xi32>,
      %get3A_494 = arith.constant 1 : i32
      %get3A_495 = arith.index_cast %get3A_494 : i32 to index
      %get3A_496 = arith.constant 32 : index
      %get3A_497 = tpu.vector_load %arg8[%get3A_495, %get3A_496] {strides = array<i32>} : memref<8x128xi32, #tpu.memory_space<vmem>>, vector<1x16xi32>,
      %get3A_498 = vector.shape_cast %get3A_497 : vector<1x16xi32> to vector<16xi32>
      %and3A_499 = arith.constant -32768 : i32
      %and3A_500 = vector.broadcast %and3A_499 : i32 to vector<16xi32>
      %and3A_501 = arith.andi %get3A_498, %and3A_500 : vector<16xi32>
      %and3A_502 = arith.constant 4095 : i32
      %and3A_503 = vector.broadcast %and3A_502 : i32 to vector<16xi32>
      %and3A_504 = arith.andi %get3A_498, %and3A_503 : vector<16xi32>
      %shift_left3A_505 = arith.constant 3 : i32
      %shift_left3A_506 = vector.broadcast %shift_left3A_505 : i32 to vector<16xi32>
      %shift_left3A_507 = arith.shli %and3A_504, %shift_left3A_506 : vector<16xi32>
      %or3A_508 = arith.ori %and3A_501, %shift_left3A_507 : vector<16xi32>
      %and3A_509 = arith.constant 32767 : i32
      %and3A_510 = vector.broadcast %and3A_509 : i32 to vector<16xi32>
      %and3A_511 = arith.andi %get3A_498, %and3A_510 : vector<16xi32>
      %shift_right_arithmetic3A_512 = arith.constant 12 : i32
      %shift_right_arithmetic3A_513 = vector.broadcast %shift_right_arithmetic3A_512 : i32 to vector<16xi32>
      %shift_right_arithmetic3A_514 = arith.shrsi %and3A_511, %shift_right_arithmetic3A_513 : vector<16xi32>
      %or3A_515 = arith.ori %or3A_508, %shift_right_arithmetic3A_514 : vector<16xi32>
      %swap3A_516 = arith.constant 1 : i32
      %swap3A_517 = arith.index_cast %swap3A_516 : i32 to index
      %swap3A_518 = arith.constant 32 : index
      %swap3A_519 = tpu.vector_load %arg9[%swap3A_517, %swap3A_518] {strides = array<i32>} : memref<8x128xi32, #tpu.memory_space<vmem>>, vector<1x16xi32>,
      %swap3A_520 = vector.shape_cast %swap3A_519 : vector<1x16xi32> to vector<16xi32>
      %swap3A_521 = vector.shape_cast %or3A_515 : vector<16xi32> to vector<1x16xi32>
      tpu.vector_store %arg9[%swap3A_517, %swap3A_518], %swap3A_521 {strides = array<i32>} : memref<8x128xi32, #tpu.memory_space<vmem>>, vector<1x16xi32>,
      %get3A_522 = arith.constant 1 : i32
      %get3A_523 = arith.index_cast %get3A_522 : i32 to index
      %get3A_524 = arith.constant 48 : index
      %get3A_525 = tpu.vector_load %arg8[%get3A_523, %get3A_524] {strides = array<i32>} : memref<8x128xi32, #tpu.memory_space<vmem>>, vector<1x16xi32>,
      %get3A_526 = vector.shape_cast %get3A_525 : vector<1x16xi32> to vector<16xi32>
      %and3A_527 = arith.constant -32768 : i32
      %and3A_528 = vector.broadcast %and3A_527 : i32 to vector<16xi32>
      %and3A_529 = arith.andi %get3A_526, %and3A_528 : vector<16xi32>
      %and3A_530 = arith.constant 4095 : i32
      %and3A_531 = vector.broadcast %and3A_530 : i32 to vector<16xi32>
      %and3A_532 = arith.andi %get3A_526, %and3A_531 : vector<16xi32>
      %shift_left3A_533 = arith.constant 3 : i32
      %shift_left3A_534 = vector.broadcast %shift_left3A_533 : i32 to vector<16xi32>
      %shift_left3A_535 = arith.shli %and3A_532, %shift_left3A_534 : vector<16xi32>
      %or3A_536 = arith.ori %and3A_529, %shift_left3A_535 : vector<16xi32>
      %and3A_537 = arith.constant 32767 : i32
      %and3A_538 = vector.broadcast %and3A_537 : i32 to vector<16xi32>
      %and3A_539 = arith.andi %get3A_526, %and3A_538 : vector<16xi32>
      %shift_right_arithmetic3A_540 = arith.constant 12 : i32
      %shift_right_arithmetic3A_541 = vector.broadcast %shift_right_arithmetic3A_540 : i32 to vector<16xi32>
      %shift_right_arithmetic3A_542 = arith.shrsi %and3A_539, %shift_right_arithmetic3A_541 : vector<16xi32>
      %or3A_543 = arith.ori %or3A_536, %shift_right_arithmetic3A_542 : vector<16xi32>
      %swap3A_544 = arith.constant 1 : i32
      %swap3A_545 = arith.index_cast %swap3A_544 : i32 to index
      %swap3A_546 = arith.constant 48 : index
      %swap3A_547 = tpu.vector_load %arg9[%swap3A_545, %swap3A_546] {strides = array<i32>} : memref<8x128xi32, #tpu.memory_space<vmem>>, vector<1x16xi32>,
      %swap3A_548 = vector.shape_cast %swap3A_547 : vector<1x16xi32> to vector<16xi32>
      %swap3A_549 = vector.shape_cast %or3A_543 : vector<16xi32> to vector<1x16xi32>
      tpu.vector_store %arg9[%swap3A_545, %swap3A_546], %swap3A_549 {strides = array<i32>} : memref<8x128xi32, #tpu.memory_space<vmem>>, vector<1x16xi32>,
      %get3A_550 = arith.constant 1 : i32
      %get3A_551 = arith.index_cast %get3A_550 : i32 to index
      %get3A_552 = arith.constant 64 : index
      %get3A_553 = tpu.vector_load %arg8[%get3A_551, %get3A_552] {strides = array<i32>} : memref<8x128xi32, #tpu.memory_space<vmem>>, vector<1x16xi32>,
      %get3A_554 = vector.shape_cast %get3A_553 : vector<1x16xi32> to vector<16xi32>
      %and3A_555 = arith.constant -32768 : i32
      %and3A_556 = vector.broadcast %and3A_555 : i32 to vector<16xi32>
      %and3A_557 = arith.andi %get3A_554, %and3A_556 : vector<16xi32>
      %and3A_558 = arith.constant 4095 : i32
      %and3A_559 = vector.broadcast %and3A_558 : i32 to vector<16xi32>
      %and3A_560 = arith.andi %get3A_554, %and3A_559 : vector<16xi32>
      %shift_left3A_561 = arith.constant 3 : i32
      %shift_left3A_562 = vector.broadcast %shift_left3A_561 : i32 to vector<16xi32>
      %shift_left3A_563 = arith.shli %and3A_560, %shift_left3A_562 : vector<16xi32>
      %or3A_564 = arith.ori %and3A_557, %shift_left3A_563 : vector<16xi32>
      %and3A_565 = arith.constant 32767 : i32
      %and3A_566 = vector.broadcast %and3A_565 : i32 to vector<16xi32>
      %and3A_567 = arith.andi %get3A_554, %and3A_566 : vector<16xi32>
      %shift_right_arithmetic3A_568 = arith.constant 12 : i32
      %shift_right_arithmetic3A_569 = vector.broadcast %shift_right_arithmetic3A_568 : i32 to vector<16xi32>
      %shift_right_arithmetic3A_570 = arith.shrsi %and3A_567, %shift_right_arithmetic3A_569 : vector<16xi32>
      %or3A_571 = arith.ori %or3A_564, %shift_right_arithmetic3A_570 : vector<16xi32>
      %swap3A_572 = arith.constant 1 : i32
      %swap3A_573 = arith.index_cast %swap3A_572 : i32 to index
      %swap3A_574 = arith.constant 64 : index
      %swap3A_575 = tpu.vector_load %arg9[%swap3A_573, %swap3A_574] {strides = array<i32>} : memref<8x128xi32, #tpu.memory_space<vmem>>, vector<1x16xi32>,
      %swap3A_576 = vector.shape_cast %swap3A_575 : vector<1x16xi32> to vector<16xi32>
      %swap3A_577 = vector.shape_cast %or3A_571 : vector<16xi32> to vector<1x16xi32>
      tpu.vector_store %arg9[%swap3A_573, %swap3A_574], %swap3A_577 {strides = array<i32>} : memref<8x128xi32, #tpu.memory_space<vmem>>, vector<1x16xi32>,
      %get3A_578 = arith.constant 1 : i32
      %get3A_579 = arith.index_cast %get3A_578 : i32 to index
      %get3A_580 = arith.constant 80 : index
      %get3A_581 = tpu.vector_load %arg8[%get3A_579, %get3A_580] {strides = array<i32>} : memref<8x128xi32, #tpu.memory_space<vmem>>, vector<1x16xi32>,
      %get3A_582 = vector.shape_cast %get3A_581 : vector<1x16xi32> to vector<16xi32>
      %and3A_583 = arith.constant -32768 : i32
      %and3A_584 = vector.broadcast %and3A_583 : i32 to vector<16xi32>
      %and3A_585 = arith.andi %get3A_582, %and3A_584 : vector<16xi32>
      %and3A_586 = arith.constant 4095 : i32
      %and3A_587 = vector.broadcast %and3A_586 : i32 to vector<16xi32>
      %and3A_588 = arith.andi %get3A_582, %and3A_587 : vector<16xi32>
      %shift_left3A_589 = arith.constant 3 : i32
      %shift_left3A_590 = vector.broadcast %shift_left3A_589 : i32 to vector<16xi32>
      %shift_left3A_591 = arith.shli %and3A_588, %shift_left3A_590 : vector<16xi32>
      %or3A_592 = arith.ori %and3A_585, %shift_left3A_591 : vector<16xi32>
      %and3A_593 = arith.constant 32767 : i32
      %and3A_594 = vector.broadcast %and3A_593 : i32 to vector<16xi32>
      %and3A_595 = arith.andi %get3A_582, %and3A_594 : vector<16xi32>
      %shift_right_arithmetic3A_596 = arith.constant 12 : i32
      %shift_right_arithmetic3A_597 = vector.broadcast %shift_right_arithmetic3A_596 : i32 to vector<16xi32>
      %shift_right_arithmetic3A_598 = arith.shrsi %and3A_595, %shift_right_arithmetic3A_597 : vector<16xi32>
      %or3A_599 = arith.ori %or3A_592, %shift_right_arithmetic3A_598 : vector<16xi32>
      %swap3A_600 = arith.constant 1 : i32
      %swap3A_601 = arith.index_cast %swap3A_600 : i32 to index
      %swap3A_602 = arith.constant 80 : index
      %swap3A_603 = tpu.vector_load %arg9[%swap3A_601, %swap3A_602] {strides = array<i32>} : memref<8x128xi32, #tpu.memory_space<vmem>>, vector<1x16xi32>,
      %swap3A_604 = vector.shape_cast %swap3A_603 : vector<1x16xi32> to vector<16xi32>
      %swap3A_605 = vector.shape_cast %or3A_599 : vector<16xi32> to vector<1x16xi32>
      tpu.vector_store %arg9[%swap3A_601, %swap3A_602], %swap3A_605 {strides = array<i32>} : memref<8x128xi32, #tpu.memory_space<vmem>>, vector<1x16xi32>,
      %get3A_606 = arith.constant 1 : i32
      %get3A_607 = arith.index_cast %get3A_606 : i32 to index
      %get3A_608 = arith.constant 96 : index
      %get3A_609 = tpu.vector_load %arg8[%get3A_607, %get3A_608] {strides = array<i32>} : memref<8x128xi32, #tpu.memory_space<vmem>>, vector<1x16xi32>,
      %get3A_610 = vector.shape_cast %get3A_609 : vector<1x16xi32> to vector<16xi32>
      %and3A_611 = arith.constant -32768 : i32
      %and3A_612 = vector.broadcast %and3A_611 : i32 to vector<16xi32>
      %and3A_613 = arith.andi %get3A_610, %and3A_612 : vector<16xi32>
      %and3A_614 = arith.constant 4095 : i32
      %and3A_615 = vector.broadcast %and3A_614 : i32 to vector<16xi32>
      %and3A_616 = arith.andi %get3A_610, %and3A_615 : vector<16xi32>
      %shift_left3A_617 = arith.constant 3 : i32
      %shift_left3A_618 = vector.broadcast %shift_left3A_617 : i32 to vector<16xi32>
      %shift_left3A_619 = arith.shli %and3A_616, %shift_left3A_618 : vector<16xi32>
      %or3A_620 = arith.ori %and3A_613, %shift_left3A_619 : vector<16xi32>
      %and3A_621 = arith.constant 32767 : i32
      %and3A_622 = vector.broadcast %and3A_621 : i32 to vector<16xi32>
      %and3A_623 = arith.andi %get3A_610, %and3A_622 : vector<16xi32>
      %shift_right_arithmetic3A_624 = arith.constant 12 : i32
      %shift_right_arithmetic3A_625 = vector.broadcast %shift_right_arithmetic3A_624 : i32 to vector<16xi32>
      %shift_right_arithmetic3A_626 = arith.shrsi %and3A_623, %shift_right_arithmetic3A_625 : vector<16xi32>
      %or3A_627 = arith.ori %or3A_620, %shift_right_arithmetic3A_626 : vector<16xi32>
      %swap3A_628 = arith.constant 1 : i32
      %swap3A_629 = arith.index_cast %swap3A_628 : i32 to index
      %swap3A_630 = arith.constant 96 : index
      %swap3A_631 = tpu.vector_load %arg9[%swap3A_629, %swap3A_630] {strides = array<i32>} : memref<8x128xi32, #tpu.memory_space<vmem>>, vector<1x16xi32>,
      %swap3A_632 = vector.shape_cast %swap3A_631 : vector<1x16xi32> to vector<16xi32>
      %swap3A_633 = vector.shape_cast %or3A_627 : vector<16xi32> to vector<1x16xi32>
      tpu.vector_store %arg9[%swap3A_629, %swap3A_630], %swap3A_633 {strides = array<i32>} : memref<8x128xi32, #tpu.memory_space<vmem>>, vector<1x16xi32>,
      %get3A_634 = arith.constant 1 : i32
      %get3A_635 = arith.index_cast %get3A_634 : i32 to index
      %get3A_636 = arith.constant 112 : index
      %get3A_637 = tpu.vector_load %arg8[%get3A_635, %get3A_636] {strides = array<i32>} : memref<8x128xi32, #tpu.memory_space<vmem>>, vector<1x16xi32>,
      %get3A_638 = vector.shape_cast %get3A_637 : vector<1x16xi32> to vector<16xi32>
      %and3A_639 = arith.constant -32768 : i32
      %and3A_640 = vector.broadcast %and3A_639 : i32 to vector<16xi32>
      %and3A_641 = arith.andi %get3A_638, %and3A_640 : vector<16xi32>
      %and3A_642 = arith.constant 4095 : i32
      %and3A_643 = vector.broadcast %and3A_642 : i32 to vector<16xi32>
      %and3A_644 = arith.andi %get3A_638, %and3A_643 : vector<16xi32>
      %shift_left3A_645 = arith.constant 3 : i32
      %shift_left3A_646 = vector.broadcast %shift_left3A_645 : i32 to vector<16xi32>
      %shift_left3A_647 = arith.shli %and3A_644, %shift_left3A_646 : vector<16xi32>
      %or3A_648 = arith.ori %and3A_641, %shift_left3A_647 : vector<16xi32>
      %and3A_649 = arith.constant 32767 : i32
      %and3A_650 = vector.broadcast %and3A_649 : i32 to vector<16xi32>
      %and3A_651 = arith.andi %get3A_638, %and3A_650 : vector<16xi32>
      %shift_right_arithmetic3A_652 = arith.constant 12 : i32
      %shift_right_arithmetic3A_653 = vector.broadcast %shift_right_arithmetic3A_652 : i32 to vector<16xi32>
      %shift_right_arithmetic3A_654 = arith.shrsi %and3A_651, %shift_right_arithmetic3A_653 : vector<16xi32>
      %or3A_655 = arith.ori %or3A_648, %shift_right_arithmetic3A_654 : vector<16xi32>
      %swap3A_656 = arith.constant 1 : i32
      %swap3A_657 = arith.index_cast %swap3A_656 : i32 to index
      %swap3A_658 = arith.constant 112 : index
      %swap3A_659 = tpu.vector_load %arg9[%swap3A_657, %swap3A_658] {strides = array<i32>} : memref<8x128xi32, #tpu.memory_space<vmem>>, vector<1x16xi32>,
      %swap3A_660 = vector.shape_cast %swap3A_659 : vector<1x16xi32> to vector<16xi32>
      %swap3A_661 = vector.shape_cast %or3A_655 : vector<16xi32> to vector<1x16xi32>
      tpu.vector_store %arg9[%swap3A_657, %swap3A_658], %swap3A_661 {strides = array<i32>} : memref<8x128xi32, #tpu.memory_space<vmem>>, vector<1x16xi32>,
      %get3A_662 = arith.constant 2 : i32
      %get3A_663 = arith.index_cast %get3A_662 : i32 to index
      %get3A_664 = arith.constant 0 : index
      %get3A_665 = tpu.vector_load %arg8[%get3A_663, %get3A_664] {strides = array<i32>} : memref<8x128xi32, #tpu.memory_space<vmem>>, vector<1x16xi32>,
      %get3A_666 = vector.shape_cast %get3A_665 : vector<1x16xi32> to vector<16xi32>
      %and3A_667 = arith.constant -32768 : i32
      %and3A_668 = vector.broadcast %and3A_667 : i32 to vector<16xi32>
      %and3A_669 = arith.andi %get3A_666, %and3A_668 : vector<16xi32>
      %and3A_670 = arith.constant 4095 : i32
      %and3A_671 = vector.broadcast %and3A_670 : i32 to vector<16xi32>
      %and3A_672 = arith.andi %get3A_666, %and3A_671 : vector<16xi32>
      %shift_left3A_673 = arith.constant 3 : i32
      %shift_left3A_674 = vector.broadcast %shift_left3A_673 : i32 to vector<16xi32>
      %shift_left3A_675 = arith.shli %and3A_672, %shift_left3A_674 : vector<16xi32>
      %or3A_676 = arith.ori %and3A_669, %shift_left3A_675 : vector<16xi32>
      %and3A_677 = arith.constant 32767 : i32
      %and3A_678 = vector.broadcast %and3A_677 : i32 to vector<16xi32>
      %and3A_679 = arith.andi %get3A_666, %and3A_678 : vector<16xi32>
      %shift_right_arithmetic3A_680 = arith.constant 12 : i32
      %shift_right_arithmetic3A_681 = vector.broadcast %shift_right_arithmetic3A_680 : i32 to vector<16xi32>
      %shift_right_arithmetic3A_682 = arith.shrsi %and3A_679, %shift_right_arithmetic3A_681 : vector<16xi32>
      %or3A_683 = arith.ori %or3A_676, %shift_right_arithmetic3A_682 : vector<16xi32>
      %swap3A_684 = arith.constant 2 : i32
      %swap3A_685 = arith.index_cast %swap3A_684 : i32 to index
      %swap3A_686 = arith.constant 0 : index
      %swap3A_687 = tpu.vector_load %arg9[%swap3A_685, %swap3A_686] {strides = array<i32>} : memref<8x128xi32, #tpu.memory_space<vmem>>, vector<1x16xi32>,
      %swap3A_688 = vector.shape_cast %swap3A_687 : vector<1x16xi32> to vector<16xi32>
      %swap3A_689 = vector.shape_cast %or3A_683 : vector<16xi32> to vector<1x16xi32>
      tpu.vector_store %arg9[%swap3A_685, %swap3A_686], %swap3A_689 {strides = array<i32>} : memref<8x128xi32, #tpu.memory_space<vmem>>, vector<1x16xi32>,
      %get3A_690 = arith.constant 2 : i32
      %get3A_691 = arith.index_cast %get3A_690 : i32 to index
      %get3A_692 = arith.constant 16 : index
      %get3A_693 = tpu.vector_load %arg8[%get3A_691, %get3A_692] {strides = array<i32>} : memref<8x128xi32, #tpu.memory_space<vmem>>, vector<1x16xi32>,
      %get3A_694 = vector.shape_cast %get3A_693 : vector<1x16xi32> to vector<16xi32>
      %and3A_695 = arith.constant -32768 : i32
      %and3A_696 = vector.broadcast %and3A_695 : i32 to vector<16xi32>
      %and3A_697 = arith.andi %get3A_694, %and3A_696 : vector<16xi32>
      %and3A_698 = arith.constant 4095 : i32
      %and3A_699 = vector.broadcast %and3A_698 : i32 to vector<16xi32>
      %and3A_700 = arith.andi %get3A_694, %and3A_699 : vector<16xi32>
      %shift_left3A_701 = arith.constant 3 : i32
      %shift_left3A_702 = vector.broadcast %shift_left3A_701 : i32 to vector<16xi32>
      %shift_left3A_703 = arith.shli %and3A_700, %shift_left3A_702 : vector<16xi32>
      %or3A_704 = arith.ori %and3A_697, %shift_left3A_703 : vector<16xi32>
      %and3A_705 = arith.constant 32767 : i32
      %and3A_706 = vector.broadcast %and3A_705 : i32 to vector<16xi32>
      %and3A_707 = arith.andi %get3A_694, %and3A_706 : vector<16xi32>
      %shift_right_arithmetic3A_708 = arith.constant 12 : i32
      %shift_right_arithmetic3A_709 = vector.broadcast %shift_right_arithmetic3A_708 : i32 to vector<16xi32>
      %shift_right_arithmetic3A_710 = arith.shrsi %and3A_707, %shift_right_arithmetic3A_709 : vector<16xi32>
      %or3A_711 = arith.ori %or3A_704, %shift_right_arithmetic3A_710 : vector<16xi32>
      %swap3A_712 = arith.constant 2 : i32
      %swap3A_713 = arith.index_cast %swap3A_712 : i32 to index
      %swap3A_714 = arith.constant 16 : index
      %swap3A_715 = tpu.vector_load %arg9[%swap3A_713, %swap3A_714] {strides = array<i32>} : memref<8x128xi32, #tpu.memory_space<vmem>>, vector<1x16xi32>,
      %swap3A_716 = vector.shape_cast %swap3A_715 : vector<1x16xi32> to vector<16xi32>
      %swap3A_717 = vector.shape_cast %or3A_711 : vector<16xi32> to vector<1x16xi32>
      tpu.vector_store %arg9[%swap3A_713, %swap3A_714], %swap3A_717 {strides = array<i32>} : memref<8x128xi32, #tpu.memory_space<vmem>>, vector<1x16xi32>,
      %get3A_718 = arith.constant 2 : i32
      %get3A_719 = arith.index_cast %get3A_718 : i32 to index
      %get3A_720 = arith.constant 32 : index
      %get3A_721 = tpu.vector_load %arg8[%get3A_719, %get3A_720] {strides = array<i32>} : memref<8x128xi32, #tpu.memory_space<vmem>>, vector<1x16xi32>,
      %get3A_722 = vector.shape_cast %get3A_721 : vector<1x16xi32> to vector<16xi32>
      %and3A_723 = arith.constant -32768 : i32
      %and3A_724 = vector.broadcast %and3A_723 : i32 to vector<16xi32>
      %and3A_725 = arith.andi %get3A_722, %and3A_724 : vector<16xi32>
      %and3A_726 = arith.constant 4095 : i32
      %and3A_727 = vector.broadcast %and3A_726 : i32 to vector<16xi32>
      %and3A_728 = arith.andi %get3A_722, %and3A_727 : vector<16xi32>
      %shift_left3A_729 = arith.constant 3 : i32
      %shift_left3A_730 = vector.broadcast %shift_left3A_729 : i32 to vector<16xi32>
      %shift_left3A_731 = arith.shli %and3A_728, %shift_left3A_730 : vector<16xi32>
      %or3A_732 = arith.ori %and3A_725, %shift_left3A_731 : vector<16xi32>
      %and3A_733 = arith.constant 32767 : i32
      %and3A_734 = vector.broadcast %and3A_733 : i32 to vector<16xi32>
      %and3A_735 = arith.andi %get3A_722, %and3A_734 : vector<16xi32>
      %shift_right_arithmetic3A_736 = arith.constant 12 : i32
      %shift_right_arithmetic3A_737 = vector.broadcast %shift_right_arithmetic3A_736 : i32 to vector<16xi32>
      %shift_right_arithmetic3A_738 = arith.shrsi %and3A_735, %shift_right_arithmetic3A_737 : vector<16xi32>
      %or3A_739 = arith.ori %or3A_732, %shift_right_arithmetic3A_738 : vector<16xi32>
      %swap3A_740 = arith.constant 2 : i32
      %swap3A_741 = arith.index_cast %swap3A_740 : i32 to index
      %swap3A_742 = arith.constant 32 : index
      %swap3A_743 = tpu.vector_load %arg9[%swap3A_741, %swap3A_742] {strides = array<i32>} : memref<8x128xi32, #tpu.memory_space<vmem>>, vector<1x16xi32>,
      %swap3A_744 = vector.shape_cast %swap3A_743 : vector<1x16xi32> to vector<16xi32>
      %swap3A_745 = vector.shape_cast %or3A_739 : vector<16xi32> to vector<1x16xi32>
      tpu.vector_store %arg9[%swap3A_741, %swap3A_742], %swap3A_745 {strides = array<i32>} : memref<8x128xi32, #tpu.memory_space<vmem>>, vector<1x16xi32>,
      %get3A_746 = arith.constant 2 : i32
      %get3A_747 = arith.index_cast %get3A_746 : i32 to index
      %get3A_748 = arith.constant 48 : index
      %get3A_749 = tpu.vector_load %arg8[%get3A_747, %get3A_748] {strides = array<i32>} : memref<8x128xi32, #tpu.memory_space<vmem>>, vector<1x16xi32>,
      %get3A_750 = vector.shape_cast %get3A_749 : vector<1x16xi32> to vector<16xi32>
      %and3A_751 = arith.constant -32768 : i32
      %and3A_752 = vector.broadcast %and3A_751 : i32 to vector<16xi32>
      %and3A_753 = arith.andi %get3A_750, %and3A_752 : vector<16xi32>
      %and3A_754 = arith.constant 4095 : i32
      %and3A_755 = vector.broadcast %and3A_754 : i32 to vector<16xi32>
      %and3A_756 = arith.andi %get3A_750, %and3A_755 : vector<16xi32>
      %shift_left3A_757 = arith.constant 3 : i32
      %shift_left3A_758 = vector.broadcast %shift_left3A_757 : i32 to vector<16xi32>
      %shift_left3A_759 = arith.shli %and3A_756, %shift_left3A_758 : vector<16xi32>
      %or3A_760 = arith.ori %and3A_753, %shift_left3A_759 : vector<16xi32>
      %and3A_761 = arith.constant 32767 : i32
      %and3A_762 = vector.broadcast %and3A_761 : i32 to vector<16xi32>
      %and3A_763 = arith.andi %get3A_750, %and3A_762 : vector<16xi32>
      %shift_right_arithmetic3A_764 = arith.constant 12 : i32
      %shift_right_arithmetic3A_765 = vector.broadcast %shift_right_arithmetic3A_764 : i32 to vector<16xi32>
      %shift_right_arithmetic3A_766 = arith.shrsi %and3A_763, %shift_right_arithmetic3A_765 : vector<16xi32>
      %or3A_767 = arith.ori %or3A_760, %shift_right_arithmetic3A_766 : vector<16xi32>
      %swap3A_768 = arith.constant 2 : i32
      %swap3A_769 = arith.index_cast %swap3A_768 : i32 to index
      %swap3A_770 = arith.constant 48 : index
      %swap3A_771 = tpu.vector_load %arg9[%swap3A_769, %swap3A_770] {strides = array<i32>} : memref<8x128xi32, #tpu.memory_space<vmem>>, vector<1x16xi32>,
      %swap3A_772 = vector.shape_cast %swap3A_771 : vector<1x16xi32> to vector<16xi32>
      %swap3A_773 = vector.shape_cast %or3A_767 : vector<16xi32> to vector<1x16xi32>
      tpu.vector_store %arg9[%swap3A_769, %swap3A_770], %swap3A_773 {strides = array<i32>} : memref<8x128xi32, #tpu.memory_space<vmem>>, vector<1x16xi32>,
      %get3A_774 = arith.constant 2 : i32
      %get3A_775 = arith.index_cast %get3A_774 : i32 to index
      %get3A_776 = arith.constant 64 : index
      %get3A_777 = tpu.vector_load %arg8[%get3A_775, %get3A_776] {strides = array<i32>} : memref<8x128xi32, #tpu.memory_space<vmem>>, vector<1x16xi32>,
      %get3A_778 = vector.shape_cast %get3A_777 : vector<1x16xi32> to vector<16xi32>
      %and3A_779 = arith.constant -32768 : i32
      %and3A_780 = vector.broadcast %and3A_779 : i32 to vector<16xi32>
      %and3A_781 = arith.andi %get3A_778, %and3A_780 : vector<16xi32>
      %and3A_782 = arith.constant 4095 : i32
      %and3A_783 = vector.broadcast %and3A_782 : i32 to vector<16xi32>
      %and3A_784 = arith.andi %get3A_778, %and3A_783 : vector<16xi32>
      %shift_left3A_785 = arith.constant 3 : i32
      %shift_left3A_786 = vector.broadcast %shift_left3A_785 : i32 to vector<16xi32>
      %shift_left3A_787 = arith.shli %and3A_784, %shift_left3A_786 : vector<16xi32>
      %or3A_788 = arith.ori %and3A_781, %shift_left3A_787 : vector<16xi32>
      %and3A_789 = arith.constant 32767 : i32
      %and3A_790 = vector.broadcast %and3A_789 : i32 to vector<16xi32>
      %and3A_791 = arith.andi %get3A_778, %and3A_790 : vector<16xi32>
      %shift_right_arithmetic3A_792 = arith.constant 12 : i32
      %shift_right_arithmetic3A_793 = vector.broadcast %shift_right_arithmetic3A_792 : i32 to vector<16xi32>
      %shift_right_arithmetic3A_794 = arith.shrsi %and3A_791, %shift_right_arithmetic3A_793 : vector<16xi32>
      %or3A_795 = arith.ori %or3A_788, %shift_right_arithmetic3A_794 : vector<16xi32>
      %swap3A_796 = arith.constant 2 : i32
      %swap3A_797 = arith.index_cast %swap3A_796 : i32 to index
      %swap3A_798 = arith.constant 64 : index
      %swap3A_799 = tpu.vector_load %arg9[%swap3A_797, %swap3A_798] {strides = array<i32>} : memref<8x128xi32, #tpu.memory_space<vmem>>, vector<1x16xi32>,
      %swap3A_800 = vector.shape_cast %swap3A_799 : vector<1x16xi32> to vector<16xi32>
      %swap3A_801 = vector.shape_cast %or3A_795 : vector<16xi32> to vector<1x16xi32>
      tpu.vector_store %arg9[%swap3A_797, %swap3A_798], %swap3A_801 {strides = array<i32>} : memref<8x128xi32, #tpu.memory_space<vmem>>, vector<1x16xi32>,
      %get3A_802 = arith.constant 2 : i32
      %get3A_803 = arith.index_cast %get3A_802 : i32 to index
      %get3A_804 = arith.constant 80 : index
      %get3A_805 = tpu.vector_load %arg8[%get3A_803, %get3A_804] {strides = array<i32>} : memref<8x128xi32, #tpu.memory_space<vmem>>, vector<1x16xi32>,
      %get3A_806 = vector.shape_cast %get3A_805 : vector<1x16xi32> to vector<16xi32>
      %and3A_807 = arith.constant -32768 : i32
      %and3A_808 = vector.broadcast %and3A_807 : i32 to vector<16xi32>
      %and3A_809 = arith.andi %get3A_806, %and3A_808 : vector<16xi32>
      %and3A_810 = arith.constant 4095 : i32
      %and3A_811 = vector.broadcast %and3A_810 : i32 to vector<16xi32>
      %and3A_812 = arith.andi %get3A_806, %and3A_811 : vector<16xi32>
      %shift_left3A_813 = arith.constant 3 : i32
      %shift_left3A_814 = vector.broadcast %shift_left3A_813 : i32 to vector<16xi32>
      %shift_left3A_815 = arith.shli %and3A_812, %shift_left3A_814 : vector<16xi32>
      %or3A_816 = arith.ori %and3A_809, %shift_left3A_815 : vector<16xi32>
      %and3A_817 = arith.constant 32767 : i32
      %and3A_818 = vector.broadcast %and3A_817 : i32 to vector<16xi32>
      %and3A_819 = arith.andi %get3A_806, %and3A_818 : vector<16xi32>
      %shift_right_arithmetic3A_820 = arith.constant 12 : i32
      %shift_right_arithmetic3A_821 = vector.broadcast %shift_right_arithmetic3A_820 : i32 to vector<16xi32>
      %shift_right_arithmetic3A_822 = arith.shrsi %and3A_819, %shift_right_arithmetic3A_821 : vector<16xi32>
      %or3A_823 = arith.ori %or3A_816, %shift_right_arithmetic3A_822 : vector<16xi32>
      %swap3A_824 = arith.constant 2 : i32
      %swap3A_825 = arith.index_cast %swap3A_824 : i32 to index
      %swap3A_826 = arith.constant 80 : index
      %swap3A_827 = tpu.vector_load %arg9[%swap3A_825, %swap3A_826] {strides = array<i32>} : memref<8x128xi32, #tpu.memory_space<vmem>>, vector<1x16xi32>,
      %swap3A_828 = vector.shape_cast %swap3A_827 : vector<1x16xi32> to vector<16xi32>
      %swap3A_829 = vector.shape_cast %or3A_823 : vector<16xi32> to vector<1x16xi32>
      tpu.vector_store %arg9[%swap3A_825, %swap3A_826], %swap3A_829 {strides = array<i32>} : memref<8x128xi32, #tpu.memory_space<vmem>>, vector<1x16xi32>,
      %get3A_830 = arith.constant 2 : i32
      %get3A_831 = arith.index_cast %get3A_830 : i32 to index
      %get3A_832 = arith.constant 96 : index
      %get3A_833 = tpu.vector_load %arg8[%get3A_831, %get3A_832] {strides = array<i32>} : memref<8x128xi32, #tpu.memory_space<vmem>>, vector<1x16xi32>,
      %get3A_834 = vector.shape_cast %get3A_833 : vector<1x16xi32> to vector<16xi32>
      %and3A_835 = arith.constant -32768 : i32
      %and3A_836 = vector.broadcast %and3A_835 : i32 to vector<16xi32>
      %and3A_837 = arith.andi %get3A_834, %and3A_836 : vector<16xi32>
      %and3A_838 = arith.constant 4095 : i32
      %and3A_839 = vector.broadcast %and3A_838 : i32 to vector<16xi32>
      %and3A_840 = arith.andi %get3A_834, %and3A_839 : vector<16xi32>
      %shift_left3A_841 = arith.constant 3 : i32
      %shift_left3A_842 = vector.broadcast %shift_left3A_841 : i32 to vector<16xi32>
      %shift_left3A_843 = arith.shli %and3A_840, %shift_left3A_842 : vector<16xi32>
      %or3A_844 = arith.ori %and3A_837, %shift_left3A_843 : vector<16xi32>
      %and3A_845 = arith.constant 32767 : i32
      %and3A_846 = vector.broadcast %and3A_845 : i32 to vector<16xi32>
      %and3A_847 = arith.andi %get3A_834, %and3A_846 : vector<16xi32>
      %shift_right_arithmetic3A_848 = arith.constant 12 : i32
      %shift_right_arithmetic3A_849 = vector.broadcast %shift_right_arithmetic3A_848 : i32 to vector<16xi32>
      %shift_right_arithmetic3A_850 = arith.shrsi %and3A_847, %shift_right_arithmetic3A_849 : vector<16xi32>
      %or3A_851 = arith.ori %or3A_844, %shift_right_arithmetic3A_850 : vector<16xi32>
      %swap3A_852 = arith.constant 2 : i32
      %swap3A_853 = arith.index_cast %swap3A_852 : i32 to index
      %swap3A_854 = arith.constant 96 : index
      %swap3A_855 = tpu.vector_load %arg9[%swap3A_853, %swap3A_854] {strides = array<i32>} : memref<8x128xi32, #tpu.memory_space<vmem>>, vector<1x16xi32>,
      %swap3A_856 = vector.shape_cast %swap3A_855 : vector<1x16xi32> to vector<16xi32>
      %swap3A_857 = vector.shape_cast %or3A_851 : vector<16xi32> to vector<1x16xi32>
      tpu.vector_store %arg9[%swap3A_853, %swap3A_854], %swap3A_857 {strides = array<i32>} : memref<8x128xi32, #tpu.memory_space<vmem>>, vector<1x16xi32>,
      %get3A_858 = arith.constant 2 : i32
      %get3A_859 = arith.index_cast %get3A_858 : i32 to index
      %get3A_860 = arith.constant 112 : index
      %get3A_861 = tpu.vector_load %arg8[%get3A_859, %get3A_860] {strides = array<i32>} : memref<8x128xi32, #tpu.memory_space<vmem>>, vector<1x16xi32>,
      %get3A_862 = vector.shape_cast %get3A_861 : vector<1x16xi32> to vector<16xi32>
      %and3A_863 = arith.constant -32768 : i32
      %and3A_864 = vector.broadcast %and3A_863 : i32 to vector<16xi32>
      %and3A_865 = arith.andi %get3A_862, %and3A_864 : vector<16xi32>
      %and3A_866 = arith.constant 4095 : i32
      %and3A_867 = vector.broadcast %and3A_866 : i32 to vector<16xi32>
      %and3A_868 = arith.andi %get3A_862, %and3A_867 : vector<16xi32>
      %shift_left3A_869 = arith.constant 3 : i32
      %shift_left3A_870 = vector.broadcast %shift_left3A_869 : i32 to vector<16xi32>
      %shift_left3A_871 = arith.shli %and3A_868, %shift_left3A_870 : vector<16xi32>
      %or3A_872 = arith.ori %and3A_865, %shift_left3A_871 : vector<16xi32>
      %and3A_873 = arith.constant 32767 : i32
      %and3A_874 = vector.broadcast %and3A_873 : i32 to vector<16xi32>
      %and3A_875 = arith.andi %get3A_862, %and3A_874 : vector<16xi32>
      %shift_right_arithmetic3A_876 = arith.constant 12 : i32
      %shift_right_arithmetic3A_877 = vector.broadcast %shift_right_arithmetic3A_876 : i32 to vector<16xi32>
      %shift_right_arithmetic3A_878 = arith.shrsi %and3A_875, %shift_right_arithmetic3A_877 : vector<16xi32>
      %or3A_879 = arith.ori %or3A_872, %shift_right_arithmetic3A_878 : vector<16xi32>
      %swap3A_880 = arith.constant 2 : i32
      %swap3A_881 = arith.index_cast %swap3A_880 : i32 to index
      %swap3A_882 = arith.constant 112 : index
      %swap3A_883 = tpu.vector_load %arg9[%swap3A_881, %swap3A_882] {strides = array<i32>} : memref<8x128xi32, #tpu.memory_space<vmem>>, vector<1x16xi32>,
      %swap3A_884 = vector.shape_cast %swap3A_883 : vector<1x16xi32> to vector<16xi32>
      %swap3A_885 = vector.shape_cast %or3A_879 : vector<16xi32> to vector<1x16xi32>
      tpu.vector_store %arg9[%swap3A_881, %swap3A_882], %swap3A_885 {strides = array<i32>} : memref<8x128xi32, #tpu.memory_space<vmem>>, vector<1x16xi32>,
      %get3A_886 = arith.constant 3 : i32
      %get3A_887 = arith.index_cast %get3A_886 : i32 to index
      %get3A_888 = arith.constant 0 : index
      %get3A_889 = tpu.vector_load %arg8[%get3A_887, %get3A_888] {strides = array<i32>} : memref<8x128xi32, #tpu.memory_space<vmem>>, vector<1x16xi32>,
      %get3A_890 = vector.shape_cast %get3A_889 : vector<1x16xi32> to vector<16xi32>
      %and3A_891 = arith.constant -32768 : i32
      %and3A_892 = vector.broadcast %and3A_891 : i32 to vector<16xi32>
      %and3A_893 = arith.andi %get3A_890, %and3A_892 : vector<16xi32>
      %and3A_894 = arith.constant 4095 : i32
      %and3A_895 = vector.broadcast %and3A_894 : i32 to vector<16xi32>
      %and3A_896 = arith.andi %get3A_890, %and3A_895 : vector<16xi32>
      %shift_left3A_897 = arith.constant 3 : i32
      %shift_left3A_898 = vector.broadcast %shift_left3A_897 : i32 to vector<16xi32>
      %shift_left3A_899 = arith.shli %and3A_896, %shift_left3A_898 : vector<16xi32>
      %or3A_900 = arith.ori %and3A_893, %shift_left3A_899 : vector<16xi32>
      %and3A_901 = arith.constant 32767 : i32
      %and3A_902 = vector.broadcast %and3A_901 : i32 to vector<16xi32>
      %and3A_903 = arith.andi %get3A_890, %and3A_902 : vector<16xi32>
      %shift_right_arithmetic3A_904 = arith.constant 12 : i32
      %shift_right_arithmetic3A_905 = vector.broadcast %shift_right_arithmetic3A_904 : i32 to vector<16xi32>
      %shift_right_arithmetic3A_906 = arith.shrsi %and3A_903, %shift_right_arithmetic3A_905 : vector<16xi32>
      %or3A_907 = arith.ori %or3A_900, %shift_right_arithmetic3A_906 : vector<16xi32>
      %swap3A_908 = arith.constant 3 : i32
      %swap3A_909 = arith.index_cast %swap3A_908 : i32 to index
      %swap3A_910 = arith.constant 0 : index
      %swap3A_911 = tpu.vector_load %arg9[%swap3A_909, %swap3A_910] {strides = array<i32>} : memref<8x128xi32, #tpu.memory_space<vmem>>, vector<1x16xi32>,
      %swap3A_912 = vector.shape_cast %swap3A_911 : vector<1x16xi32> to vector<16xi32>
      %swap3A_913 = vector.shape_cast %or3A_907 : vector<16xi32> to vector<1x16xi32>
      tpu.vector_store %arg9[%swap3A_909, %swap3A_910], %swap3A_913 {strides = array<i32>} : memref<8x128xi32, #tpu.memory_space<vmem>>, vector<1x16xi32>,
      %get3A_914 = arith.constant 3 : i32
      %get3A_915 = arith.index_cast %get3A_914 : i32 to index
      %get3A_916 = arith.constant 16 : index
      %get3A_917 = tpu.vector_load %arg8[%get3A_915, %get3A_916] {strides = array<i32>} : memref<8x128xi32, #tpu.memory_space<vmem>>, vector<1x16xi32>,
      %get3A_918 = vector.shape_cast %get3A_917 : vector<1x16xi32> to vector<16xi32>
      %and3A_919 = arith.constant -32768 : i32
      %and3A_920 = vector.broadcast %and3A_919 : i32 to vector<16xi32>
      %and3A_921 = arith.andi %get3A_918, %and3A_920 : vector<16xi32>
      %and3A_922 = arith.constant 4095 : i32
      %and3A_923 = vector.broadcast %and3A_922 : i32 to vector<16xi32>
      %and3A_924 = arith.andi %get3A_918, %and3A_923 : vector<16xi32>
      %shift_left3A_925 = arith.constant 3 : i32
      %shift_left3A_926 = vector.broadcast %shift_left3A_925 : i32 to vector<16xi32>
      %shift_left3A_927 = arith.shli %and3A_924, %shift_left3A_926 : vector<16xi32>
      %or3A_928 = arith.ori %and3A_921, %shift_left3A_927 : vector<16xi32>
      %and3A_929 = arith.constant 32767 : i32
      %and3A_930 = vector.broadcast %and3A_929 : i32 to vector<16xi32>
      %and3A_931 = arith.andi %get3A_918, %and3A_930 : vector<16xi32>
      %shift_right_arithmetic3A_932 = arith.constant 12 : i32
      %shift_right_arithmetic3A_933 = vector.broadcast %shift_right_arithmetic3A_932 : i32 to vector<16xi32>
      %shift_right_arithmetic3A_934 = arith.shrsi %and3A_931, %shift_right_arithmetic3A_933 : vector<16xi32>
      %or3A_935 = arith.ori %or3A_928, %shift_right_arithmetic3A_934 : vector<16xi32>
      %swap3A_936 = arith.constant 3 : i32
      %swap3A_937 = arith.index_cast %swap3A_936 : i32 to index
      %swap3A_938 = arith.constant 16 : index
      %swap3A_939 = tpu.vector_load %arg9[%swap3A_937, %swap3A_938] {strides = array<i32>} : memref<8x128xi32, #tpu.memory_space<vmem>>, vector<1x16xi32>,
      %swap3A_940 = vector.shape_cast %swap3A_939 : vector<1x16xi32> to vector<16xi32>
      %swap3A_941 = vector.shape_cast %or3A_935 : vector<16xi32> to vector<1x16xi32>
      tpu.vector_store %arg9[%swap3A_937, %swap3A_938], %swap3A_941 {strides = array<i32>} : memref<8x128xi32, #tpu.memory_space<vmem>>, vector<1x16xi32>,
      %get3A_942 = arith.constant 3 : i32
      %get3A_943 = arith.index_cast %get3A_942 : i32 to index
      %get3A_944 = arith.constant 32 : index
      %get3A_945 = tpu.vector_load %arg8[%get3A_943, %get3A_944] {strides = array<i32>} : memref<8x128xi32, #tpu.memory_space<vmem>>, vector<1x16xi32>,
      %get3A_946 = vector.shape_cast %get3A_945 : vector<1x16xi32> to vector<16xi32>
      %and3A_947 = arith.constant -32768 : i32
      %and3A_948 = vector.broadcast %and3A_947 : i32 to vector<16xi32>
      %and3A_949 = arith.andi %get3A_946, %and3A_948 : vector<16xi32>
      %and3A_950 = arith.constant 4095 : i32
      %and3A_951 = vector.broadcast %and3A_950 : i32 to vector<16xi32>
      %and3A_952 = arith.andi %get3A_946, %and3A_951 : vector<16xi32>
      %shift_left3A_953 = arith.constant 3 : i32
      %shift_left3A_954 = vector.broadcast %shift_left3A_953 : i32 to vector<16xi32>
      %shift_left3A_955 = arith.shli %and3A_952, %shift_left3A_954 : vector<16xi32>
      %or3A_956 = arith.ori %and3A_949, %shift_left3A_955 : vector<16xi32>
      %and3A_957 = arith.constant 32767 : i32
      %and3A_958 = vector.broadcast %and3A_957 : i32 to vector<16xi32>
      %and3A_959 = arith.andi %get3A_946, %and3A_958 : vector<16xi32>
      %shift_right_arithmetic3A_960 = arith.constant 12 : i32
      %shift_right_arithmetic3A_961 = vector.broadcast %shift_right_arithmetic3A_960 : i32 to vector<16xi32>
      %shift_right_arithmetic3A_962 = arith.shrsi %and3A_959, %shift_right_arithmetic3A_961 : vector<16xi32>
      %or3A_963 = arith.ori %or3A_956, %shift_right_arithmetic3A_962 : vector<16xi32>
      %swap3A_964 = arith.constant 3 : i32
      %swap3A_965 = arith.index_cast %swap3A_964 : i32 to index
      %swap3A_966 = arith.constant 32 : index
      %swap3A_967 = tpu.vector_load %arg9[%swap3A_965, %swap3A_966] {strides = array<i32>} : memref<8x128xi32, #tpu.memory_space<vmem>>, vector<1x16xi32>,
      %swap3A_968 = vector.shape_cast %swap3A_967 : vector<1x16xi32> to vector<16xi32>
      %swap3A_969 = vector.shape_cast %or3A_963 : vector<16xi32> to vector<1x16xi32>
      tpu.vector_store %arg9[%swap3A_965, %swap3A_966], %swap3A_969 {strides = array<i32>} : memref<8x128xi32, #tpu.memory_space<vmem>>, vector<1x16xi32>,
      %get3A_970 = arith.constant 3 : i32
      %get3A_971 = arith.index_cast %get3A_970 : i32 to index
      %get3A_972 = arith.constant 48 : index
      %get3A_973 = tpu.vector_load %arg8[%get3A_971, %get3A_972] {strides = array<i32>} : memref<8x128xi32, #tpu.memory_space<vmem>>, vector<1x16xi32>,
      %get3A_974 = vector.shape_cast %get3A_973 : vector<1x16xi32> to vector<16xi32>
      %and3A_975 = arith.constant -32768 : i32
      %and3A_976 = vector.broadcast %and3A_975 : i32 to vector<16xi32>
      %and3A_977 = arith.andi %get3A_974, %and3A_976 : vector<16xi32>
      %and3A_978 = arith.constant 4095 : i32
      %and3A_979 = vector.broadcast %and3A_978 : i32 to vector<16xi32>
      %and3A_980 = arith.andi %get3A_974, %and3A_979 : vector<16xi32>
      %shift_left3A_981 = arith.constant 3 : i32
      %shift_left3A_982 = vector.broadcast %shift_left3A_981 : i32 to vector<16xi32>
      %shift_left3A_983 = arith.shli %and3A_980, %shift_left3A_982 : vector<16xi32>
      %or3A_984 = arith.ori %and3A_977, %shift_left3A_983 : vector<16xi32>
      %and3A_985 = arith.constant 32767 : i32
      %and3A_986 = vector.broadcast %and3A_985 : i32 to vector<16xi32>
      %and3A_987 = arith.andi %get3A_974, %and3A_986 : vector<16xi32>
      %shift_right_arithmetic3A_988 = arith.constant 12 : i32
      %shift_right_arithmetic3A_989 = vector.broadcast %shift_right_arithmetic3A_988 : i32 to vector<16xi32>
      %shift_right_arithmetic3A_990 = arith.shrsi %and3A_987, %shift_right_arithmetic3A_989 : vector<16xi32>
      %or3A_991 = arith.ori %or3A_984, %shift_right_arithmetic3A_990 : vector<16xi32>
      %swap3A_992 = arith.constant 3 : i32
      %swap3A_993 = arith.index_cast %swap3A_992 : i32 to index
      %swap3A_994 = arith.constant 48 : index
      %swap3A_995 = tpu.vector_load %arg9[%swap3A_993, %swap3A_994] {strides = array<i32>} : memref<8x128xi32, #tpu.memory_space<vmem>>, vector<1x16xi32>,
      %swap3A_996 = vector.shape_cast %swap3A_995 : vector<1x16xi32> to vector<16xi32>
      %swap3A_997 = vector.shape_cast %or3A_991 : vector<16xi32> to vector<1x16xi32>
      tpu.vector_store %arg9[%swap3A_993, %swap3A_994], %swap3A_997 {strides = array<i32>} : memref<8x128xi32, #tpu.memory_space<vmem>>, vector<1x16xi32>,
      %get3A_998 = arith.constant 3 : i32
      %get3A_999 = arith.index_cast %get3A_998 : i32 to index
      %get3A_1000 = arith.constant 64 : index
      %get3A_1001 = tpu.vector_load %arg8[%get3A_999, %get3A_1000] {strides = array<i32>} : memref<8x128xi32, #tpu.memory_space<vmem>>, vector<1x16xi32>,
      %get3A_1002 = vector.shape_cast %get3A_1001 : vector<1x16xi32> to vector<16xi32>
      %and3A_1003 = arith.constant -32768 : i32
      %and3A_1004 = vector.broadcast %and3A_1003 : i32 to vector<16xi32>
      %and3A_1005 = arith.andi %get3A_1002, %and3A_1004 : vector<16xi32>
      %and3A_1006 = arith.constant 4095 : i32
      %and3A_1007 = vector.broadcast %and3A_1006 : i32 to vector<16xi32>
      %and3A_1008 = arith.andi %get3A_1002, %and3A_1007 : vector<16xi32>
      %shift_left3A_1009 = arith.constant 3 : i32
      %shift_left3A_1010 = vector.broadcast %shift_left3A_1009 : i32 to vector<16xi32>
      %shift_left3A_1011 = arith.shli %and3A_1008, %shift_left3A_1010 : vector<16xi32>
      %or3A_1012 = arith.ori %and3A_1005, %shift_left3A_1011 : vector<16xi32>
      %and3A_1013 = arith.constant 32767 : i32
      %and3A_1014 = vector.broadcast %and3A_1013 : i32 to vector<16xi32>
      %and3A_1015 = arith.andi %get3A_1002, %and3A_1014 : vector<16xi32>
      %shift_right_arithmetic3A_1016 = arith.constant 12 : i32
      %shift_right_arithmetic3A_1017 = vector.broadcast %shift_right_arithmetic3A_1016 : i32 to vector<16xi32>
      %shift_right_arithmetic3A_1018 = arith.shrsi %and3A_1015, %shift_right_arithmetic3A_1017 : vector<16xi32>
      %or3A_1019 = arith.ori %or3A_1012, %shift_right_arithmetic3A_1018 : vector<16xi32>
      %swap3A_1020 = arith.constant 3 : i32
      %swap3A_1021 = arith.index_cast %swap3A_1020 : i32 to index
      %swap3A_1022 = arith.constant 64 : index
      %swap3A_1023 = tpu.vector_load %arg9[%swap3A_1021, %swap3A_1022] {strides = array<i32>} : memref<8x128xi32, #tpu.memory_space<vmem>>, vector<1x16xi32>,
      %swap3A_1024 = vector.shape_cast %swap3A_1023 : vector<1x16xi32> to vector<16xi32>
      %swap3A_1025 = vector.shape_cast %or3A_1019 : vector<16xi32> to vector<1x16xi32>
      tpu.vector_store %arg9[%swap3A_1021, %swap3A_1022], %swap3A_1025 {strides = array<i32>} : memref<8x128xi32, #tpu.memory_space<vmem>>, vector<1x16xi32>,
      %get3A_1026 = arith.constant 3 : i32
      %get3A_1027 = arith.index_cast %get3A_1026 : i32 to index
      %get3A_1028 = arith.constant 80 : index
      %get3A_1029 = tpu.vector_load %arg8[%get3A_1027, %get3A_1028] {strides = array<i32>} : memref<8x128xi32, #tpu.memory_space<vmem>>, vector<1x16xi32>,
      %get3A_1030 = vector.shape_cast %get3A_1029 : vector<1x16xi32> to vector<16xi32>
      %and3A_1031 = arith.constant -32768 : i32
      %and3A_1032 = vector.broadcast %and3A_1031 : i32 to vector<16xi32>
      %and3A_1033 = arith.andi %get3A_1030, %and3A_1032 : vector<16xi32>
      %and3A_1034 = arith.constant 4095 : i32
      %and3A_1035 = vector.broadcast %and3A_1034 : i32 to vector<16xi32>
      %and3A_1036 = arith.andi %get3A_1030, %and3A_1035 : vector<16xi32>
      %shift_left3A_1037 = arith.constant 3 : i32
      %shift_left3A_1038 = vector.broadcast %shift_left3A_1037 : i32 to vector<16xi32>
      %shift_left3A_1039 = arith.shli %and3A_1036, %shift_left3A_1038 : vector<16xi32>
      %or3A_1040 = arith.ori %and3A_1033, %shift_left3A_1039 : vector<16xi32>
      %and3A_1041 = arith.constant 32767 : i32
      %and3A_1042 = vector.broadcast %and3A_1041 : i32 to vector<16xi32>
      %and3A_1043 = arith.andi %get3A_1030, %and3A_1042 : vector<16xi32>
      %shift_right_arithmetic3A_1044 = arith.constant 12 : i32
      %shift_right_arithmetic3A_1045 = vector.broadcast %shift_right_arithmetic3A_1044 : i32 to vector<16xi32>
      %shift_right_arithmetic3A_1046 = arith.shrsi %and3A_1043, %shift_right_arithmetic3A_1045 : vector<16xi32>
      %or3A_1047 = arith.ori %or3A_1040, %shift_right_arithmetic3A_1046 : vector<16xi32>
      %swap3A_1048 = arith.constant 3 : i32
      %swap3A_1049 = arith.index_cast %swap3A_1048 : i32 to index
      %swap3A_1050 = arith.constant 80 : index
      %swap3A_1051 = tpu.vector_load %arg9[%swap3A_1049, %swap3A_1050] {strides = array<i32>} : memref<8x128xi32, #tpu.memory_space<vmem>>, vector<1x16xi32>,
      %swap3A_1052 = vector.shape_cast %swap3A_1051 : vector<1x16xi32> to vector<16xi32>
      %swap3A_1053 = vector.shape_cast %or3A_1047 : vector<16xi32> to vector<1x16xi32>
      tpu.vector_store %arg9[%swap3A_1049, %swap3A_1050], %swap3A_1053 {strides = array<i32>} : memref<8x128xi32, #tpu.memory_space<vmem>>, vector<1x16xi32>,
      %get3A_1054 = arith.constant 3 : i32
      %get3A_1055 = arith.index_cast %get3A_1054 : i32 to index
      %get3A_1056 = arith.constant 96 : index
      %get3A_1057 = tpu.vector_load %arg8[%get3A_1055, %get3A_1056] {strides = array<i32>} : memref<8x128xi32, #tpu.memory_space<vmem>>, vector<1x16xi32>,
      %get3A_1058 = vector.shape_cast %get3A_1057 : vector<1x16xi32> to vector<16xi32>
      %and3A_1059 = arith.constant -32768 : i32
      %and3A_1060 = vector.broadcast %and3A_1059 : i32 to vector<16xi32>
      %and3A_1061 = arith.andi %get3A_1058, %and3A_1060 : vector<16xi32>
      %and3A_1062 = arith.constant 4095 : i32
      %and3A_1063 = vector.broadcast %and3A_1062 : i32 to vector<16xi32>
      %and3A_1064 = arith.andi %get3A_1058, %and3A_1063 : vector<16xi32>
      %shift_left3A_1065 = arith.constant 3 : i32
      %shift_left3A_1066 = vector.broadcast %shift_left3A_1065 : i32 to vector<16xi32>
      %shift_left3A_1067 = arith.shli %and3A_1064, %shift_left3A_1066 : vector<16xi32>
      %or3A_1068 = arith.ori %and3A_1061, %shift_left3A_1067 : vector<16xi32>
      %and3A_1069 = arith.constant 32767 : i32
      %and3A_1070 = vector.broadcast %and3A_1069 : i32 to vector<16xi32>
      %and3A_1071 = arith.andi %get3A_1058, %and3A_1070 : vector<16xi32>
      %shift_right_arithmetic3A_1072 = arith.constant 12 : i32
      %shift_right_arithmetic3A_1073 = vector.broadcast %shift_right_arithmetic3A_1072 : i32 to vector<16xi32>
      %shift_right_arithmetic3A_1074 = arith.shrsi %and3A_1071, %shift_right_arithmetic3A_1073 : vector<16xi32>
      %or3A_1075 = arith.ori %or3A_1068, %shift_right_arithmetic3A_1074 : vector<16xi32>
      %swap3A_1076 = arith.constant 3 : i32
      %swap3A_1077 = arith.index_cast %swap3A_1076 : i32 to index
      %swap3A_1078 = arith.constant 96 : index
      %swap3A_1079 = tpu.vector_load %arg9[%swap3A_1077, %swap3A_1078] {strides = array<i32>} : memref<8x128xi32, #tpu.memory_space<vmem>>, vector<1x16xi32>,
      %swap3A_1080 = vector.shape_cast %swap3A_1079 : vector<1x16xi32> to vector<16xi32>
      %swap3A_1081 = vector.shape_cast %or3A_1075 : vector<16xi32> to vector<1x16xi32>
      tpu.vector_store %arg9[%swap3A_1077, %swap3A_1078], %swap3A_1081 {strides = array<i32>} : memref<8x128xi32, #tpu.memory_space<vmem>>, vector<1x16xi32>,
      %get3A_1082 = arith.constant 3 : i32
      %get3A_1083 = arith.index_cast %get3A_1082 : i32 to index
      %get3A_1084 = arith.constant 112 : index
      %get3A_1085 = tpu.vector_load %arg8[%get3A_1083, %get3A_1084] {strides = array<i32>} : memref<8x128xi32, #tpu.memory_space<vmem>>, vector<1x16xi32>,
      %get3A_1086 = vector.shape_cast %get3A_1085 : vector<1x16xi32> to vector<16xi32>
      %and3A_1087 = arith.constant -32768 : i32
      %and3A_1088 = vector.broadcast %and3A_1087 : i32 to vector<16xi32>
      %and3A_1089 = arith.andi %get3A_1086, %and3A_1088 : vector<16xi32>
      %and3A_1090 = arith.constant 4095 : i32
      %and3A_1091 = vector.broadcast %and3A_1090 : i32 to vector<16xi32>
      %and3A_1092 = arith.andi %get3A_1086, %and3A_1091 : vector<16xi32>
      %shift_left3A_1093 = arith.constant 3 : i32
      %shift_left3A_1094 = vector.broadcast %shift_left3A_1093 : i32 to vector<16xi32>
      %shift_left3A_1095 = arith.shli %and3A_1092, %shift_left3A_1094 : vector<16xi32>
      %or3A_1096 = arith.ori %and3A_1089, %shift_left3A_1095 : vector<16xi32>
      %and3A_1097 = arith.constant 32767 : i32
      %and3A_1098 = vector.broadcast %and3A_1097 : i32 to vector<16xi32>
      %and3A_1099 = arith.andi %get3A_1086, %and3A_1098 : vector<16xi32>
      %shift_right_arithmetic3A_1100 = arith.constant 12 : i32
      %shift_right_arithmetic3A_1101 = vector.broadcast %shift_right_arithmetic3A_1100 : i32 to vector<16xi32>
      %shift_right_arithmetic3A_1102 = arith.shrsi %and3A_1099, %shift_right_arithmetic3A_1101 : vector<16xi32>
      %or3A_1103 = arith.ori %or3A_1096, %shift_right_arithmetic3A_1102 : vector<16xi32>
      %swap3A_1104 = arith.constant 3 : i32
      %swap3A_1105 = arith.index_cast %swap3A_1104 : i32 to index
      %swap3A_1106 = arith.constant 112 : index
      %swap3A_1107 = tpu.vector_load %arg9[%swap3A_1105, %swap3A_1106] {strides = array<i32>} : memref<8x128xi32, #tpu.memory_space<vmem>>, vector<1x16xi32>,
      %swap3A_1108 = vector.shape_cast %swap3A_1107 : vector<1x16xi32> to vector<16xi32>
      %swap3A_1109 = vector.shape_cast %or3A_1103 : vector<16xi32> to vector<1x16xi32>
      tpu.vector_store %arg9[%swap3A_1105, %swap3A_1106], %swap3A_1109 {strides = array<i32>} : memref<8x128xi32, #tpu.memory_space<vmem>>, vector<1x16xi32>,
      %get3A_1110 = arith.constant 4 : i32
      %get3A_1111 = arith.index_cast %get3A_1110 : i32 to index
      %get3A_1112 = arith.constant 0 : index
      %get3A_1113 = tpu.vector_load %arg8[%get3A_1111, %get3A_1112] {strides = array<i32>} : memref<8x128xi32, #tpu.memory_space<vmem>>, vector<1x16xi32>,
      %get3A_1114 = vector.shape_cast %get3A_1113 : vector<1x16xi32> to vector<16xi32>
      %and3A_1115 = arith.constant -32768 : i32
      %and3A_1116 = vector.broadcast %and3A_1115 : i32 to vector<16xi32>
      %and3A_1117 = arith.andi %get3A_1114, %and3A_1116 : vector<16xi32>
      %and3A_1118 = arith.constant 4095 : i32
      %and3A_1119 = vector.broadcast %and3A_1118 : i32 to vector<16xi32>
      %and3A_1120 = arith.andi %get3A_1114, %and3A_1119 : vector<16xi32>
      %shift_left3A_1121 = arith.constant 3 : i32
      %shift_left3A_1122 = vector.broadcast %shift_left3A_1121 : i32 to vector<16xi32>
      %shift_left3A_1123 = arith.shli %and3A_1120, %shift_left3A_1122 : vector<16xi32>
      %or3A_1124 = arith.ori %and3A_1117, %shift_left3A_1123 : vector<16xi32>
      %and3A_1125 = arith.constant 32767 : i32
      %and3A_1126 = vector.broadcast %and3A_1125 : i32 to vector<16xi32>
      %and3A_1127 = arith.andi %get3A_1114, %and3A_1126 : vector<16xi32>
      %shift_right_arithmetic3A_1128 = arith.constant 12 : i32
      %shift_right_arithmetic3A_1129 = vector.broadcast %shift_right_arithmetic3A_1128 : i32 to vector<16xi32>
      %shift_right_arithmetic3A_1130 = arith.shrsi %and3A_1127, %shift_right_arithmetic3A_1129 : vector<16xi32>
      %or3A_1131 = arith.ori %or3A_1124, %shift_right_arithmetic3A_1130 : vector<16xi32>
      %swap3A_1132 = arith.constant 4 : i32
      %swap3A_1133 = arith.index_cast %swap3A_1132 : i32 to index
      %swap3A_1134 = arith.constant 0 : index
      %swap3A_1135 = tpu.vector_load %arg9[%swap3A_1133, %swap3A_1134] {strides = array<i32>} : memref<8x128xi32, #tpu.memory_space<vmem>>, vector<1x16xi32>,
      %swap3A_1136 = vector.shape_cast %swap3A_1135 : vector<1x16xi32> to vector<16xi32>
      %swap3A_1137 = vector.shape_cast %or3A_1131 : vector<16xi32> to vector<1x16xi32>
      tpu.vector_store %arg9[%swap3A_1133, %swap3A_1134], %swap3A_1137 {strides = array<i32>} : memref<8x128xi32, #tpu.memory_space<vmem>>, vector<1x16xi32>,
      %get3A_1138 = arith.constant 4 : i32
      %get3A_1139 = arith.index_cast %get3A_1138 : i32 to index
      %get3A_1140 = arith.constant 16 : index
      %get3A_1141 = tpu.vector_load %arg8[%get3A_1139, %get3A_1140] {strides = array<i32>} : memref<8x128xi32, #tpu.memory_space<vmem>>, vector<1x16xi32>,
      %get3A_1142 = vector.shape_cast %get3A_1141 : vector<1x16xi32> to vector<16xi32>
      %and3A_1143 = arith.constant -32768 : i32
      %and3A_1144 = vector.broadcast %and3A_1143 : i32 to vector<16xi32>
      %and3A_1145 = arith.andi %get3A_1142, %and3A_1144 : vector<16xi32>
      %and3A_1146 = arith.constant 4095 : i32
      %and3A_1147 = vector.broadcast %and3A_1146 : i32 to vector<16xi32>
      %and3A_1148 = arith.andi %get3A_1142, %and3A_1147 : vector<16xi32>
      %shift_left3A_1149 = arith.constant 3 : i32
      %shift_left3A_1150 = vector.broadcast %shift_left3A_1149 : i32 to vector<16xi32>
      %shift_left3A_1151 = arith.shli %and3A_1148, %shift_left3A_1150 : vector<16xi32>
      %or3A_1152 = arith.ori %and3A_1145, %shift_left3A_1151 : vector<16xi32>
      %and3A_1153 = arith.constant 32767 : i32
      %and3A_1154 = vector.broadcast %and3A_1153 : i32 to vector<16xi32>
      %and3A_1155 = arith.andi %get3A_1142, %and3A_1154 : vector<16xi32>
      %shift_right_arithmetic3A_1156 = arith.constant 12 : i32
      %shift_right_arithmetic3A_1157 = vector.broadcast %shift_right_arithmetic3A_1156 : i32 to vector<16xi32>
      %shift_right_arithmetic3A_1158 = arith.shrsi %and3A_1155, %shift_right_arithmetic3A_1157 : vector<16xi32>
      %or3A_1159 = arith.ori %or3A_1152, %shift_right_arithmetic3A_1158 : vector<16xi32>
      %swap3A_1160 = arith.constant 4 : i32
      %swap3A_1161 = arith.index_cast %swap3A_1160 : i32 to index
      %swap3A_1162 = arith.constant 16 : index
      %swap3A_1163 = tpu.vector_load %arg9[%swap3A_1161, %swap3A_1162] {strides = array<i32>} : memref<8x128xi32, #tpu.memory_space<vmem>>, vector<1x16xi32>,
      %swap3A_1164 = vector.shape_cast %swap3A_1163 : vector<1x16xi32> to vector<16xi32>
      %swap3A_1165 = vector.shape_cast %or3A_1159 : vector<16xi32> to vector<1x16xi32>
      tpu.vector_store %arg9[%swap3A_1161, %swap3A_1162], %swap3A_1165 {strides = array<i32>} : memref<8x128xi32, #tpu.memory_space<vmem>>, vector<1x16xi32>,
      %get3A_1166 = arith.constant 4 : i32
      %get3A_1167 = arith.index_cast %get3A_1166 : i32 to index
      %get3A_1168 = arith.constant 32 : index
      %get3A_1169 = tpu.vector_load %arg8[%get3A_1167, %get3A_1168] {strides = array<i32>} : memref<8x128xi32, #tpu.memory_space<vmem>>, vector<1x16xi32>,
      %get3A_1170 = vector.shape_cast %get3A_1169 : vector<1x16xi32> to vector<16xi32>
      %and3A_1171 = arith.constant -32768 : i32
      %and3A_1172 = vector.broadcast %and3A_1171 : i32 to vector<16xi32>
      %and3A_1173 = arith.andi %get3A_1170, %and3A_1172 : vector<16xi32>
      %and3A_1174 = arith.constant 4095 : i32
      %and3A_1175 = vector.broadcast %and3A_1174 : i32 to vector<16xi32>
      %and3A_1176 = arith.andi %get3A_1170, %and3A_1175 : vector<16xi32>
      %shift_left3A_1177 = arith.constant 3 : i32
      %shift_left3A_1178 = vector.broadcast %shift_left3A_1177 : i32 to vector<16xi32>
      %shift_left3A_1179 = arith.shli %and3A_1176, %shift_left3A_1178 : vector<16xi32>
      %or3A_1180 = arith.ori %and3A_1173, %shift_left3A_1179 : vector<16xi32>
      %and3A_1181 = arith.constant 32767 : i32
      %and3A_1182 = vector.broadcast %and3A_1181 : i32 to vector<16xi32>
      %and3A_1183 = arith.andi %get3A_1170, %and3A_1182 : vector<16xi32>
      %shift_right_arithmetic3A_1184 = arith.constant 12 : i32
      %shift_right_arithmetic3A_1185 = vector.broadcast %shift_right_arithmetic3A_1184 : i32 to vector<16xi32>
      %shift_right_arithmetic3A_1186 = arith.shrsi %and3A_1183, %shift_right_arithmetic3A_1185 : vector<16xi32>
      %or3A_1187 = arith.ori %or3A_1180, %shift_right_arithmetic3A_1186 : vector<16xi32>
      %swap3A_1188 = arith.constant 4 : i32
      %swap3A_1189 = arith.index_cast %swap3A_1188 : i32 to index
      %swap3A_1190 = arith.constant 32 : index
      %swap3A_1191 = tpu.vector_load %arg9[%swap3A_1189, %swap3A_1190] {strides = array<i32>} : memref<8x128xi32, #tpu.memory_space<vmem>>, vector<1x16xi32>,
      %swap3A_1192 = vector.shape_cast %swap3A_1191 : vector<1x16xi32> to vector<16xi32>
      %swap3A_1193 = vector.shape_cast %or3A_1187 : vector<16xi32> to vector<1x16xi32>
      tpu.vector_store %arg9[%swap3A_1189, %swap3A_1190], %swap3A_1193 {strides = array<i32>} : memref<8x128xi32, #tpu.memory_space<vmem>>, vector<1x16xi32>,
      %get3A_1194 = arith.constant 4 : i32
      %get3A_1195 = arith.index_cast %get3A_1194 : i32 to index
      %get3A_1196 = arith.constant 48 : index
      %get3A_1197 = tpu.vector_load %arg8[%get3A_1195, %get3A_1196] {strides = array<i32>} : memref<8x128xi32, #tpu.memory_space<vmem>>, vector<1x16xi32>,
      %get3A_1198 = vector.shape_cast %get3A_1197 : vector<1x16xi32> to vector<16xi32>
      %and3A_1199 = arith.constant -32768 : i32
      %and3A_1200 = vector.broadcast %and3A_1199 : i32 to vector<16xi32>
      %and3A_1201 = arith.andi %get3A_1198, %and3A_1200 : vector<16xi32>
      %and3A_1202 = arith.constant 4095 : i32
      %and3A_1203 = vector.broadcast %and3A_1202 : i32 to vector<16xi32>
      %and3A_1204 = arith.andi %get3A_1198, %and3A_1203 : vector<16xi32>
      %shift_left3A_1205 = arith.constant 3 : i32
      %shift_left3A_1206 = vector.broadcast %shift_left3A_1205 : i32 to vector<16xi32>
      %shift_left3A_1207 = arith.shli %and3A_1204, %shift_left3A_1206 : vector<16xi32>
      %or3A_1208 = arith.ori %and3A_1201, %shift_left3A_1207 : vector<16xi32>
      %and3A_1209 = arith.constant 32767 : i32
      %and3A_1210 = vector.broadcast %and3A_1209 : i32 to vector<16xi32>
      %and3A_1211 = arith.andi %get3A_1198, %and3A_1210 : vector<16xi32>
      %shift_right_arithmetic3A_1212 = arith.constant 12 : i32
      %shift_right_arithmetic3A_1213 = vector.broadcast %shift_right_arithmetic3A_1212 : i32 to vector<16xi32>
      %shift_right_arithmetic3A_1214 = arith.shrsi %and3A_1211, %shift_right_arithmetic3A_1213 : vector<16xi32>
      %or3A_1215 = arith.ori %or3A_1208, %shift_right_arithmetic3A_1214 : vector<16xi32>
      %swap3A_1216 = arith.constant 4 : i32
      %swap3A_1217 = arith.index_cast %swap3A_1216 : i32 to index
      %swap3A_1218 = arith.constant 48 : index
      %swap3A_1219 = tpu.vector_load %arg9[%swap3A_1217, %swap3A_1218] {strides = array<i32>} : memref<8x128xi32, #tpu.memory_space<vmem>>, vector<1x16xi32>,
      %swap3A_1220 = vector.shape_cast %swap3A_1219 : vector<1x16xi32> to vector<16xi32>
      %swap3A_1221 = vector.shape_cast %or3A_1215 : vector<16xi32> to vector<1x16xi32>
      tpu.vector_store %arg9[%swap3A_1217, %swap3A_1218], %swap3A_1221 {strides = array<i32>} : memref<8x128xi32, #tpu.memory_space<vmem>>, vector<1x16xi32>,
      %get3A_1222 = arith.constant 4 : i32
      %get3A_1223 = arith.index_cast %get3A_1222 : i32 to index
      %get3A_1224 = arith.constant 64 : index
      %get3A_1225 = tpu.vector_load %arg8[%get3A_1223, %get3A_1224] {strides = array<i32>} : memref<8x128xi32, #tpu.memory_space<vmem>>, vector<1x16xi32>,
      %get3A_1226 = vector.shape_cast %get3A_1225 : vector<1x16xi32> to vector<16xi32>
      %and3A_1227 = arith.constant -32768 : i32
      %and3A_1228 = vector.broadcast %and3A_1227 : i32 to vector<16xi32>
      %and3A_1229 = arith.andi %get3A_1226, %and3A_1228 : vector<16xi32>
      %and3A_1230 = arith.constant 4095 : i32
      %and3A_1231 = vector.broadcast %and3A_1230 : i32 to vector<16xi32>
      %and3A_1232 = arith.andi %get3A_1226, %and3A_1231 : vector<16xi32>
      %shift_left3A_1233 = arith.constant 3 : i32
      %shift_left3A_1234 = vector.broadcast %shift_left3A_1233 : i32 to vector<16xi32>
      %shift_left3A_1235 = arith.shli %and3A_1232, %shift_left3A_1234 : vector<16xi32>
      %or3A_1236 = arith.ori %and3A_1229, %shift_left3A_1235 : vector<16xi32>
      %and3A_1237 = arith.constant 32767 : i32
      %and3A_1238 = vector.broadcast %and3A_1237 : i32 to vector<16xi32>
      %and3A_1239 = arith.andi %get3A_1226, %and3A_1238 : vector<16xi32>
      %shift_right_arithmetic3A_1240 = arith.constant 12 : i32
      %shift_right_arithmetic3A_1241 = vector.broadcast %shift_right_arithmetic3A_1240 : i32 to vector<16xi32>
      %shift_right_arithmetic3A_1242 = arith.shrsi %and3A_1239, %shift_right_arithmetic3A_1241 : vector<16xi32>
      %or3A_1243 = arith.ori %or3A_1236, %shift_right_arithmetic3A_1242 : vector<16xi32>
      %swap3A_1244 = arith.constant 4 : i32
      %swap3A_1245 = arith.index_cast %swap3A_1244 : i32 to index
      %swap3A_1246 = arith.constant 64 : index
      %swap3A_1247 = tpu.vector_load %arg9[%swap3A_1245, %swap3A_1246] {strides = array<i32>} : memref<8x128xi32, #tpu.memory_space<vmem>>, vector<1x16xi32>,
      %swap3A_1248 = vector.shape_cast %swap3A_1247 : vector<1x16xi32> to vector<16xi32>
      %swap3A_1249 = vector.shape_cast %or3A_1243 : vector<16xi32> to vector<1x16xi32>
      tpu.vector_store %arg9[%swap3A_1245, %swap3A_1246], %swap3A_1249 {strides = array<i32>} : memref<8x128xi32, #tpu.memory_space<vmem>>, vector<1x16xi32>,
      %get3A_1250 = arith.constant 4 : i32
      %get3A_1251 = arith.index_cast %get3A_1250 : i32 to index
      %get3A_1252 = arith.constant 80 : index
      %get3A_1253 = tpu.vector_load %arg8[%get3A_1251, %get3A_1252] {strides = array<i32>} : memref<8x128xi32, #tpu.memory_space<vmem>>, vector<1x16xi32>,
      %get3A_1254 = vector.shape_cast %get3A_1253 : vector<1x16xi32> to vector<16xi32>
      %and3A_1255 = arith.constant -32768 : i32
      %and3A_1256 = vector.broadcast %and3A_1255 : i32 to vector<16xi32>
      %and3A_1257 = arith.andi %get3A_1254, %and3A_1256 : vector<16xi32>
      %and3A_1258 = arith.constant 4095 : i32
      %and3A_1259 = vector.broadcast %and3A_1258 : i32 to vector<16xi32>
      %and3A_1260 = arith.andi %get3A_1254, %and3A_1259 : vector<16xi32>
      %shift_left3A_1261 = arith.constant 3 : i32
      %shift_left3A_1262 = vector.broadcast %shift_left3A_1261 : i32 to vector<16xi32>
      %shift_left3A_1263 = arith.shli %and3A_1260, %shift_left3A_1262 : vector<16xi32>
      %or3A_1264 = arith.ori %and3A_1257, %shift_left3A_1263 : vector<16xi32>
      %and3A_1265 = arith.constant 32767 : i32
      %and3A_1266 = vector.broadcast %and3A_1265 : i32 to vector<16xi32>
      %and3A_1267 = arith.andi %get3A_1254, %and3A_1266 : vector<16xi32>
      %shift_right_arithmetic3A_1268 = arith.constant 12 : i32
      %shift_right_arithmetic3A_1269 = vector.broadcast %shift_right_arithmetic3A_1268 : i32 to vector<16xi32>
      %shift_right_arithmetic3A_1270 = arith.shrsi %and3A_1267, %shift_right_arithmetic3A_1269 : vector<16xi32>
      %or3A_1271 = arith.ori %or3A_1264, %shift_right_arithmetic3A_1270 : vector<16xi32>
      %swap3A_1272 = arith.constant 4 : i32
      %swap3A_1273 = arith.index_cast %swap3A_1272 : i32 to index
      %swap3A_1274 = arith.constant 80 : index
      %swap3A_1275 = tpu.vector_load %arg9[%swap3A_1273, %swap3A_1274] {strides = array<i32>} : memref<8x128xi32, #tpu.memory_space<vmem>>, vector<1x16xi32>,
      %swap3A_1276 = vector.shape_cast %swap3A_1275 : vector<1x16xi32> to vector<16xi32>
      %swap3A_1277 = vector.shape_cast %or3A_1271 : vector<16xi32> to vector<1x16xi32>
      tpu.vector_store %arg9[%swap3A_1273, %swap3A_1274], %swap3A_1277 {strides = array<i32>} : memref<8x128xi32, #tpu.memory_space<vmem>>, vector<1x16xi32>,
      %get3A_1278 = arith.constant 4 : i32
      %get3A_1279 = arith.index_cast %get3A_1278 : i32 to index
      %get3A_1280 = arith.constant 96 : index
      %get3A_1281 = tpu.vector_load %arg8[%get3A_1279, %get3A_1280] {strides = array<i32>} : memref<8x128xi32, #tpu.memory_space<vmem>>, vector<1x16xi32>,
      %get3A_1282 = vector.shape_cast %get3A_1281 : vector<1x16xi32> to vector<16xi32>
      %and3A_1283 = arith.constant -32768 : i32
      %and3A_1284 = vector.broadcast %and3A_1283 : i32 to vector<16xi32>
      %and3A_1285 = arith.andi %get3A_1282, %and3A_1284 : vector<16xi32>
      %and3A_1286 = arith.constant 4095 : i32
      %and3A_1287 = vector.broadcast %and3A_1286 : i32 to vector<16xi32>
      %and3A_1288 = arith.andi %get3A_1282, %and3A_1287 : vector<16xi32>
      %shift_left3A_1289 = arith.constant 3 : i32
      %shift_left3A_1290 = vector.broadcast %shift_left3A_1289 : i32 to vector<16xi32>
      %shift_left3A_1291 = arith.shli %and3A_1288, %shift_left3A_1290 : vector<16xi32>
      %or3A_1292 = arith.ori %and3A_1285, %shift_left3A_1291 : vector<16xi32>
      %and3A_1293 = arith.constant 32767 : i32
      %and3A_1294 = vector.broadcast %and3A_1293 : i32 to vector<16xi32>
      %and3A_1295 = arith.andi %get3A_1282, %and3A_1294 : vector<16xi32>
      %shift_right_arithmetic3A_1296 = arith.constant 12 : i32
      %shift_right_arithmetic3A_1297 = vector.broadcast %shift_right_arithmetic3A_1296 : i32 to vector<16xi32>
      %shift_right_arithmetic3A_1298 = arith.shrsi %and3A_1295, %shift_right_arithmetic3A_1297 : vector<16xi32>
      %or3A_1299 = arith.ori %or3A_1292, %shift_right_arithmetic3A_1298 : vector<16xi32>
      %swap3A_1300 = arith.constant 4 : i32
      %swap3A_1301 = arith.index_cast %swap3A_1300 : i32 to index
      %swap3A_1302 = arith.constant 96 : index
      %swap3A_1303 = tpu.vector_load %arg9[%swap3A_1301, %swap3A_1302] {strides = array<i32>} : memref<8x128xi32, #tpu.memory_space<vmem>>, vector<1x16xi32>,
      %swap3A_1304 = vector.shape_cast %swap3A_1303 : vector<1x16xi32> to vector<16xi32>
      %swap3A_1305 = vector.shape_cast %or3A_1299 : vector<16xi32> to vector<1x16xi32>
      tpu.vector_store %arg9[%swap3A_1301, %swap3A_1302], %swap3A_1305 {strides = array<i32>} : memref<8x128xi32, #tpu.memory_space<vmem>>, vector<1x16xi32>,
      %get3A_1306 = arith.constant 4 : i32
      %get3A_1307 = arith.index_cast %get3A_1306 : i32 to index
      %get3A_1308 = arith.constant 112 : index
      %get3A_1309 = tpu.vector_load %arg8[%get3A_1307, %get3A_1308] {strides = array<i32>} : memref<8x128xi32, #tpu.memory_space<vmem>>, vector<1x16xi32>,
      %get3A_1310 = vector.shape_cast %get3A_1309 : vector<1x16xi32> to vector<16xi32>
      %and3A_1311 = arith.constant -32768 : i32
      %and3A_1312 = vector.broadcast %and3A_1311 : i32 to vector<16xi32>
      %and3A_1313 = arith.andi %get3A_1310, %and3A_1312 : vector<16xi32>
      %and3A_1314 = arith.constant 4095 : i32
      %and3A_1315 = vector.broadcast %and3A_1314 : i32 to vector<16xi32>
      %and3A_1316 = arith.andi %get3A_1310, %and3A_1315 : vector<16xi32>
      %shift_left3A_1317 = arith.constant 3 : i32
      %shift_left3A_1318 = vector.broadcast %shift_left3A_1317 : i32 to vector<16xi32>
      %shift_left3A_1319 = arith.shli %and3A_1316, %shift_left3A_1318 : vector<16xi32>
      %or3A_1320 = arith.ori %and3A_1313, %shift_left3A_1319 : vector<16xi32>
      %and3A_1321 = arith.constant 32767 : i32
      %and3A_1322 = vector.broadcast %and3A_1321 : i32 to vector<16xi32>
      %and3A_1323 = arith.andi %get3A_1310, %and3A_1322 : vector<16xi32>
      %shift_right_arithmetic3A_1324 = arith.constant 12 : i32
      %shift_right_arithmetic3A_1325 = vector.broadcast %shift_right_arithmetic3A_1324 : i32 to vector<16xi32>
      %shift_right_arithmetic3A_1326 = arith.shrsi %and3A_1323, %shift_right_arithmetic3A_1325 : vector<16xi32>
      %or3A_1327 = arith.ori %or3A_1320, %shift_right_arithmetic3A_1326 : vector<16xi32>
      %swap3A_1328 = arith.constant 4 : i32
      %swap3A_1329 = arith.index_cast %swap3A_1328 : i32 to index
      %swap3A_1330 = arith.constant 112 : index
      %swap3A_1331 = tpu.vector_load %arg9[%swap3A_1329, %swap3A_1330] {strides = array<i32>} : memref<8x128xi32, #tpu.memory_space<vmem>>, vector<1x16xi32>,
      %swap3A_1332 = vector.shape_cast %swap3A_1331 : vector<1x16xi32> to vector<16xi32>
      %swap3A_1333 = vector.shape_cast %or3A_1327 : vector<16xi32> to vector<1x16xi32>
      tpu.vector_store %arg9[%swap3A_1329, %swap3A_1330], %swap3A_1333 {strides = array<i32>} : memref<8x128xi32, #tpu.memory_space<vmem>>, vector<1x16xi32>,
      %get3A_1334 = arith.constant 5 : i32
      %get3A_1335 = arith.index_cast %get3A_1334 : i32 to index
      %get3A_1336 = arith.constant 0 : index
      %get3A_1337 = tpu.vector_load %arg8[%get3A_1335, %get3A_1336] {strides = array<i32>} : memref<8x128xi32, #tpu.memory_space<vmem>>, vector<1x16xi32>,
      %get3A_1338 = vector.shape_cast %get3A_1337 : vector<1x16xi32> to vector<16xi32>
      %and3A_1339 = arith.constant -32768 : i32
      %and3A_1340 = vector.broadcast %and3A_1339 : i32 to vector<16xi32>
      %and3A_1341 = arith.andi %get3A_1338, %and3A_1340 : vector<16xi32>
      %and3A_1342 = arith.constant 4095 : i32
      %and3A_1343 = vector.broadcast %and3A_1342 : i32 to vector<16xi32>
      %and3A_1344 = arith.andi %get3A_1338, %and3A_1343 : vector<16xi32>
      %shift_left3A_1345 = arith.constant 3 : i32
      %shift_left3A_1346 = vector.broadcast %shift_left3A_1345 : i32 to vector<16xi32>
      %shift_left3A_1347 = arith.shli %and3A_1344, %shift_left3A_1346 : vector<16xi32>
      %or3A_1348 = arith.ori %and3A_1341, %shift_left3A_1347 : vector<16xi32>
      %and3A_1349 = arith.constant 32767 : i32
      %and3A_1350 = vector.broadcast %and3A_1349 : i32 to vector<16xi32>
      %and3A_1351 = arith.andi %get3A_1338, %and3A_1350 : vector<16xi32>
      %shift_right_arithmetic3A_1352 = arith.constant 12 : i32
      %shift_right_arithmetic3A_1353 = vector.broadcast %shift_right_arithmetic3A_1352 : i32 to vector<16xi32>
      %shift_right_arithmetic3A_1354 = arith.shrsi %and3A_1351, %shift_right_arithmetic3A_1353 : vector<16xi32>
      %or3A_1355 = arith.ori %or3A_1348, %shift_right_arithmetic3A_1354 : vector<16xi32>
      %swap3A_1356 = arith.constant 5 : i32
      %swap3A_1357 = arith.index_cast %swap3A_1356 : i32 to index
      %swap3A_1358 = arith.constant 0 : index
      %swap3A_1359 = tpu.vector_load %arg9[%swap3A_1357, %swap3A_1358] {strides = array<i32>} : memref<8x128xi32, #tpu.memory_space<vmem>>, vector<1x16xi32>,
      %swap3A_1360 = vector.shape_cast %swap3A_1359 : vector<1x16xi32> to vector<16xi32>
      %swap3A_1361 = vector.shape_cast %or3A_1355 : vector<16xi32> to vector<1x16xi32>
      tpu.vector_store %arg9[%swap3A_1357, %swap3A_1358], %swap3A_1361 {strides = array<i32>} : memref<8x128xi32, #tpu.memory_space<vmem>>, vector<1x16xi32>,
      %get3A_1362 = arith.constant 5 : i32
      %get3A_1363 = arith.index_cast %get3A_1362 : i32 to index
      %get3A_1364 = arith.constant 16 : index
      %get3A_1365 = tpu.vector_load %arg8[%get3A_1363, %get3A_1364] {strides = array<i32>} : memref<8x128xi32, #tpu.memory_space<vmem>>, vector<1x16xi32>,
      %get3A_1366 = vector.shape_cast %get3A_1365 : vector<1x16xi32> to vector<16xi32>
      %and3A_1367 = arith.constant -32768 : i32
      %and3A_1368 = vector.broadcast %and3A_1367 : i32 to vector<16xi32>
      %and3A_1369 = arith.andi %get3A_1366, %and3A_1368 : vector<16xi32>
      %and3A_1370 = arith.constant 4095 : i32
      %and3A_1371 = vector.broadcast %and3A_1370 : i32 to vector<16xi32>
      %and3A_1372 = arith.andi %get3A_1366, %and3A_1371 : vector<16xi32>
      %shift_left3A_1373 = arith.constant 3 : i32
      %shift_left3A_1374 = vector.broadcast %shift_left3A_1373 : i32 to vector<16xi32>
      %shift_left3A_1375 = arith.shli %and3A_1372, %shift_left3A_1374 : vector<16xi32>
      %or3A_1376 = arith.ori %and3A_1369, %shift_left3A_1375 : vector<16xi32>
      %and3A_1377 = arith.constant 32767 : i32
      %and3A_1378 = vector.broadcast %and3A_1377 : i32 to vector<16xi32>
      %and3A_1379 = arith.andi %get3A_1366, %and3A_1378 : vector<16xi32>
      %shift_right_arithmetic3A_1380 = arith.constant 12 : i32
      %shift_right_arithmetic3A_1381 = vector.broadcast %shift_right_arithmetic3A_1380 : i32 to vector<16xi32>
      %shift_right_arithmetic3A_1382 = arith.shrsi %and3A_1379, %shift_right_arithmetic3A_1381 : vector<16xi32>
      %or3A_1383 = arith.ori %or3A_1376, %shift_right_arithmetic3A_1382 : vector<16xi32>
      %swap3A_1384 = arith.constant 5 : i32
      %swap3A_1385 = arith.index_cast %swap3A_1384 : i32 to index
      %swap3A_1386 = arith.constant 16 : index
      %swap3A_1387 = tpu.vector_load %arg9[%swap3A_1385, %swap3A_1386] {strides = array<i32>} : memref<8x128xi32, #tpu.memory_space<vmem>>, vector<1x16xi32>,
      %swap3A_1388 = vector.shape_cast %swap3A_1387 : vector<1x16xi32> to vector<16xi32>
      %swap3A_1389 = vector.shape_cast %or3A_1383 : vector<16xi32> to vector<1x16xi32>
      tpu.vector_store %arg9[%swap3A_1385, %swap3A_1386], %swap3A_1389 {strides = array<i32>} : memref<8x128xi32, #tpu.memory_space<vmem>>, vector<1x16xi32>,
      %get3A_1390 = arith.constant 5 : i32
      %get3A_1391 = arith.index_cast %get3A_1390 : i32 to index
      %get3A_1392 = arith.constant 32 : index
      %get3A_1393 = tpu.vector_load %arg8[%get3A_1391, %get3A_1392] {strides = array<i32>} : memref<8x128xi32, #tpu.memory_space<vmem>>, vector<1x16xi32>,
      %get3A_1394 = vector.shape_cast %get3A_1393 : vector<1x16xi32> to vector<16xi32>
      %and3A_1395 = arith.constant -32768 : i32
      %and3A_1396 = vector.broadcast %and3A_1395 : i32 to vector<16xi32>
      %and3A_1397 = arith.andi %get3A_1394, %and3A_1396 : vector<16xi32>
      %and3A_1398 = arith.constant 4095 : i32
      %and3A_1399 = vector.broadcast %and3A_1398 : i32 to vector<16xi32>
      %and3A_1400 = arith.andi %get3A_1394, %and3A_1399 : vector<16xi32>
      %shift_left3A_1401 = arith.constant 3 : i32
      %shift_left3A_1402 = vector.broadcast %shift_left3A_1401 : i32 to vector<16xi32>
      %shift_left3A_1403 = arith.shli %and3A_1400, %shift_left3A_1402 : vector<16xi32>
      %or3A_1404 = arith.ori %and3A_1397, %shift_left3A_1403 : vector<16xi32>
      %and3A_1405 = arith.constant 32767 : i32
      %and3A_1406 = vector.broadcast %and3A_1405 : i32 to vector<16xi32>
      %and3A_1407 = arith.andi %get3A_1394, %and3A_1406 : vector<16xi32>
      %shift_right_arithmetic3A_1408 = arith.constant 12 : i32
      %shift_right_arithmetic3A_1409 = vector.broadcast %shift_right_arithmetic3A_1408 : i32 to vector<16xi32>
      %shift_right_arithmetic3A_1410 = arith.shrsi %and3A_1407, %shift_right_arithmetic3A_1409 : vector<16xi32>
      %or3A_1411 = arith.ori %or3A_1404, %shift_right_arithmetic3A_1410 : vector<16xi32>
      %swap3A_1412 = arith.constant 5 : i32
      %swap3A_1413 = arith.index_cast %swap3A_1412 : i32 to index
      %swap3A_1414 = arith.constant 32 : index
      %swap3A_1415 = tpu.vector_load %arg9[%swap3A_1413, %swap3A_1414] {strides = array<i32>} : memref<8x128xi32, #tpu.memory_space<vmem>>, vector<1x16xi32>,
      %swap3A_1416 = vector.shape_cast %swap3A_1415 : vector<1x16xi32> to vector<16xi32>
      %swap3A_1417 = vector.shape_cast %or3A_1411 : vector<16xi32> to vector<1x16xi32>
      tpu.vector_store %arg9[%swap3A_1413, %swap3A_1414], %swap3A_1417 {strides = array<i32>} : memref<8x128xi32, #tpu.memory_space<vmem>>, vector<1x16xi32>,
      %get3A_1418 = arith.constant 5 : i32
      %get3A_1419 = arith.index_cast %get3A_1418 : i32 to index
      %get3A_1420 = arith.constant 48 : index
      %get3A_1421 = tpu.vector_load %arg8[%get3A_1419, %get3A_1420] {strides = array<i32>} : memref<8x128xi32, #tpu.memory_space<vmem>>, vector<1x16xi32>,
      %get3A_1422 = vector.shape_cast %get3A_1421 : vector<1x16xi32> to vector<16xi32>
      %and3A_1423 = arith.constant -32768 : i32
      %and3A_1424 = vector.broadcast %and3A_1423 : i32 to vector<16xi32>
      %and3A_1425 = arith.andi %get3A_1422, %and3A_1424 : vector<16xi32>
      %and3A_1426 = arith.constant 4095 : i32
      %and3A_1427 = vector.broadcast %and3A_1426 : i32 to vector<16xi32>
      %and3A_1428 = arith.andi %get3A_1422, %and3A_1427 : vector<16xi32>
      %shift_left3A_1429 = arith.constant 3 : i32
      %shift_left3A_1430 = vector.broadcast %shift_left3A_1429 : i32 to vector<16xi32>
      %shift_left3A_1431 = arith.shli %and3A_1428, %shift_left3A_1430 : vector<16xi32>
      %or3A_1432 = arith.ori %and3A_1425, %shift_left3A_1431 : vector<16xi32>
      %and3A_1433 = arith.constant 32767 : i32
      %and3A_1434 = vector.broadcast %and3A_1433 : i32 to vector<16xi32>
      %and3A_1435 = arith.andi %get3A_1422, %and3A_1434 : vector<16xi32>
      %shift_right_arithmetic3A_1436 = arith.constant 12 : i32
      %shift_right_arithmetic3A_1437 = vector.broadcast %shift_right_arithmetic3A_1436 : i32 to vector<16xi32>
      %shift_right_arithmetic3A_1438 = arith.shrsi %and3A_1435, %shift_right_arithmetic3A_1437 : vector<16xi32>
      %or3A_1439 = arith.ori %or3A_1432, %shift_right_arithmetic3A_1438 : vector<16xi32>
      %swap3A_1440 = arith.constant 5 : i32
      %swap3A_1441 = arith.index_cast %swap3A_1440 : i32 to index
      %swap3A_1442 = arith.constant 48 : index
      %swap3A_1443 = tpu.vector_load %arg9[%swap3A_1441, %swap3A_1442] {strides = array<i32>} : memref<8x128xi32, #tpu.memory_space<vmem>>, vector<1x16xi32>,
      %swap3A_1444 = vector.shape_cast %swap3A_1443 : vector<1x16xi32> to vector<16xi32>
      %swap3A_1445 = vector.shape_cast %or3A_1439 : vector<16xi32> to vector<1x16xi32>
      tpu.vector_store %arg9[%swap3A_1441, %swap3A_1442], %swap3A_1445 {strides = array<i32>} : memref<8x128xi32, #tpu.memory_space<vmem>>, vector<1x16xi32>,
      %get3A_1446 = arith.constant 5 : i32
      %get3A_1447 = arith.index_cast %get3A_1446 : i32 to index
      %get3A_1448 = arith.constant 64 : index
      %get3A_1449 = tpu.vector_load %arg8[%get3A_1447, %get3A_1448] {strides = array<i32>} : memref<8x128xi32, #tpu.memory_space<vmem>>, vector<1x16xi32>,
      %get3A_1450 = vector.shape_cast %get3A_1449 : vector<1x16xi32> to vector<16xi32>
      %and3A_1451 = arith.constant -32768 : i32
      %and3A_1452 = vector.broadcast %and3A_1451 : i32 to vector<16xi32>
      %and3A_1453 = arith.andi %get3A_1450, %and3A_1452 : vector<16xi32>
      %and3A_1454 = arith.constant 4095 : i32
      %and3A_1455 = vector.broadcast %and3A_1454 : i32 to vector<16xi32>
      %and3A_1456 = arith.andi %get3A_1450, %and3A_1455 : vector<16xi32>
      %shift_left3A_1457 = arith.constant 3 : i32
      %shift_left3A_1458 = vector.broadcast %shift_left3A_1457 : i32 to vector<16xi32>
      %shift_left3A_1459 = arith.shli %and3A_1456, %shift_left3A_1458 : vector<16xi32>
      %or3A_1460 = arith.ori %and3A_1453, %shift_left3A_1459 : vector<16xi32>
      %and3A_1461 = arith.constant 32767 : i32
      %and3A_1462 = vector.broadcast %and3A_1461 : i32 to vector<16xi32>
      %and3A_1463 = arith.andi %get3A_1450, %and3A_1462 : vector<16xi32>
      %shift_right_arithmetic3A_1464 = arith.constant 12 : i32
      %shift_right_arithmetic3A_1465 = vector.broadcast %shift_right_arithmetic3A_1464 : i32 to vector<16xi32>
      %shift_right_arithmetic3A_1466 = arith.shrsi %and3A_1463, %shift_right_arithmetic3A_1465 : vector<16xi32>
      %or3A_1467 = arith.ori %or3A_1460, %shift_right_arithmetic3A_1466 : vector<16xi32>
      %swap3A_1468 = arith.constant 5 : i32
      %swap3A_1469 = arith.index_cast %swap3A_1468 : i32 to index
      %swap3A_1470 = arith.constant 64 : index
      %swap3A_1471 = tpu.vector_load %arg9[%swap3A_1469, %swap3A_1470] {strides = array<i32>} : memref<8x128xi32, #tpu.memory_space<vmem>>, vector<1x16xi32>,
      %swap3A_1472 = vector.shape_cast %swap3A_1471 : vector<1x16xi32> to vector<16xi32>
      %swap3A_1473 = vector.shape_cast %or3A_1467 : vector<16xi32> to vector<1x16xi32>
      tpu.vector_store %arg9[%swap3A_1469, %swap3A_1470], %swap3A_1473 {strides = array<i32>} : memref<8x128xi32, #tpu.memory_space<vmem>>, vector<1x16xi32>,
      %get3A_1474 = arith.constant 5 : i32
      %get3A_1475 = arith.index_cast %get3A_1474 : i32 to index
      %get3A_1476 = arith.constant 80 : index
      %get3A_1477 = tpu.vector_load %arg8[%get3A_1475, %get3A_1476] {strides = array<i32>} : memref<8x128xi32, #tpu.memory_space<vmem>>, vector<1x16xi32>,
      %get3A_1478 = vector.shape_cast %get3A_1477 : vector<1x16xi32> to vector<16xi32>
      %and3A_1479 = arith.constant -32768 : i32
      %and3A_1480 = vector.broadcast %and3A_1479 : i32 to vector<16xi32>
      %and3A_1481 = arith.andi %get3A_1478, %and3A_1480 : vector<16xi32>
      %and3A_1482 = arith.constant 4095 : i32
      %and3A_1483 = vector.broadcast %and3A_1482 : i32 to vector<16xi32>
      %and3A_1484 = arith.andi %get3A_1478, %and3A_1483 : vector<16xi32>
      %shift_left3A_1485 = arith.constant 3 : i32
      %shift_left3A_1486 = vector.broadcast %shift_left3A_1485 : i32 to vector<16xi32>
      %shift_left3A_1487 = arith.shli %and3A_1484, %shift_left3A_1486 : vector<16xi32>
      %or3A_1488 = arith.ori %and3A_1481, %shift_left3A_1487 : vector<16xi32>
      %and3A_1489 = arith.constant 32767 : i32
      %and3A_1490 = vector.broadcast %and3A_1489 : i32 to vector<16xi32>
      %and3A_1491 = arith.andi %get3A_1478, %and3A_1490 : vector<16xi32>
      %shift_right_arithmetic3A_1492 = arith.constant 12 : i32
      %shift_right_arithmetic3A_1493 = vector.broadcast %shift_right_arithmetic3A_1492 : i32 to vector<16xi32>
      %shift_right_arithmetic3A_1494 = arith.shrsi %and3A_1491, %shift_right_arithmetic3A_1493 : vector<16xi32>
      %or3A_1495 = arith.ori %or3A_1488, %shift_right_arithmetic3A_1494 : vector<16xi32>
      %swap3A_1496 = arith.constant 5 : i32
      %swap3A_1497 = arith.index_cast %swap3A_1496 : i32 to index
      %swap3A_1498 = arith.constant 80 : index
      %swap3A_1499 = tpu.vector_load %arg9[%swap3A_1497, %swap3A_1498] {strides = array<i32>} : memref<8x128xi32, #tpu.memory_space<vmem>>, vector<1x16xi32>,
      %swap3A_1500 = vector.shape_cast %swap3A_1499 : vector<1x16xi32> to vector<16xi32>
      %swap3A_1501 = vector.shape_cast %or3A_1495 : vector<16xi32> to vector<1x16xi32>
      tpu.vector_store %arg9[%swap3A_1497, %swap3A_1498], %swap3A_1501 {strides = array<i32>} : memref<8x128xi32, #tpu.memory_space<vmem>>, vector<1x16xi32>,
      %get3A_1502 = arith.constant 5 : i32
      %get3A_1503 = arith.index_cast %get3A_1502 : i32 to index
      %get3A_1504 = arith.constant 96 : index
      %get3A_1505 = tpu.vector_load %arg8[%get3A_1503, %get3A_1504] {strides = array<i32>} : memref<8x128xi32, #tpu.memory_space<vmem>>, vector<1x16xi32>,
      %get3A_1506 = vector.shape_cast %get3A_1505 : vector<1x16xi32> to vector<16xi32>
      %and3A_1507 = arith.constant -32768 : i32
      %and3A_1508 = vector.broadcast %and3A_1507 : i32 to vector<16xi32>
      %and3A_1509 = arith.andi %get3A_1506, %and3A_1508 : vector<16xi32>
      %and3A_1510 = arith.constant 4095 : i32
      %and3A_1511 = vector.broadcast %and3A_1510 : i32 to vector<16xi32>
      %and3A_1512 = arith.andi %get3A_1506, %and3A_1511 : vector<16xi32>
      %shift_left3A_1513 = arith.constant 3 : i32
      %shift_left3A_1514 = vector.broadcast %shift_left3A_1513 : i32 to vector<16xi32>
      %shift_left3A_1515 = arith.shli %and3A_1512, %shift_left3A_1514 : vector<16xi32>
      %or3A_1516 = arith.ori %and3A_1509, %shift_left3A_1515 : vector<16xi32>
      %and3A_1517 = arith.constant 32767 : i32
      %and3A_1518 = vector.broadcast %and3A_1517 : i32 to vector<16xi32>
      %and3A_1519 = arith.andi %get3A_1506, %and3A_1518 : vector<16xi32>
      %shift_right_arithmetic3A_1520 = arith.constant 12 : i32
      %shift_right_arithmetic3A_1521 = vector.broadcast %shift_right_arithmetic3A_1520 : i32 to vector<16xi32>
      %shift_right_arithmetic3A_1522 = arith.shrsi %and3A_1519, %shift_right_arithmetic3A_1521 : vector<16xi32>
      %or3A_1523 = arith.ori %or3A_1516, %shift_right_arithmetic3A_1522 : vector<16xi32>
      %swap3A_1524 = arith.constant 5 : i32
      %swap3A_1525 = arith.index_cast %swap3A_1524 : i32 to index
      %swap3A_1526 = arith.constant 96 : index
      %swap3A_1527 = tpu.vector_load %arg9[%swap3A_1525, %swap3A_1526] {strides = array<i32>} : memref<8x128xi32, #tpu.memory_space<vmem>>, vector<1x16xi32>,
      %swap3A_1528 = vector.shape_cast %swap3A_1527 : vector<1x16xi32> to vector<16xi32>
      %swap3A_1529 = vector.shape_cast %or3A_1523 : vector<16xi32> to vector<1x16xi32>
      tpu.vector_store %arg9[%swap3A_1525, %swap3A_1526], %swap3A_1529 {strides = array<i32>} : memref<8x128xi32, #tpu.memory_space<vmem>>, vector<1x16xi32>,
      %get3A_1530 = arith.constant 5 : i32
      %get3A_1531 = arith.index_cast %get3A_1530 : i32 to index
      %get3A_1532 = arith.constant 112 : index
      %get3A_1533 = tpu.vector_load %arg8[%get3A_1531, %get3A_1532] {strides = array<i32>} : memref<8x128xi32, #tpu.memory_space<vmem>>, vector<1x16xi32>,
      %get3A_1534 = vector.shape_cast %get3A_1533 : vector<1x16xi32> to vector<16xi32>
      %and3A_1535 = arith.constant -32768 : i32
      %and3A_1536 = vector.broadcast %and3A_1535 : i32 to vector<16xi32>
      %and3A_1537 = arith.andi %get3A_1534, %and3A_1536 : vector<16xi32>
      %and3A_1538 = arith.constant 4095 : i32
      %and3A_1539 = vector.broadcast %and3A_1538 : i32 to vector<16xi32>
      %and3A_1540 = arith.andi %get3A_1534, %and3A_1539 : vector<16xi32>
      %shift_left3A_1541 = arith.constant 3 : i32
      %shift_left3A_1542 = vector.broadcast %shift_left3A_1541 : i32 to vector<16xi32>
      %shift_left3A_1543 = arith.shli %and3A_1540, %shift_left3A_1542 : vector<16xi32>
      %or3A_1544 = arith.ori %and3A_1537, %shift_left3A_1543 : vector<16xi32>
      %and3A_1545 = arith.constant 32767 : i32
      %and3A_1546 = vector.broadcast %and3A_1545 : i32 to vector<16xi32>
      %and3A_1547 = arith.andi %get3A_1534, %and3A_1546 : vector<16xi32>
      %shift_right_arithmetic3A_1548 = arith.constant 12 : i32
      %shift_right_arithmetic3A_1549 = vector.broadcast %shift_right_arithmetic3A_1548 : i32 to vector<16xi32>
      %shift_right_arithmetic3A_1550 = arith.shrsi %and3A_1547, %shift_right_arithmetic3A_1549 : vector<16xi32>
      %or3A_1551 = arith.ori %or3A_1544, %shift_right_arithmetic3A_1550 : vector<16xi32>
      %swap3A_1552 = arith.constant 5 : i32
      %swap3A_1553 = arith.index_cast %swap3A_1552 : i32 to index
      %swap3A_1554 = arith.constant 112 : index
      %swap3A_1555 = tpu.vector_load %arg9[%swap3A_1553, %swap3A_1554] {strides = array<i32>} : memref<8x128xi32, #tpu.memory_space<vmem>>, vector<1x16xi32>,
      %swap3A_1556 = vector.shape_cast %swap3A_1555 : vector<1x16xi32> to vector<16xi32>
      %swap3A_1557 = vector.shape_cast %or3A_1551 : vector<16xi32> to vector<1x16xi32>
      tpu.vector_store %arg9[%swap3A_1553, %swap3A_1554], %swap3A_1557 {strides = array<i32>} : memref<8x128xi32, #tpu.memory_space<vmem>>, vector<1x16xi32>,
      %get3A_1558 = arith.constant 6 : i32
      %get3A_1559 = arith.index_cast %get3A_1558 : i32 to index
      %get3A_1560 = arith.constant 0 : index
      %get3A_1561 = tpu.vector_load %arg8[%get3A_1559, %get3A_1560] {strides = array<i32>} : memref<8x128xi32, #tpu.memory_space<vmem>>, vector<1x16xi32>,
      %get3A_1562 = vector.shape_cast %get3A_1561 : vector<1x16xi32> to vector<16xi32>
      %and3A_1563 = arith.constant -32768 : i32
      %and3A_1564 = vector.broadcast %and3A_1563 : i32 to vector<16xi32>
      %and3A_1565 = arith.andi %get3A_1562, %and3A_1564 : vector<16xi32>
      %and3A_1566 = arith.constant 4095 : i32
      %and3A_1567 = vector.broadcast %and3A_1566 : i32 to vector<16xi32>
      %and3A_1568 = arith.andi %get3A_1562, %and3A_1567 : vector<16xi32>
      %shift_left3A_1569 = arith.constant 3 : i32
      %shift_left3A_1570 = vector.broadcast %shift_left3A_1569 : i32 to vector<16xi32>
      %shift_left3A_1571 = arith.shli %and3A_1568, %shift_left3A_1570 : vector<16xi32>
      %or3A_1572 = arith.ori %and3A_1565, %shift_left3A_1571 : vector<16xi32>
      %and3A_1573 = arith.constant 32767 : i32
      %and3A_1574 = vector.broadcast %and3A_1573 : i32 to vector<16xi32>
      %and3A_1575 = arith.andi %get3A_1562, %and3A_1574 : vector<16xi32>
      %shift_right_arithmetic3A_1576 = arith.constant 12 : i32
      %shift_right_arithmetic3A_1577 = vector.broadcast %shift_right_arithmetic3A_1576 : i32 to vector<16xi32>
      %shift_right_arithmetic3A_1578 = arith.shrsi %and3A_1575, %shift_right_arithmetic3A_1577 : vector<16xi32>
      %or3A_1579 = arith.ori %or3A_1572, %shift_right_arithmetic3A_1578 : vector<16xi32>
      %swap3A_1580 = arith.constant 6 : i32
      %swap3A_1581 = arith.index_cast %swap3A_1580 : i32 to index
      %swap3A_1582 = arith.constant 0 : index
      %swap3A_1583 = tpu.vector_load %arg9[%swap3A_1581, %swap3A_1582] {strides = array<i32>} : memref<8x128xi32, #tpu.memory_space<vmem>>, vector<1x16xi32>,
      %swap3A_1584 = vector.shape_cast %swap3A_1583 : vector<1x16xi32> to vector<16xi32>
      %swap3A_1585 = vector.shape_cast %or3A_1579 : vector<16xi32> to vector<1x16xi32>
      tpu.vector_store %arg9[%swap3A_1581, %swap3A_1582], %swap3A_1585 {strides = array<i32>} : memref<8x128xi32, #tpu.memory_space<vmem>>, vector<1x16xi32>,
      %get3A_1586 = arith.constant 6 : i32
      %get3A_1587 = arith.index_cast %get3A_1586 : i32 to index
      %get3A_1588 = arith.constant 16 : index
      %get3A_1589 = tpu.vector_load %arg8[%get3A_1587, %get3A_1588] {strides = array<i32>} : memref<8x128xi32, #tpu.memory_space<vmem>>, vector<1x16xi32>,
      %get3A_1590 = vector.shape_cast %get3A_1589 : vector<1x16xi32> to vector<16xi32>
      %and3A_1591 = arith.constant -32768 : i32
      %and3A_1592 = vector.broadcast %and3A_1591 : i32 to vector<16xi32>
      %and3A_1593 = arith.andi %get3A_1590, %and3A_1592 : vector<16xi32>
      %and3A_1594 = arith.constant 4095 : i32
      %and3A_1595 = vector.broadcast %and3A_1594 : i32 to vector<16xi32>
      %and3A_1596 = arith.andi %get3A_1590, %and3A_1595 : vector<16xi32>
      %shift_left3A_1597 = arith.constant 3 : i32
      %shift_left3A_1598 = vector.broadcast %shift_left3A_1597 : i32 to vector<16xi32>
      %shift_left3A_1599 = arith.shli %and3A_1596, %shift_left3A_1598 : vector<16xi32>
      %or3A_1600 = arith.ori %and3A_1593, %shift_left3A_1599 : vector<16xi32>
      %and3A_1601 = arith.constant 32767 : i32
      %and3A_1602 = vector.broadcast %and3A_1601 : i32 to vector<16xi32>
      %and3A_1603 = arith.andi %get3A_1590, %and3A_1602 : vector<16xi32>
      %shift_right_arithmetic3A_1604 = arith.constant 12 : i32
      %shift_right_arithmetic3A_1605 = vector.broadcast %shift_right_arithmetic3A_1604 : i32 to vector<16xi32>
      %shift_right_arithmetic3A_1606 = arith.shrsi %and3A_1603, %shift_right_arithmetic3A_1605 : vector<16xi32>
      %or3A_1607 = arith.ori %or3A_1600, %shift_right_arithmetic3A_1606 : vector<16xi32>
      %swap3A_1608 = arith.constant 6 : i32
      %swap3A_1609 = arith.index_cast %swap3A_1608 : i32 to index
      %swap3A_1610 = arith.constant 16 : index
      %swap3A_1611 = tpu.vector_load %arg9[%swap3A_1609, %swap3A_1610] {strides = array<i32>} : memref<8x128xi32, #tpu.memory_space<vmem>>, vector<1x16xi32>,
      %swap3A_1612 = vector.shape_cast %swap3A_1611 : vector<1x16xi32> to vector<16xi32>
      %swap3A_1613 = vector.shape_cast %or3A_1607 : vector<16xi32> to vector<1x16xi32>
      tpu.vector_store %arg9[%swap3A_1609, %swap3A_1610], %swap3A_1613 {strides = array<i32>} : memref<8x128xi32, #tpu.memory_space<vmem>>, vector<1x16xi32>,
      %get3A_1614 = arith.constant 6 : i32
      %get3A_1615 = arith.index_cast %get3A_1614 : i32 to index
      %get3A_1616 = arith.constant 32 : index
      %get3A_1617 = tpu.vector_load %arg8[%get3A_1615, %get3A_1616] {strides = array<i32>} : memref<8x128xi32, #tpu.memory_space<vmem>>, vector<1x16xi32>,
      %get3A_1618 = vector.shape_cast %get3A_1617 : vector<1x16xi32> to vector<16xi32>
      %and3A_1619 = arith.constant -32768 : i32
      %and3A_1620 = vector.broadcast %and3A_1619 : i32 to vector<16xi32>
      %and3A_1621 = arith.andi %get3A_1618, %and3A_1620 : vector<16xi32>
      %and3A_1622 = arith.constant 4095 : i32
      %and3A_1623 = vector.broadcast %and3A_1622 : i32 to vector<16xi32>
      %and3A_1624 = arith.andi %get3A_1618, %and3A_1623 : vector<16xi32>
      %shift_left3A_1625 = arith.constant 3 : i32
      %shift_left3A_1626 = vector.broadcast %shift_left3A_1625 : i32 to vector<16xi32>
      %shift_left3A_1627 = arith.shli %and3A_1624, %shift_left3A_1626 : vector<16xi32>
      %or3A_1628 = arith.ori %and3A_1621, %shift_left3A_1627 : vector<16xi32>
      %and3A_1629 = arith.constant 32767 : i32
      %and3A_1630 = vector.broadcast %and3A_1629 : i32 to vector<16xi32>
      %and3A_1631 = arith.andi %get3A_1618, %and3A_1630 : vector<16xi32>
      %shift_right_arithmetic3A_1632 = arith.constant 12 : i32
      %shift_right_arithmetic3A_1633 = vector.broadcast %shift_right_arithmetic3A_1632 : i32 to vector<16xi32>
      %shift_right_arithmetic3A_1634 = arith.shrsi %and3A_1631, %shift_right_arithmetic3A_1633 : vector<16xi32>
      %or3A_1635 = arith.ori %or3A_1628, %shift_right_arithmetic3A_1634 : vector<16xi32>
      %swap3A_1636 = arith.constant 6 : i32
      %swap3A_1637 = arith.index_cast %swap3A_1636 : i32 to index
      %swap3A_1638 = arith.constant 32 : index
      %swap3A_1639 = tpu.vector_load %arg9[%swap3A_1637, %swap3A_1638] {strides = array<i32>} : memref<8x128xi32, #tpu.memory_space<vmem>>, vector<1x16xi32>,
      %swap3A_1640 = vector.shape_cast %swap3A_1639 : vector<1x16xi32> to vector<16xi32>
      %swap3A_1641 = vector.shape_cast %or3A_1635 : vector<16xi32> to vector<1x16xi32>
      tpu.vector_store %arg9[%swap3A_1637, %swap3A_1638], %swap3A_1641 {strides = array<i32>} : memref<8x128xi32, #tpu.memory_space<vmem>>, vector<1x16xi32>,
      %get3A_1642 = arith.constant 6 : i32
      %get3A_1643 = arith.index_cast %get3A_1642 : i32 to index
      %get3A_1644 = arith.constant 48 : index
      %get3A_1645 = tpu.vector_load %arg8[%get3A_1643, %get3A_1644] {strides = array<i32>} : memref<8x128xi32, #tpu.memory_space<vmem>>, vector<1x16xi32>,
      %get3A_1646 = vector.shape_cast %get3A_1645 : vector<1x16xi32> to vector<16xi32>
      %and3A_1647 = arith.constant -32768 : i32
      %and3A_1648 = vector.broadcast %and3A_1647 : i32 to vector<16xi32>
      %and3A_1649 = arith.andi %get3A_1646, %and3A_1648 : vector<16xi32>
      %and3A_1650 = arith.constant 4095 : i32
      %and3A_1651 = vector.broadcast %and3A_1650 : i32 to vector<16xi32>
      %and3A_1652 = arith.andi %get3A_1646, %and3A_1651 : vector<16xi32>
      %shift_left3A_1653 = arith.constant 3 : i32
      %shift_left3A_1654 = vector.broadcast %shift_left3A_1653 : i32 to vector<16xi32>
      %shift_left3A_1655 = arith.shli %and3A_1652, %shift_left3A_1654 : vector<16xi32>
      %or3A_1656 = arith.ori %and3A_1649, %shift_left3A_1655 : vector<16xi32>
      %and3A_1657 = arith.constant 32767 : i32
      %and3A_1658 = vector.broadcast %and3A_1657 : i32 to vector<16xi32>
      %and3A_1659 = arith.andi %get3A_1646, %and3A_1658 : vector<16xi32>
      %shift_right_arithmetic3A_1660 = arith.constant 12 : i32
      %shift_right_arithmetic3A_1661 = vector.broadcast %shift_right_arithmetic3A_1660 : i32 to vector<16xi32>
      %shift_right_arithmetic3A_1662 = arith.shrsi %and3A_1659, %shift_right_arithmetic3A_1661 : vector<16xi32>
      %or3A_1663 = arith.ori %or3A_1656, %shift_right_arithmetic3A_1662 : vector<16xi32>
      %swap3A_1664 = arith.constant 6 : i32
      %swap3A_1665 = arith.index_cast %swap3A_1664 : i32 to index
      %swap3A_1666 = arith.constant 48 : index
      %swap3A_1667 = tpu.vector_load %arg9[%swap3A_1665, %swap3A_1666] {strides = array<i32>} : memref<8x128xi32, #tpu.memory_space<vmem>>, vector<1x16xi32>,
      %swap3A_1668 = vector.shape_cast %swap3A_1667 : vector<1x16xi32> to vector<16xi32>
      %swap3A_1669 = vector.shape_cast %or3A_1663 : vector<16xi32> to vector<1x16xi32>
      tpu.vector_store %arg9[%swap3A_1665, %swap3A_1666], %swap3A_1669 {strides = array<i32>} : memref<8x128xi32, #tpu.memory_space<vmem>>, vector<1x16xi32>,
      %get3A_1670 = arith.constant 6 : i32
      %get3A_1671 = arith.index_cast %get3A_1670 : i32 to index
      %get3A_1672 = arith.constant 64 : index
      %get3A_1673 = tpu.vector_load %arg8[%get3A_1671, %get3A_1672] {strides = array<i32>} : memref<8x128xi32, #tpu.memory_space<vmem>>, vector<1x16xi32>,
      %get3A_1674 = vector.shape_cast %get3A_1673 : vector<1x16xi32> to vector<16xi32>
      %and3A_1675 = arith.constant -32768 : i32
      %and3A_1676 = vector.broadcast %and3A_1675 : i32 to vector<16xi32>
      %and3A_1677 = arith.andi %get3A_1674, %and3A_1676 : vector<16xi32>
      %and3A_1678 = arith.constant 4095 : i32
      %and3A_1679 = vector.broadcast %and3A_1678 : i32 to vector<16xi32>
      %and3A_1680 = arith.andi %get3A_1674, %and3A_1679 : vector<16xi32>
      %shift_left3A_1681 = arith.constant 3 : i32
      %shift_left3A_1682 = vector.broadcast %shift_left3A_1681 : i32 to vector<16xi32>
      %shift_left3A_1683 = arith.shli %and3A_1680, %shift_left3A_1682 : vector<16xi32>
      %or3A_1684 = arith.ori %and3A_1677, %shift_left3A_1683 : vector<16xi32>
      %and3A_1685 = arith.constant 32767 : i32
      %and3A_1686 = vector.broadcast %and3A_1685 : i32 to vector<16xi32>
      %and3A_1687 = arith.andi %get3A_1674, %and3A_1686 : vector<16xi32>
      %shift_right_arithmetic3A_1688 = arith.constant 12 : i32
      %shift_right_arithmetic3A_1689 = vector.broadcast %shift_right_arithmetic3A_1688 : i32 to vector<16xi32>
      %shift_right_arithmetic3A_1690 = arith.shrsi %and3A_1687, %shift_right_arithmetic3A_1689 : vector<16xi32>
      %or3A_1691 = arith.ori %or3A_1684, %shift_right_arithmetic3A_1690 : vector<16xi32>
      %swap3A_1692 = arith.constant 6 : i32
      %swap3A_1693 = arith.index_cast %swap3A_1692 : i32 to index
      %swap3A_1694 = arith.constant 64 : index
      %swap3A_1695 = tpu.vector_load %arg9[%swap3A_1693, %swap3A_1694] {strides = array<i32>} : memref<8x128xi32, #tpu.memory_space<vmem>>, vector<1x16xi32>,
      %swap3A_1696 = vector.shape_cast %swap3A_1695 : vector<1x16xi32> to vector<16xi32>
      %swap3A_1697 = vector.shape_cast %or3A_1691 : vector<16xi32> to vector<1x16xi32>
      tpu.vector_store %arg9[%swap3A_1693, %swap3A_1694], %swap3A_1697 {strides = array<i32>} : memref<8x128xi32, #tpu.memory_space<vmem>>, vector<1x16xi32>,
      %get3A_1698 = arith.constant 6 : i32
      %get3A_1699 = arith.index_cast %get3A_1698 : i32 to index
      %get3A_1700 = arith.constant 80 : index
      %get3A_1701 = tpu.vector_load %arg8[%get3A_1699, %get3A_1700] {strides = array<i32>} : memref<8x128xi32, #tpu.memory_space<vmem>>, vector<1x16xi32>,
      %get3A_1702 = vector.shape_cast %get3A_1701 : vector<1x16xi32> to vector<16xi32>
      %and3A_1703 = arith.constant -32768 : i32
      %and3A_1704 = vector.broadcast %and3A_1703 : i32 to vector<16xi32>
      %and3A_1705 = arith.andi %get3A_1702, %and3A_1704 : vector<16xi32>
      %and3A_1706 = arith.constant 4095 : i32
      %and3A_1707 = vector.broadcast %and3A_1706 : i32 to vector<16xi32>
      %and3A_1708 = arith.andi %get3A_1702, %and3A_1707 : vector<16xi32>
      %shift_left3A_1709 = arith.constant 3 : i32
      %shift_left3A_1710 = vector.broadcast %shift_left3A_1709 : i32 to vector<16xi32>
      %shift_left3A_1711 = arith.shli %and3A_1708, %shift_left3A_1710 : vector<16xi32>
      %or3A_1712 = arith.ori %and3A_1705, %shift_left3A_1711 : vector<16xi32>
      %and3A_1713 = arith.constant 32767 : i32
      %and3A_1714 = vector.broadcast %and3A_1713 : i32 to vector<16xi32>
      %and3A_1715 = arith.andi %get3A_1702, %and3A_1714 : vector<16xi32>
      %shift_right_arithmetic3A_1716 = arith.constant 12 : i32
      %shift_right_arithmetic3A_1717 = vector.broadcast %shift_right_arithmetic3A_1716 : i32 to vector<16xi32>
      %shift_right_arithmetic3A_1718 = arith.shrsi %and3A_1715, %shift_right_arithmetic3A_1717 : vector<16xi32>
      %or3A_1719 = arith.ori %or3A_1712, %shift_right_arithmetic3A_1718 : vector<16xi32>
      %swap3A_1720 = arith.constant 6 : i32
      %swap3A_1721 = arith.index_cast %swap3A_1720 : i32 to index
      %swap3A_1722 = arith.constant 80 : index
      %swap3A_1723 = tpu.vector_load %arg9[%swap3A_1721, %swap3A_1722] {strides = array<i32>} : memref<8x128xi32, #tpu.memory_space<vmem>>, vector<1x16xi32>,
      %swap3A_1724 = vector.shape_cast %swap3A_1723 : vector<1x16xi32> to vector<16xi32>
      %swap3A_1725 = vector.shape_cast %or3A_1719 : vector<16xi32> to vector<1x16xi32>
      tpu.vector_store %arg9[%swap3A_1721, %swap3A_1722], %swap3A_1725 {strides = array<i32>} : memref<8x128xi32, #tpu.memory_space<vmem>>, vector<1x16xi32>,
      %get3A_1726 = arith.constant 6 : i32
      %get3A_1727 = arith.index_cast %get3A_1726 : i32 to index
      %get3A_1728 = arith.constant 96 : index
      %get3A_1729 = tpu.vector_load %arg8[%get3A_1727, %get3A_1728] {strides = array<i32>} : memref<8x128xi32, #tpu.memory_space<vmem>>, vector<1x16xi32>,
      %get3A_1730 = vector.shape_cast %get3A_1729 : vector<1x16xi32> to vector<16xi32>
      %and3A_1731 = arith.constant -32768 : i32
      %and3A_1732 = vector.broadcast %and3A_1731 : i32 to vector<16xi32>
      %and3A_1733 = arith.andi %get3A_1730, %and3A_1732 : vector<16xi32>
      %and3A_1734 = arith.constant 4095 : i32
      %and3A_1735 = vector.broadcast %and3A_1734 : i32 to vector<16xi32>
      %and3A_1736 = arith.andi %get3A_1730, %and3A_1735 : vector<16xi32>
      %shift_left3A_1737 = arith.constant 3 : i32
      %shift_left3A_1738 = vector.broadcast %shift_left3A_1737 : i32 to vector<16xi32>
      %shift_left3A_1739 = arith.shli %and3A_1736, %shift_left3A_1738 : vector<16xi32>
      %or3A_1740 = arith.ori %and3A_1733, %shift_left3A_1739 : vector<16xi32>
      %and3A_1741 = arith.constant 32767 : i32
      %and3A_1742 = vector.broadcast %and3A_1741 : i32 to vector<16xi32>
      %and3A_1743 = arith.andi %get3A_1730, %and3A_1742 : vector<16xi32>
      %shift_right_arithmetic3A_1744 = arith.constant 12 : i32
      %shift_right_arithmetic3A_1745 = vector.broadcast %shift_right_arithmetic3A_1744 : i32 to vector<16xi32>
      %shift_right_arithmetic3A_1746 = arith.shrsi %and3A_1743, %shift_right_arithmetic3A_1745 : vector<16xi32>
      %or3A_1747 = arith.ori %or3A_1740, %shift_right_arithmetic3A_1746 : vector<16xi32>
      %swap3A_1748 = arith.constant 6 : i32
      %swap3A_1749 = arith.index_cast %swap3A_1748 : i32 to index
      %swap3A_1750 = arith.constant 96 : index
      %swap3A_1751 = tpu.vector_load %arg9[%swap3A_1749, %swap3A_1750] {strides = array<i32>} : memref<8x128xi32, #tpu.memory_space<vmem>>, vector<1x16xi32>,
      %swap3A_1752 = vector.shape_cast %swap3A_1751 : vector<1x16xi32> to vector<16xi32>
      %swap3A_1753 = vector.shape_cast %or3A_1747 : vector<16xi32> to vector<1x16xi32>
      tpu.vector_store %arg9[%swap3A_1749, %swap3A_1750], %swap3A_1753 {strides = array<i32>} : memref<8x128xi32, #tpu.memory_space<vmem>>, vector<1x16xi32>,
      %get3A_1754 = arith.constant 6 : i32
      %get3A_1755 = arith.index_cast %get3A_1754 : i32 to index
      %get3A_1756 = arith.constant 112 : index
      %get3A_1757 = tpu.vector_load %arg8[%get3A_1755, %get3A_1756] {strides = array<i32>} : memref<8x128xi32, #tpu.memory_space<vmem>>, vector<1x16xi32>,
      %get3A_1758 = vector.shape_cast %get3A_1757 : vector<1x16xi32> to vector<16xi32>
      %and3A_1759 = arith.constant -32768 : i32
      %and3A_1760 = vector.broadcast %and3A_1759 : i32 to vector<16xi32>
      %and3A_1761 = arith.andi %get3A_1758, %and3A_1760 : vector<16xi32>
      %and3A_1762 = arith.constant 4095 : i32
      %and3A_1763 = vector.broadcast %and3A_1762 : i32 to vector<16xi32>
      %and3A_1764 = arith.andi %get3A_1758, %and3A_1763 : vector<16xi32>
      %shift_left3A_1765 = arith.constant 3 : i32
      %shift_left3A_1766 = vector.broadcast %shift_left3A_1765 : i32 to vector<16xi32>
      %shift_left3A_1767 = arith.shli %and3A_1764, %shift_left3A_1766 : vector<16xi32>
      %or3A_1768 = arith.ori %and3A_1761, %shift_left3A_1767 : vector<16xi32>
      %and3A_1769 = arith.constant 32767 : i32
      %and3A_1770 = vector.broadcast %and3A_1769 : i32 to vector<16xi32>
      %and3A_1771 = arith.andi %get3A_1758, %and3A_1770 : vector<16xi32>
      %shift_right_arithmetic3A_1772 = arith.constant 12 : i32
      %shift_right_arithmetic3A_1773 = vector.broadcast %shift_right_arithmetic3A_1772 : i32 to vector<16xi32>
      %shift_right_arithmetic3A_1774 = arith.shrsi %and3A_1771, %shift_right_arithmetic3A_1773 : vector<16xi32>
      %or3A_1775 = arith.ori %or3A_1768, %shift_right_arithmetic3A_1774 : vector<16xi32>
      %swap3A_1776 = arith.constant 6 : i32
      %swap3A_1777 = arith.index_cast %swap3A_1776 : i32 to index
      %swap3A_1778 = arith.constant 112 : index
      %swap3A_1779 = tpu.vector_load %arg9[%swap3A_1777, %swap3A_1778] {strides = array<i32>} : memref<8x128xi32, #tpu.memory_space<vmem>>, vector<1x16xi32>,
      %swap3A_1780 = vector.shape_cast %swap3A_1779 : vector<1x16xi32> to vector<16xi32>
      %swap3A_1781 = vector.shape_cast %or3A_1775 : vector<16xi32> to vector<1x16xi32>
      tpu.vector_store %arg9[%swap3A_1777, %swap3A_1778], %swap3A_1781 {strides = array<i32>} : memref<8x128xi32, #tpu.memory_space<vmem>>, vector<1x16xi32>,
      %get3A_1782 = arith.constant 7 : i32
      %get3A_1783 = arith.index_cast %get3A_1782 : i32 to index
      %get3A_1784 = arith.constant 0 : index
      %get3A_1785 = tpu.vector_load %arg8[%get3A_1783, %get3A_1784] {strides = array<i32>} : memref<8x128xi32, #tpu.memory_space<vmem>>, vector<1x16xi32>,
      %get3A_1786 = vector.shape_cast %get3A_1785 : vector<1x16xi32> to vector<16xi32>
      %and3A_1787 = arith.constant -32768 : i32
      %and3A_1788 = vector.broadcast %and3A_1787 : i32 to vector<16xi32>
      %and3A_1789 = arith.andi %get3A_1786, %and3A_1788 : vector<16xi32>
      %and3A_1790 = arith.constant 4095 : i32
      %and3A_1791 = vector.broadcast %and3A_1790 : i32 to vector<16xi32>
      %and3A_1792 = arith.andi %get3A_1786, %and3A_1791 : vector<16xi32>
      %shift_left3A_1793 = arith.constant 3 : i32
      %shift_left3A_1794 = vector.broadcast %shift_left3A_1793 : i32 to vector<16xi32>
      %shift_left3A_1795 = arith.shli %and3A_1792, %shift_left3A_1794 : vector<16xi32>
      %or3A_1796 = arith.ori %and3A_1789, %shift_left3A_1795 : vector<16xi32>
      %and3A_1797 = arith.constant 32767 : i32
      %and3A_1798 = vector.broadcast %and3A_1797 : i32 to vector<16xi32>
      %and3A_1799 = arith.andi %get3A_1786, %and3A_1798 : vector<16xi32>
      %shift_right_arithmetic3A_1800 = arith.constant 12 : i32
      %shift_right_arithmetic3A_1801 = vector.broadcast %shift_right_arithmetic3A_1800 : i32 to vector<16xi32>
      %shift_right_arithmetic3A_1802 = arith.shrsi %and3A_1799, %shift_right_arithmetic3A_1801 : vector<16xi32>
      %or3A_1803 = arith.ori %or3A_1796, %shift_right_arithmetic3A_1802 : vector<16xi32>
      %swap3A_1804 = arith.constant 7 : i32
      %swap3A_1805 = arith.index_cast %swap3A_1804 : i32 to index
      %swap3A_1806 = arith.constant 0 : index
      %swap3A_1807 = tpu.vector_load %arg9[%swap3A_1805, %swap3A_1806] {strides = array<i32>} : memref<8x128xi32, #tpu.memory_space<vmem>>, vector<1x16xi32>,
      %swap3A_1808 = vector.shape_cast %swap3A_1807 : vector<1x16xi32> to vector<16xi32>
      %swap3A_1809 = vector.shape_cast %or3A_1803 : vector<16xi32> to vector<1x16xi32>
      tpu.vector_store %arg9[%swap3A_1805, %swap3A_1806], %swap3A_1809 {strides = array<i32>} : memref<8x128xi32, #tpu.memory_space<vmem>>, vector<1x16xi32>,
      %get3A_1810 = arith.constant 7 : i32
      %get3A_1811 = arith.index_cast %get3A_1810 : i32 to index
      %get3A_1812 = arith.constant 16 : index
      %get3A_1813 = tpu.vector_load %arg8[%get3A_1811, %get3A_1812] {strides = array<i32>} : memref<8x128xi32, #tpu.memory_space<vmem>>, vector<1x16xi32>,
      %get3A_1814 = vector.shape_cast %get3A_1813 : vector<1x16xi32> to vector<16xi32>
      %and3A_1815 = arith.constant -32768 : i32
      %and3A_1816 = vector.broadcast %and3A_1815 : i32 to vector<16xi32>
      %and3A_1817 = arith.andi %get3A_1814, %and3A_1816 : vector<16xi32>
      %and3A_1818 = arith.constant 4095 : i32
      %and3A_1819 = vector.broadcast %and3A_1818 : i32 to vector<16xi32>
      %and3A_1820 = arith.andi %get3A_1814, %and3A_1819 : vector<16xi32>
      %shift_left3A_1821 = arith.constant 3 : i32
      %shift_left3A_1822 = vector.broadcast %shift_left3A_1821 : i32 to vector<16xi32>
      %shift_left3A_1823 = arith.shli %and3A_1820, %shift_left3A_1822 : vector<16xi32>
      %or3A_1824 = arith.ori %and3A_1817, %shift_left3A_1823 : vector<16xi32>
      %and3A_1825 = arith.constant 32767 : i32
      %and3A_1826 = vector.broadcast %and3A_1825 : i32 to vector<16xi32>
      %and3A_1827 = arith.andi %get3A_1814, %and3A_1826 : vector<16xi32>
      %shift_right_arithmetic3A_1828 = arith.constant 12 : i32
      %shift_right_arithmetic3A_1829 = vector.broadcast %shift_right_arithmetic3A_1828 : i32 to vector<16xi32>
      %shift_right_arithmetic3A_1830 = arith.shrsi %and3A_1827, %shift_right_arithmetic3A_1829 : vector<16xi32>
      %or3A_1831 = arith.ori %or3A_1824, %shift_right_arithmetic3A_1830 : vector<16xi32>
      %swap3A_1832 = arith.constant 7 : i32
      %swap3A_1833 = arith.index_cast %swap3A_1832 : i32 to index
      %swap3A_1834 = arith.constant 16 : index
      %swap3A_1835 = tpu.vector_load %arg9[%swap3A_1833, %swap3A_1834] {strides = array<i32>} : memref<8x128xi32, #tpu.memory_space<vmem>>, vector<1x16xi32>,
      %swap3A_1836 = vector.shape_cast %swap3A_1835 : vector<1x16xi32> to vector<16xi32>
      %swap3A_1837 = vector.shape_cast %or3A_1831 : vector<16xi32> to vector<1x16xi32>
      tpu.vector_store %arg9[%swap3A_1833, %swap3A_1834], %swap3A_1837 {strides = array<i32>} : memref<8x128xi32, #tpu.memory_space<vmem>>, vector<1x16xi32>,
      %get3A_1838 = arith.constant 7 : i32
      %get3A_1839 = arith.index_cast %get3A_1838 : i32 to index
      %get3A_1840 = arith.constant 32 : index
      %get3A_1841 = tpu.vector_load %arg8[%get3A_1839, %get3A_1840] {strides = array<i32>} : memref<8x128xi32, #tpu.memory_space<vmem>>, vector<1x16xi32>,
      %get3A_1842 = vector.shape_cast %get3A_1841 : vector<1x16xi32> to vector<16xi32>
      %and3A_1843 = arith.constant -32768 : i32
      %and3A_1844 = vector.broadcast %and3A_1843 : i32 to vector<16xi32>
      %and3A_1845 = arith.andi %get3A_1842, %and3A_1844 : vector<16xi32>
      %and3A_1846 = arith.constant 4095 : i32
      %and3A_1847 = vector.broadcast %and3A_1846 : i32 to vector<16xi32>
      %and3A_1848 = arith.andi %get3A_1842, %and3A_1847 : vector<16xi32>
      %shift_left3A_1849 = arith.constant 3 : i32
      %shift_left3A_1850 = vector.broadcast %shift_left3A_1849 : i32 to vector<16xi32>
      %shift_left3A_1851 = arith.shli %and3A_1848, %shift_left3A_1850 : vector<16xi32>
      %or3A_1852 = arith.ori %and3A_1845, %shift_left3A_1851 : vector<16xi32>
      %and3A_1853 = arith.constant 32767 : i32
      %and3A_1854 = vector.broadcast %and3A_1853 : i32 to vector<16xi32>
      %and3A_1855 = arith.andi %get3A_1842, %and3A_1854 : vector<16xi32>
      %shift_right_arithmetic3A_1856 = arith.constant 12 : i32
      %shift_right_arithmetic3A_1857 = vector.broadcast %shift_right_arithmetic3A_1856 : i32 to vector<16xi32>
      %shift_right_arithmetic3A_1858 = arith.shrsi %and3A_1855, %shift_right_arithmetic3A_1857 : vector<16xi32>
      %or3A_1859 = arith.ori %or3A_1852, %shift_right_arithmetic3A_1858 : vector<16xi32>
      %swap3A_1860 = arith.constant 7 : i32
      %swap3A_1861 = arith.index_cast %swap3A_1860 : i32 to index
      %swap3A_1862 = arith.constant 32 : index
      %swap3A_1863 = tpu.vector_load %arg9[%swap3A_1861, %swap3A_1862] {strides = array<i32>} : memref<8x128xi32, #tpu.memory_space<vmem>>, vector<1x16xi32>,
      %swap3A_1864 = vector.shape_cast %swap3A_1863 : vector<1x16xi32> to vector<16xi32>
      %swap3A_1865 = vector.shape_cast %or3A_1859 : vector<16xi32> to vector<1x16xi32>
      tpu.vector_store %arg9[%swap3A_1861, %swap3A_1862], %swap3A_1865 {strides = array<i32>} : memref<8x128xi32, #tpu.memory_space<vmem>>, vector<1x16xi32>,
      %get3A_1866 = arith.constant 7 : i32
      %get3A_1867 = arith.index_cast %get3A_1866 : i32 to index
      %get3A_1868 = arith.constant 48 : index
      %get3A_1869 = tpu.vector_load %arg8[%get3A_1867, %get3A_1868] {strides = array<i32>} : memref<8x128xi32, #tpu.memory_space<vmem>>, vector<1x16xi32>,
      %get3A_1870 = vector.shape_cast %get3A_1869 : vector<1x16xi32> to vector<16xi32>
      %and3A_1871 = arith.constant -32768 : i32
      %and3A_1872 = vector.broadcast %and3A_1871 : i32 to vector<16xi32>
      %and3A_1873 = arith.andi %get3A_1870, %and3A_1872 : vector<16xi32>
      %and3A_1874 = arith.constant 4095 : i32
      %and3A_1875 = vector.broadcast %and3A_1874 : i32 to vector<16xi32>
      %and3A_1876 = arith.andi %get3A_1870, %and3A_1875 : vector<16xi32>
      %shift_left3A_1877 = arith.constant 3 : i32
      %shift_left3A_1878 = vector.broadcast %shift_left3A_1877 : i32 to vector<16xi32>
      %shift_left3A_1879 = arith.shli %and3A_1876, %shift_left3A_1878 : vector<16xi32>
      %or3A_1880 = arith.ori %and3A_1873, %shift_left3A_1879 : vector<16xi32>
      %and3A_1881 = arith.constant 32767 : i32
      %and3A_1882 = vector.broadcast %and3A_1881 : i32 to vector<16xi32>
      %and3A_1883 = arith.andi %get3A_1870, %and3A_1882 : vector<16xi32>
      %shift_right_arithmetic3A_1884 = arith.constant 12 : i32
      %shift_right_arithmetic3A_1885 = vector.broadcast %shift_right_arithmetic3A_1884 : i32 to vector<16xi32>
      %shift_right_arithmetic3A_1886 = arith.shrsi %and3A_1883, %shift_right_arithmetic3A_1885 : vector<16xi32>
      %or3A_1887 = arith.ori %or3A_1880, %shift_right_arithmetic3A_1886 : vector<16xi32>
      %swap3A_1888 = arith.constant 7 : i32
      %swap3A_1889 = arith.index_cast %swap3A_1888 : i32 to index
      %swap3A_1890 = arith.constant 48 : index
      %swap3A_1891 = tpu.vector_load %arg9[%swap3A_1889, %swap3A_1890] {strides = array<i32>} : memref<8x128xi32, #tpu.memory_space<vmem>>, vector<1x16xi32>,
      %swap3A_1892 = vector.shape_cast %swap3A_1891 : vector<1x16xi32> to vector<16xi32>
      %swap3A_1893 = vector.shape_cast %or3A_1887 : vector<16xi32> to vector<1x16xi32>
      tpu.vector_store %arg9[%swap3A_1889, %swap3A_1890], %swap3A_1893 {strides = array<i32>} : memref<8x128xi32, #tpu.memory_space<vmem>>, vector<1x16xi32>,
      %get3A_1894 = arith.constant 7 : i32
      %get3A_1895 = arith.index_cast %get3A_1894 : i32 to index
      %get3A_1896 = arith.constant 64 : index
      %get3A_1897 = tpu.vector_load %arg8[%get3A_1895, %get3A_1896] {strides = array<i32>} : memref<8x128xi32, #tpu.memory_space<vmem>>, vector<1x16xi32>,
      %get3A_1898 = vector.shape_cast %get3A_1897 : vector<1x16xi32> to vector<16xi32>
      %and3A_1899 = arith.constant -32768 : i32
      %and3A_1900 = vector.broadcast %and3A_1899 : i32 to vector<16xi32>
      %and3A_1901 = arith.andi %get3A_1898, %and3A_1900 : vector<16xi32>
      %and3A_1902 = arith.constant 4095 : i32
      %and3A_1903 = vector.broadcast %and3A_1902 : i32 to vector<16xi32>
      %and3A_1904 = arith.andi %get3A_1898, %and3A_1903 : vector<16xi32>
      %shift_left3A_1905 = arith.constant 3 : i32
      %shift_left3A_1906 = vector.broadcast %shift_left3A_1905 : i32 to vector<16xi32>
      %shift_left3A_1907 = arith.shli %and3A_1904, %shift_left3A_1906 : vector<16xi32>
      %or3A_1908 = arith.ori %and3A_1901, %shift_left3A_1907 : vector<16xi32>
      %and3A_1909 = arith.constant 32767 : i32
      %and3A_1910 = vector.broadcast %and3A_1909 : i32 to vector<16xi32>
      %and3A_1911 = arith.andi %get3A_1898, %and3A_1910 : vector<16xi32>
      %shift_right_arithmetic3A_1912 = arith.constant 12 : i32
      %shift_right_arithmetic3A_1913 = vector.broadcast %shift_right_arithmetic3A_1912 : i32 to vector<16xi32>
      %shift_right_arithmetic3A_1914 = arith.shrsi %and3A_1911, %shift_right_arithmetic3A_1913 : vector<16xi32>
      %or3A_1915 = arith.ori %or3A_1908, %shift_right_arithmetic3A_1914 : vector<16xi32>
      %swap3A_1916 = arith.constant 7 : i32
      %swap3A_1917 = arith.index_cast %swap3A_1916 : i32 to index
      %swap3A_1918 = arith.constant 64 : index
      %swap3A_1919 = tpu.vector_load %arg9[%swap3A_1917, %swap3A_1918] {strides = array<i32>} : memref<8x128xi32, #tpu.memory_space<vmem>>, vector<1x16xi32>,
      %swap3A_1920 = vector.shape_cast %swap3A_1919 : vector<1x16xi32> to vector<16xi32>
      %swap3A_1921 = vector.shape_cast %or3A_1915 : vector<16xi32> to vector<1x16xi32>
      tpu.vector_store %arg9[%swap3A_1917, %swap3A_1918], %swap3A_1921 {strides = array<i32>} : memref<8x128xi32, #tpu.memory_space<vmem>>, vector<1x16xi32>,
      %get3A_1922 = arith.constant 7 : i32
      %get3A_1923 = arith.index_cast %get3A_1922 : i32 to index
      %get3A_1924 = arith.constant 80 : index
      %get3A_1925 = tpu.vector_load %arg8[%get3A_1923, %get3A_1924] {strides = array<i32>} : memref<8x128xi32, #tpu.memory_space<vmem>>, vector<1x16xi32>,
      %get3A_1926 = vector.shape_cast %get3A_1925 : vector<1x16xi32> to vector<16xi32>
      %and3A_1927 = arith.constant -32768 : i32
      %and3A_1928 = vector.broadcast %and3A_1927 : i32 to vector<16xi32>
      %and3A_1929 = arith.andi %get3A_1926, %and3A_1928 : vector<16xi32>
      %and3A_1930 = arith.constant 4095 : i32
      %and3A_1931 = vector.broadcast %and3A_1930 : i32 to vector<16xi32>
      %and3A_1932 = arith.andi %get3A_1926, %and3A_1931 : vector<16xi32>
      %shift_left3A_1933 = arith.constant 3 : i32
      %shift_left3A_1934 = vector.broadcast %shift_left3A_1933 : i32 to vector<16xi32>
      %shift_left3A_1935 = arith.shli %and3A_1932, %shift_left3A_1934 : vector<16xi32>
      %or3A_1936 = arith.ori %and3A_1929, %shift_left3A_1935 : vector<16xi32>
      %and3A_1937 = arith.constant 32767 : i32
      %and3A_1938 = vector.broadcast %and3A_1937 : i32 to vector<16xi32>
      %and3A_1939 = arith.andi %get3A_1926, %and3A_1938 : vector<16xi32>
      %shift_right_arithmetic3A_1940 = arith.constant 12 : i32
      %shift_right_arithmetic3A_1941 = vector.broadcast %shift_right_arithmetic3A_1940 : i32 to vector<16xi32>
      %shift_right_arithmetic3A_1942 = arith.shrsi %and3A_1939, %shift_right_arithmetic3A_1941 : vector<16xi32>
      %or3A_1943 = arith.ori %or3A_1936, %shift_right_arithmetic3A_1942 : vector<16xi32>
      %swap3A_1944 = arith.constant 7 : i32
      %swap3A_1945 = arith.index_cast %swap3A_1944 : i32 to index
      %swap3A_1946 = arith.constant 80 : index
      %swap3A_1947 = tpu.vector_load %arg9[%swap3A_1945, %swap3A_1946] {strides = array<i32>} : memref<8x128xi32, #tpu.memory_space<vmem>>, vector<1x16xi32>,
      %swap3A_1948 = vector.shape_cast %swap3A_1947 : vector<1x16xi32> to vector<16xi32>
      %swap3A_1949 = vector.shape_cast %or3A_1943 : vector<16xi32> to vector<1x16xi32>
      tpu.vector_store %arg9[%swap3A_1945, %swap3A_1946], %swap3A_1949 {strides = array<i32>} : memref<8x128xi32, #tpu.memory_space<vmem>>, vector<1x16xi32>,
      %get3A_1950 = arith.constant 7 : i32
      %get3A_1951 = arith.index_cast %get3A_1950 : i32 to index
      %get3A_1952 = arith.constant 96 : index
      %get3A_1953 = tpu.vector_load %arg8[%get3A_1951, %get3A_1952] {strides = array<i32>} : memref<8x128xi32, #tpu.memory_space<vmem>>, vector<1x16xi32>,
      %get3A_1954 = vector.shape_cast %get3A_1953 : vector<1x16xi32> to vector<16xi32>
      %and3A_1955 = arith.constant -32768 : i32
      %and3A_1956 = vector.broadcast %and3A_1955 : i32 to vector<16xi32>
      %and3A_1957 = arith.andi %get3A_1954, %and3A_1956 : vector<16xi32>
      %and3A_1958 = arith.constant 4095 : i32
      %and3A_1959 = vector.broadcast %and3A_1958 : i32 to vector<16xi32>
      %and3A_1960 = arith.andi %get3A_1954, %and3A_1959 : vector<16xi32>
      %shift_left3A_1961 = arith.constant 3 : i32
      %shift_left3A_1962 = vector.broadcast %shift_left3A_1961 : i32 to vector<16xi32>
      %shift_left3A_1963 = arith.shli %and3A_1960, %shift_left3A_1962 : vector<16xi32>
      %or3A_1964 = arith.ori %and3A_1957, %shift_left3A_1963 : vector<16xi32>
      %and3A_1965 = arith.constant 32767 : i32
      %and3A_1966 = vector.broadcast %and3A_1965 : i32 to vector<16xi32>
      %and3A_1967 = arith.andi %get3A_1954, %and3A_1966 : vector<16xi32>
      %shift_right_arithmetic3A_1968 = arith.constant 12 : i32
      %shift_right_arithmetic3A_1969 = vector.broadcast %shift_right_arithmetic3A_1968 : i32 to vector<16xi32>
      %shift_right_arithmetic3A_1970 = arith.shrsi %and3A_1967, %shift_right_arithmetic3A_1969 : vector<16xi32>
      %or3A_1971 = arith.ori %or3A_1964, %shift_right_arithmetic3A_1970 : vector<16xi32>
      %swap3A_1972 = arith.constant 7 : i32
      %swap3A_1973 = arith.index_cast %swap3A_1972 : i32 to index
      %swap3A_1974 = arith.constant 96 : index
      %swap3A_1975 = tpu.vector_load %arg9[%swap3A_1973, %swap3A_1974] {strides = array<i32>} : memref<8x128xi32, #tpu.memory_space<vmem>>, vector<1x16xi32>,
      %swap3A_1976 = vector.shape_cast %swap3A_1975 : vector<1x16xi32> to vector<16xi32>
      %swap3A_1977 = vector.shape_cast %or3A_1971 : vector<16xi32> to vector<1x16xi32>
      tpu.vector_store %arg9[%swap3A_1973, %swap3A_1974], %swap3A_1977 {strides = array<i32>} : memref<8x128xi32, #tpu.memory_space<vmem>>, vector<1x16xi32>,
      %get3A_1978 = arith.constant 7 : i32
      %get3A_1979 = arith.index_cast %get3A_1978 : i32 to index
      %get3A_1980 = arith.constant 112 : index
      %get3A_1981 = tpu.vector_load %arg8[%get3A_1979, %get3A_1980] {strides = array<i32>} : memref<8x128xi32, #tpu.memory_space<vmem>>, vector<1x16xi32>,
      %get3A_1982 = vector.shape_cast %get3A_1981 : vector<1x16xi32> to vector<16xi32>
      %and3A_1983 = arith.constant -32768 : i32
      %and3A_1984 = vector.broadcast %and3A_1983 : i32 to vector<16xi32>
      %and3A_1985 = arith.andi %get3A_1982, %and3A_1984 : vector<16xi32>
      %and3A_1986 = arith.constant 4095 : i32
      %and3A_1987 = vector.broadcast %and3A_1986 : i32 to vector<16xi32>
      %and3A_1988 = arith.andi %get3A_1982, %and3A_1987 : vector<16xi32>
      %shift_left3A_1989 = arith.constant 3 : i32
      %shift_left3A_1990 = vector.broadcast %shift_left3A_1989 : i32 to vector<16xi32>
      %shift_left3A_1991 = arith.shli %and3A_1988, %shift_left3A_1990 : vector<16xi32>
      %or3A_1992 = arith.ori %and3A_1985, %shift_left3A_1991 : vector<16xi32>
      %and3A_1993 = arith.constant 32767 : i32
      %and3A_1994 = vector.broadcast %and3A_1993 : i32 to vector<16xi32>
      %and3A_1995 = arith.andi %get3A_1982, %and3A_1994 : vector<16xi32>
      %shift_right_arithmetic3A_1996 = arith.constant 12 : i32
      %shift_right_arithmetic3A_1997 = vector.broadcast %shift_right_arithmetic3A_1996 : i32 to vector<16xi32>
      %shift_right_arithmetic3A_1998 = arith.shrsi %and3A_1995, %shift_right_arithmetic3A_1997 : vector<16xi32>
      %or3A_1999 = arith.ori %or3A_1992, %shift_right_arithmetic3A_1998 : vector<16xi32>
      %swap3A_2000 = arith.constant 7 : i32
      %swap3A_2001 = arith.index_cast %swap3A_2000 : i32 to index
      %swap3A_2002 = arith.constant 112 : index
      %swap3A_2003 = tpu.vector_load %arg9[%swap3A_2001, %swap3A_2002] {strides = array<i32>} : memref<8x128xi32, #tpu.memory_space<vmem>>, vector<1x16xi32>,
      %swap3A_2004 = vector.shape_cast %swap3A_2003 : vector<1x16xi32> to vector<16xi32>
      %swap3A_2005 = vector.shape_cast %or3A_1999 : vector<16xi32> to vector<1x16xi32>
      tpu.vector_store %arg9[%swap3A_2001, %swap3A_2002], %swap3A_2005 {strides = array<i32>} : memref<8x128xi32, #tpu.memory_space<vmem>>, vector<1x16xi32>,
      %dma_start3A_2006 = arith.constant 0 : i32
      %dma_start3A_2007 = arith.constant 0 : i32
      %dma_start3A_2008 = arith.constant 0 : i32
      %dma_start3A_2009 = tpu.memref_slice %arg10[%dma_start3A_2007, %dma_start3A_2008] : memref<1024x16xf32, #tpu.memory_space<vmem>> -> memref<128x16xf32, #tpu.memory_space<vmem>>
      %dma_start3A_2010 = arith.constant 0 : i32
      %dma_start3A_2011 = tpu.memref_slice %arg9[%dma_start3A_2006, %dma_start3A_2010] : memref<8x128xi32, #tpu.memory_space<vmem>> -> memref<1x128xi32, #tpu.memory_space<vmem>>
      %dma_start3A_2012 = tpu.memref_squeeze %dma_start3A_2011 : memref<1x128xi32, #tpu.memory_space<vmem>> -> memref<128xi32, #tpu.memory_space<vmem>>
      %dma_start3A_2013 = arith.constant 0 : i32
      %dma_start3A_2014 = arith.constant 0 : i32
      %dma_start3A_2015 = tpu.memref_slice %arg4[%dma_start3A_2013, %dma_start3A_2014] : memref<1015808x16xf32, #tpu.memory_space<hbm>> -> memref<1015808x16xf32, #tpu.memory_space<hbm>>
      tpu.enqueue_indirect_dma source(%dma_start3A_2015 : memref<1015808x16xf32, #tpu.memory_space<hbm>>) target(%dma_start3A_2009 : memref<128x16xf32, #tpu.memory_space<vmem>>) offsets(%dma_start3A_2012 : memref<128xi32, #tpu.memory_space<vmem>>) semaphore(%arg14 : memref<!tpu.dma_semaphore, #tpu.memory_space<semaphore_mem>>)
      %dma_start3A_2016 = arith.constant 1 : i32
      %dma_start3A_2017 = arith.constant 128 : i32
      %dma_start3A_2018 = arith.constant 0 : i32
      %dma_start3A_2019 = tpu.memref_slice %arg10[%dma_start3A_2017, %dma_start3A_2018] : memref<1024x16xf32, #tpu.memory_space<vmem>> -> memref<128x16xf32, #tpu.memory_space<vmem>>
      %dma_start3A_2020 = arith.constant 0 : i32
      %dma_start3A_2021 = tpu.memref_slice %arg9[%dma_start3A_2016, %dma_start3A_2020] : memref<8x128xi32, #tpu.memory_space<vmem>> -> memref<1x128xi32, #tpu.memory_space<vmem>>
      %dma_start3A_2022 = tpu.memref_squeeze %dma_start3A_2021 : memref<1x128xi32, #tpu.memory_space<vmem>> -> memref<128xi32, #tpu.memory_space<vmem>>
      %dma_start3A_2023 = arith.constant 0 : i32
      %dma_start3A_2024 = arith.constant 0 : i32
      %dma_start3A_2025 = tpu.memref_slice %arg4[%dma_start3A_2023, %dma_start3A_2024] : memref<1015808x16xf32, #tpu.memory_space<hbm>> -> memref<1015808x16xf32, #tpu.memory_space<hbm>>
      tpu.enqueue_indirect_dma source(%dma_start3A_2025 : memref<1015808x16xf32, #tpu.memory_space<hbm>>) target(%dma_start3A_2019 : memref<128x16xf32, #tpu.memory_space<vmem>>) offsets(%dma_start3A_2022 : memref<128xi32, #tpu.memory_space<vmem>>) semaphore(%arg14 : memref<!tpu.dma_semaphore, #tpu.memory_space<semaphore_mem>>)
      %dma_start3A_2026 = arith.constant 2 : i32
      %dma_start3A_2027 = arith.constant 256 : i32
      %dma_start3A_2028 = arith.constant 0 : i32
      %dma_start3A_2029 = tpu.memref_slice %arg10[%dma_start3A_2027, %dma_start3A_2028] : memref<1024x16xf32, #tpu.memory_space<vmem>> -> memref<128x16xf32, #tpu.memory_space<vmem>>
      %dma_start3A_2030 = arith.constant 0 : i32
      %dma_start3A_2031 = tpu.memref_slice %arg9[%dma_start3A_2026, %dma_start3A_2030] : memref<8x128xi32, #tpu.memory_space<vmem>> -> memref<1x128xi32, #tpu.memory_space<vmem>>
      %dma_start3A_2032 = tpu.memref_squeeze %dma_start3A_2031 : memref<1x128xi32, #tpu.memory_space<vmem>> -> memref<128xi32, #tpu.memory_space<vmem>>
      %dma_start3A_2033 = arith.constant 0 : i32
      %dma_start3A_2034 = arith.constant 0 : i32
      %dma_start3A_2035 = tpu.memref_slice %arg4[%dma_start3A_2033, %dma_start3A_2034] : memref<1015808x16xf32, #tpu.memory_space<hbm>> -> memref<1015808x16xf32, #tpu.memory_space<hbm>>
      tpu.enqueue_indirect_dma source(%dma_start3A_2035 : memref<1015808x16xf32, #tpu.memory_space<hbm>>) target(%dma_start3A_2029 : memref<128x16xf32, #tpu.memory_space<vmem>>) offsets(%dma_start3A_2032 : memref<128xi32, #tpu.memory_space<vmem>>) semaphore(%arg14 : memref<!tpu.dma_semaphore, #tpu.memory_space<semaphore_mem>>)
      %dma_start3A_2036 = arith.constant 3 : i32
      %dma_start3A_2037 = arith.constant 384 : i32
      %dma_start3A_2038 = arith.constant 0 : i32
      %dma_start3A_2039 = tpu.memref_slice %arg10[%dma_start3A_2037, %dma_start3A_2038] : memref<1024x16xf32, #tpu.memory_space<vmem>> -> memref<128x16xf32, #tpu.memory_space<vmem>>
      %dma_start3A_2040 = arith.constant 0 : i32
      %dma_start3A_2041 = tpu.memref_slice %arg9[%dma_start3A_2036, %dma_start3A_2040] : memref<8x128xi32, #tpu.memory_space<vmem>> -> memref<1x128xi32, #tpu.memory_space<vmem>>
      %dma_start3A_2042 = tpu.memref_squeeze %dma_start3A_2041 : memref<1x128xi32, #tpu.memory_space<vmem>> -> memref<128xi32, #tpu.memory_space<vmem>>
      %dma_start3A_2043 = arith.constant 0 : i32
      %dma_start3A_2044 = arith.constant 0 : i32
      %dma_start3A_2045 = tpu.memref_slice %arg4[%dma_start3A_2043, %dma_start3A_2044] : memref<1015808x16xf32, #tpu.memory_space<hbm>> -> memref<1015808x16xf32, #tpu.memory_space<hbm>>
      tpu.enqueue_indirect_dma source(%dma_start3A_2045 : memref<1015808x16xf32, #tpu.memory_space<hbm>>) target(%dma_start3A_2039 : memref<128x16xf32, #tpu.memory_space<vmem>>) offsets(%dma_start3A_2042 : memref<128xi32, #tpu.memory_space<vmem>>) semaphore(%arg14 : memref<!tpu.dma_semaphore, #tpu.memory_space<semaphore_mem>>)
      %dma_start3A_2046 = arith.constant 4 : i32
      %dma_start3A_2047 = arith.constant 512 : i32
      %dma_start3A_2048 = arith.constant 0 : i32
      %dma_start3A_2049 = tpu.memref_slice %arg10[%dma_start3A_2047, %dma_start3A_2048] : memref<1024x16xf32, #tpu.memory_space<vmem>> -> memref<128x16xf32, #tpu.memory_space<vmem>>
      %dma_start3A_2050 = arith.constant 0 : i32
      %dma_start3A_2051 = tpu.memref_slice %arg9[%dma_start3A_2046, %dma_start3A_2050] : memref<8x128xi32, #tpu.memory_space<vmem>> -> memref<1x128xi32, #tpu.memory_space<vmem>>
      %dma_start3A_2052 = tpu.memref_squeeze %dma_start3A_2051 : memref<1x128xi32, #tpu.memory_space<vmem>> -> memref<128xi32, #tpu.memory_space<vmem>>
      %dma_start3A_2053 = arith.constant 0 : i32
      %dma_start3A_2054 = arith.constant 0 : i32
      %dma_start3A_2055 = tpu.memref_slice %arg4[%dma_start3A_2053, %dma_start3A_2054] : memref<1015808x16xf32, #tpu.memory_space<hbm>> -> memref<1015808x16xf32, #tpu.memory_space<hbm>>
      tpu.enqueue_indirect_dma source(%dma_start3A_2055 : memref<1015808x16xf32, #tpu.memory_space<hbm>>) target(%dma_start3A_2049 : memref<128x16xf32, #tpu.memory_space<vmem>>) offsets(%dma_start3A_2052 : memref<128xi32, #tpu.memory_space<vmem>>) semaphore(%arg14 : memref<!tpu.dma_semaphore, #tpu.memory_space<semaphore_mem>>)
      %dma_start3A_2056 = arith.constant 5 : i32
      %dma_start3A_2057 = arith.constant 640 : i32
      %dma_start3A_2058 = arith.constant 0 : i32
      %dma_start3A_2059 = tpu.memref_slice %arg10[%dma_start3A_2057, %dma_start3A_2058] : memref<1024x16xf32, #tpu.memory_space<vmem>> -> memref<128x16xf32, #tpu.memory_space<vmem>>
      %dma_start3A_2060 = arith.constant 0 : i32
      %dma_start3A_2061 = tpu.memref_slice %arg9[%dma_start3A_2056, %dma_start3A_2060] : memref<8x128xi32, #tpu.memory_space<vmem>> -> memref<1x128xi32, #tpu.memory_space<vmem>>
      %dma_start3A_2062 = tpu.memref_squeeze %dma_start3A_2061 : memref<1x128xi32, #tpu.memory_space<vmem>> -> memref<128xi32, #tpu.memory_space<vmem>>
      %dma_start3A_2063 = arith.constant 0 : i32
      %dma_start3A_2064 = arith.constant 0 : i32
      %dma_start3A_2065 = tpu.memref_slice %arg4[%dma_start3A_2063, %dma_start3A_2064] : memref<1015808x16xf32, #tpu.memory_space<hbm>> -> memref<1015808x16xf32, #tpu.memory_space<hbm>>
      tpu.enqueue_indirect_dma source(%dma_start3A_2065 : memref<1015808x16xf32, #tpu.memory_space<hbm>>) target(%dma_start3A_2059 : memref<128x16xf32, #tpu.memory_space<vmem>>) offsets(%dma_start3A_2062 : memref<128xi32, #tpu.memory_space<vmem>>) semaphore(%arg14 : memref<!tpu.dma_semaphore, #tpu.memory_space<semaphore_mem>>)
      %dma_start3A_2066 = arith.constant 6 : i32
      %dma_start3A_2067 = arith.constant 768 : i32
      %dma_start3A_2068 = arith.constant 0 : i32
      %dma_start3A_2069 = tpu.memref_slice %arg10[%dma_start3A_2067, %dma_start3A_2068] : memref<1024x16xf32, #tpu.memory_space<vmem>> -> memref<128x16xf32, #tpu.memory_space<vmem>>
      %dma_start3A_2070 = arith.constant 0 : i32
      %dma_start3A_2071 = tpu.memref_slice %arg9[%dma_start3A_2066, %dma_start3A_2070] : memref<8x128xi32, #tpu.memory_space<vmem>> -> memref<1x128xi32, #tpu.memory_space<vmem>>
      %dma_start3A_2072 = tpu.memref_squeeze %dma_start3A_2071 : memref<1x128xi32, #tpu.memory_space<vmem>> -> memref<128xi32, #tpu.memory_space<vmem>>
      %dma_start3A_2073 = arith.constant 0 : i32
      %dma_start3A_2074 = arith.constant 0 : i32
      %dma_start3A_2075 = tpu.memref_slice %arg4[%dma_start3A_2073, %dma_start3A_2074] : memref<1015808x16xf32, #tpu.memory_space<hbm>> -> memref<1015808x16xf32, #tpu.memory_space<hbm>>
      tpu.enqueue_indirect_dma source(%dma_start3A_2075 : memref<1015808x16xf32, #tpu.memory_space<hbm>>) target(%dma_start3A_2069 : memref<128x16xf32, #tpu.memory_space<vmem>>) offsets(%dma_start3A_2072 : memref<128xi32, #tpu.memory_space<vmem>>) semaphore(%arg14 : memref<!tpu.dma_semaphore, #tpu.memory_space<semaphore_mem>>)
      %dma_start3A_2076 = arith.constant 7 : i32
      %dma_start3A_2077 = arith.constant 896 : i32
      %dma_start3A_2078 = arith.constant 0 : i32
      %dma_start3A_2079 = tpu.memref_slice %arg10[%dma_start3A_2077, %dma_start3A_2078] : memref<1024x16xf32, #tpu.memory_space<vmem>> -> memref<128x16xf32, #tpu.memory_space<vmem>>
      %dma_start3A_2080 = arith.constant 0 : i32
      %dma_start3A_2081 = tpu.memref_slice %arg9[%dma_start3A_2076, %dma_start3A_2080] : memref<8x128xi32, #tpu.memory_space<vmem>> -> memref<1x128xi32, #tpu.memory_space<vmem>>
      %dma_start3A_2082 = tpu.memref_squeeze %dma_start3A_2081 : memref<1x128xi32, #tpu.memory_space<vmem>> -> memref<128xi32, #tpu.memory_space<vmem>>
      %dma_start3A_2083 = arith.constant 0 : i32
      %dma_start3A_2084 = arith.constant 0 : i32
      %dma_start3A_2085 = tpu.memref_slice %arg4[%dma_start3A_2083, %dma_start3A_2084] : memref<1015808x16xf32, #tpu.memory_space<hbm>> -> memref<1015808x16xf32, #tpu.memory_space<hbm>>
      tpu.enqueue_indirect_dma source(%dma_start3A_2085 : memref<1015808x16xf32, #tpu.memory_space<hbm>>) target(%dma_start3A_2079 : memref<128x16xf32, #tpu.memory_space<vmem>>) offsets(%dma_start3A_2082 : memref<128xi32, #tpu.memory_space<vmem>>) semaphore(%arg14 : memref<!tpu.dma_semaphore, #tpu.memory_space<semaphore_mem>>)
      %dma_wait3A_2086 = arith.constant 0 : i32
      %dma_wait3A_2087 = arith.constant 0 : i32
      %dma_wait3A_2088 = arith.constant 0 : i32
      %dma_wait3A_2089 = tpu.memref_slice %arg10[%dma_wait3A_2087, %dma_wait3A_2088] : memref<1024x16xf32, #tpu.memory_space<vmem>> -> memref<128x16xf32, #tpu.memory_space<vmem>>
      %dma_wait3A_2090 = arith.constant 0 : i32
      %dma_wait3A_2091 = tpu.memref_slice %arg9[%dma_wait3A_2086, %dma_wait3A_2090] : memref<8x128xi32, #tpu.memory_space<vmem>> -> memref<1x128xi32, #tpu.memory_space<vmem>>
      %dma_wait3A_2092 = tpu.memref_squeeze %dma_wait3A_2091 : memref<1x128xi32, #tpu.memory_space<vmem>> -> memref<128xi32, #tpu.memory_space<vmem>>
      %dma_wait3A_2093 = arith.constant 0 : i32
      %dma_wait3A_2094 = arith.constant 0 : i32
      %dma_wait3A_2095 = tpu.memref_slice %arg4[%dma_wait3A_2093, %dma_wait3A_2094] : memref<1015808x16xf32, #tpu.memory_space<hbm>> -> memref<1015808x16xf32, #tpu.memory_space<hbm>>
      tpu.wait_indirect_dma semaphore(%arg14 : memref<!tpu.dma_semaphore, #tpu.memory_space<semaphore_mem>>) src(%dma_wait3A_2095 : memref<1015808x16xf32, #tpu.memory_space<hbm>>) dst(%dma_wait3A_2089 : memref<128x16xf32, #tpu.memory_space<vmem>>)
      %dma_wait3A_2096 = arith.constant 1 : i32
      %dma_wait3A_2097 = arith.constant 128 : i32
      %dma_wait3A_2098 = arith.constant 0 : i32
      %dma_wait3A_2099 = tpu.memref_slice %arg10[%dma_wait3A_2097, %dma_wait3A_2098] : memref<1024x16xf32, #tpu.memory_space<vmem>> -> memref<128x16xf32, #tpu.memory_space<vmem>>
      %dma_wait3A_2100 = arith.constant 0 : i32
      %dma_wait3A_2101 = tpu.memref_slice %arg9[%dma_wait3A_2096, %dma_wait3A_2100] : memref<8x128xi32, #tpu.memory_space<vmem>> -> memref<1x128xi32, #tpu.memory_space<vmem>>
      %dma_wait3A_2102 = tpu.memref_squeeze %dma_wait3A_2101 : memref<1x128xi32, #tpu.memory_space<vmem>> -> memref<128xi32, #tpu.memory_space<vmem>>
      %dma_wait3A_2103 = arith.constant 0 : i32
      %dma_wait3A_2104 = arith.constant 0 : i32
      %dma_wait3A_2105 = tpu.memref_slice %arg4[%dma_wait3A_2103, %dma_wait3A_2104] : memref<1015808x16xf32, #tpu.memory_space<hbm>> -> memref<1015808x16xf32, #tpu.memory_space<hbm>>
      tpu.wait_indirect_dma semaphore(%arg14 : memref<!tpu.dma_semaphore, #tpu.memory_space<semaphore_mem>>) src(%dma_wait3A_2105 : memref<1015808x16xf32, #tpu.memory_space<hbm>>) dst(%dma_wait3A_2099 : memref<128x16xf32, #tpu.memory_space<vmem>>)
      %dma_wait3A_2106 = arith.constant 2 : i32
      %dma_wait3A_2107 = arith.constant 256 : i32
      %dma_wait3A_2108 = arith.constant 0 : i32
      %dma_wait3A_2109 = tpu.memref_slice %arg10[%dma_wait3A_2107, %dma_wait3A_2108] : memref<1024x16xf32, #tpu.memory_space<vmem>> -> memref<128x16xf32, #tpu.memory_space<vmem>>
      %dma_wait3A_2110 = arith.constant 0 : i32
      %dma_wait3A_2111 = tpu.memref_slice %arg9[%dma_wait3A_2106, %dma_wait3A_2110] : memref<8x128xi32, #tpu.memory_space<vmem>> -> memref<1x128xi32, #tpu.memory_space<vmem>>
      %dma_wait3A_2112 = tpu.memref_squeeze %dma_wait3A_2111 : memref<1x128xi32, #tpu.memory_space<vmem>> -> memref<128xi32, #tpu.memory_space<vmem>>
      %dma_wait3A_2113 = arith.constant 0 : i32
      %dma_wait3A_2114 = arith.constant 0 : i32
      %dma_wait3A_2115 = tpu.memref_slice %arg4[%dma_wait3A_2113, %dma_wait3A_2114] : memref<1015808x16xf32, #tpu.memory_space<hbm>> -> memref<1015808x16xf32, #tpu.memory_space<hbm>>
      tpu.wait_indirect_dma semaphore(%arg14 : memref<!tpu.dma_semaphore, #tpu.memory_space<semaphore_mem>>) src(%dma_wait3A_2115 : memref<1015808x16xf32, #tpu.memory_space<hbm>>) dst(%dma_wait3A_2109 : memref<128x16xf32, #tpu.memory_space<vmem>>)
      %dma_wait3A_2116 = arith.constant 3 : i32
      %dma_wait3A_2117 = arith.constant 384 : i32
      %dma_wait3A_2118 = arith.constant 0 : i32
      %dma_wait3A_2119 = tpu.memref_slice %arg10[%dma_wait3A_2117, %dma_wait3A_2118] : memref<1024x16xf32, #tpu.memory_space<vmem>> -> memref<128x16xf32, #tpu.memory_space<vmem>>
      %dma_wait3A_2120 = arith.constant 0 : i32
      %dma_wait3A_2121 = tpu.memref_slice %arg9[%dma_wait3A_2116, %dma_wait3A_2120] : memref<8x128xi32, #tpu.memory_space<vmem>> -> memref<1x128xi32, #tpu.memory_space<vmem>>
      %dma_wait3A_2122 = tpu.memref_squeeze %dma_wait3A_2121 : memref<1x128xi32, #tpu.memory_space<vmem>> -> memref<128xi32, #tpu.memory_space<vmem>>
      %dma_wait3A_2123 = arith.constant 0 : i32
      %dma_wait3A_2124 = arith.constant 0 : i32
      %dma_wait3A_2125 = tpu.memref_slice %arg4[%dma_wait3A_2123, %dma_wait3A_2124] : memref<1015808x16xf32, #tpu.memory_space<hbm>> -> memref<1015808x16xf32, #tpu.memory_space<hbm>>
      tpu.wait_indirect_dma semaphore(%arg14 : memref<!tpu.dma_semaphore, #tpu.memory_space<semaphore_mem>>) src(%dma_wait3A_2125 : memref<1015808x16xf32, #tpu.memory_space<hbm>>) dst(%dma_wait3A_2119 : memref<128x16xf32, #tpu.memory_space<vmem>>)
      %dma_wait3A_2126 = arith.constant 4 : i32
      %dma_wait3A_2127 = arith.constant 512 : i32
      %dma_wait3A_2128 = arith.constant 0 : i32
      %dma_wait3A_2129 = tpu.memref_slice %arg10[%dma_wait3A_2127, %dma_wait3A_2128] : memref<1024x16xf32, #tpu.memory_space<vmem>> -> memref<128x16xf32, #tpu.memory_space<vmem>>
      %dma_wait3A_2130 = arith.constant 0 : i32
      %dma_wait3A_2131 = tpu.memref_slice %arg9[%dma_wait3A_2126, %dma_wait3A_2130] : memref<8x128xi32, #tpu.memory_space<vmem>> -> memref<1x128xi32, #tpu.memory_space<vmem>>
      %dma_wait3A_2132 = tpu.memref_squeeze %dma_wait3A_2131 : memref<1x128xi32, #tpu.memory_space<vmem>> -> memref<128xi32, #tpu.memory_space<vmem>>
      %dma_wait3A_2133 = arith.constant 0 : i32
      %dma_wait3A_2134 = arith.constant 0 : i32
      %dma_wait3A_2135 = tpu.memref_slice %arg4[%dma_wait3A_2133, %dma_wait3A_2134] : memref<1015808x16xf32, #tpu.memory_space<hbm>> -> memref<1015808x16xf32, #tpu.memory_space<hbm>>
      tpu.wait_indirect_dma semaphore(%arg14 : memref<!tpu.dma_semaphore, #tpu.memory_space<semaphore_mem>>) src(%dma_wait3A_2135 : memref<1015808x16xf32, #tpu.memory_space<hbm>>) dst(%dma_wait3A_2129 : memref<128x16xf32, #tpu.memory_space<vmem>>)
      %dma_wait3A_2136 = arith.constant 5 : i32
      %dma_wait3A_2137 = arith.constant 640 : i32
      %dma_wait3A_2138 = arith.constant 0 : i32
      %dma_wait3A_2139 = tpu.memref_slice %arg10[%dma_wait3A_2137, %dma_wait3A_2138] : memref<1024x16xf32, #tpu.memory_space<vmem>> -> memref<128x16xf32, #tpu.memory_space<vmem>>
      %dma_wait3A_2140 = arith.constant 0 : i32
      %dma_wait3A_2141 = tpu.memref_slice %arg9[%dma_wait3A_2136, %dma_wait3A_2140] : memref<8x128xi32, #tpu.memory_space<vmem>> -> memref<1x128xi32, #tpu.memory_space<vmem>>
      %dma_wait3A_2142 = tpu.memref_squeeze %dma_wait3A_2141 : memref<1x128xi32, #tpu.memory_space<vmem>> -> memref<128xi32, #tpu.memory_space<vmem>>
      %dma_wait3A_2143 = arith.constant 0 : i32
      %dma_wait3A_2144 = arith.constant 0 : i32
      %dma_wait3A_2145 = tpu.memref_slice %arg4[%dma_wait3A_2143, %dma_wait3A_2144] : memref<1015808x16xf32, #tpu.memory_space<hbm>> -> memref<1015808x16xf32, #tpu.memory_space<hbm>>
      tpu.wait_indirect_dma semaphore(%arg14 : memref<!tpu.dma_semaphore, #tpu.memory_space<semaphore_mem>>) src(%dma_wait3A_2145 : memref<1015808x16xf32, #tpu.memory_space<hbm>>) dst(%dma_wait3A_2139 : memref<128x16xf32, #tpu.memory_space<vmem>>)
      %dma_wait3A_2146 = arith.constant 6 : i32
      %dma_wait3A_2147 = arith.constant 768 : i32
      %dma_wait3A_2148 = arith.constant 0 : i32
      %dma_wait3A_2149 = tpu.memref_slice %arg10[%dma_wait3A_2147, %dma_wait3A_2148] : memref<1024x16xf32, #tpu.memory_space<vmem>> -> memref<128x16xf32, #tpu.memory_space<vmem>>
      %dma_wait3A_2150 = arith.constant 0 : i32
      %dma_wait3A_2151 = tpu.memref_slice %arg9[%dma_wait3A_2146, %dma_wait3A_2150] : memref<8x128xi32, #tpu.memory_space<vmem>> -> memref<1x128xi32, #tpu.memory_space<vmem>>
      %dma_wait3A_2152 = tpu.memref_squeeze %dma_wait3A_2151 : memref<1x128xi32, #tpu.memory_space<vmem>> -> memref<128xi32, #tpu.memory_space<vmem>>
      %dma_wait3A_2153 = arith.constant 0 : i32
      %dma_wait3A_2154 = arith.constant 0 : i32
      %dma_wait3A_2155 = tpu.memref_slice %arg4[%dma_wait3A_2153, %dma_wait3A_2154] : memref<1015808x16xf32, #tpu.memory_space<hbm>> -> memref<1015808x16xf32, #tpu.memory_space<hbm>>
      tpu.wait_indirect_dma semaphore(%arg14 : memref<!tpu.dma_semaphore, #tpu.memory_space<semaphore_mem>>) src(%dma_wait3A_2155 : memref<1015808x16xf32, #tpu.memory_space<hbm>>) dst(%dma_wait3A_2149 : memref<128x16xf32, #tpu.memory_space<vmem>>)
      %dma_wait3A_2156 = arith.constant 7 : i32
      %dma_wait3A_2157 = arith.constant 896 : i32
      %dma_wait3A_2158 = arith.constant 0 : i32
      %dma_wait3A_2159 = tpu.memref_slice %arg10[%dma_wait3A_2157, %dma_wait3A_2158] : memref<1024x16xf32, #tpu.memory_space<vmem>> -> memref<128x16xf32, #tpu.memory_space<vmem>>
      %dma_wait3A_2160 = arith.constant 0 : i32
      %dma_wait3A_2161 = tpu.memref_slice %arg9[%dma_wait3A_2156, %dma_wait3A_2160] : memref<8x128xi32, #tpu.memory_space<vmem>> -> memref<1x128xi32, #tpu.memory_space<vmem>>
      %dma_wait3A_2162 = tpu.memref_squeeze %dma_wait3A_2161 : memref<1x128xi32, #tpu.memory_space<vmem>> -> memref<128xi32, #tpu.memory_space<vmem>>
      %dma_wait3A_2163 = arith.constant 0 : i32
      %dma_wait3A_2164 = arith.constant 0 : i32
      %dma_wait3A_2165 = tpu.memref_slice %arg4[%dma_wait3A_2163, %dma_wait3A_2164] : memref<1015808x16xf32, #tpu.memory_space<hbm>> -> memref<1015808x16xf32, #tpu.memory_space<hbm>>
      tpu.wait_indirect_dma semaphore(%arg14 : memref<!tpu.dma_semaphore, #tpu.memory_space<semaphore_mem>>) src(%dma_wait3A_2165 : memref<1015808x16xf32, #tpu.memory_space<hbm>>) dst(%dma_wait3A_2159 : memref<128x16xf32, #tpu.memory_space<vmem>>)
      "tpu.region"() ({
        %run_scoped3A = tpu.sem_alloc : memref<!tpu.dma_semaphore, #tpu.memory_space<semaphore_mem>>
        %dma_start3A_2166 = arith.constant 0 : i32
        %dma_start3A_2167 = tpu.memref_slice %arg6[%add3A_213, %dma_start3A_2166] : memref<819200x16xf32, #tpu.memory_space<hbm>> -> memref<1024x16xf32, #tpu.memory_space<hbm>>
        %dma_start3A_2168 = arith.constant 0 : i32
        %dma_start3A_2169 = tpu.memref_slice %arg6[%add3A_213, %dma_start3A_2168] : memref<819200x16xf32, #tpu.memory_space<hbm>> -> memref<1024x16xf32, #tpu.memory_space<hbm>>
        tpu.enqueue_dma source(%arg10 : memref<1024x16xf32, #tpu.memory_space<vmem>>) target(%dma_start3A_2169 : memref<1024x16xf32, #tpu.memory_space<hbm>>) target_semaphore(%run_scoped3A : memref<!tpu.dma_semaphore, #tpu.memory_space<semaphore_mem>>)
        %dma_wait3A_2170 = arith.constant 0 : i32
        %dma_wait3A_2171 = tpu.memref_slice %arg6[%add3A_213, %dma_wait3A_2170] : memref<819200x16xf32, #tpu.memory_space<hbm>> -> memref<1024x16xf32, #tpu.memory_space<hbm>>
        %dma_wait3A_2172 = arith.constant 0 : i32
        %dma_wait3A_2173 = tpu.memref_slice %arg6[%add3A_213, %dma_wait3A_2172] : memref<819200x16xf32, #tpu.memory_space<hbm>> -> memref<1024x16xf32, #tpu.memory_space<hbm>>
        tpu.wait_dma2 semaphore(%run_scoped3A : memref<!tpu.dma_semaphore, #tpu.memory_space<semaphore_mem>>) src(%arg10 : memref<1024x16xf32, #tpu.memory_space<vmem>>) dst(%dma_wait3A_2173 : memref<1024x16xf32, #tpu.memory_space<hbm>>)
        tpu.yield
      }) : () -> ()
    }
    %scan3A_198 = arith.constant 25 : i32
    return
  }
}

module attributes {stable_mosaic.version = 14 : i64} {
  func.func @_repack_body(%arg0: i32, %arg1: memref<16x32768xf32, #tpu.memory_space<vmem>>, %arg2: memref<16x32768xf32, #tpu.memory_space<vmem>>, %arg3: memref<4096x128xf32, #tpu.memory_space<vmem>>, %arg4: memref<4096x128xf32, #tpu.memory_space<vmem>>) attributes {dimension_semantics = [#tpu.dimension_semantics<arbitrary>], iteration_bounds = array<i64: 31>, scalar_prefetch = 0 : i64, scratch_operands = 0 : i64, tpu.core_type = #tpu.core_type<tc>, window_params = [{transform_indices = @transform_0, window_bounds = array<i64: 16, 32768>}, {transform_indices = @transform_1, window_bounds = array<i64: 16, 32768>}, {transform_indices = @transform_2, window_bounds = array<i64: 4096, 128>}, {transform_indices = @transform_3, window_bounds = array<i64: 4096, 128>}]} {
    %get3A = arith.constant 0 : index
    %get3A_0 = arith.constant 0 : index
    %get3A_1 = vector.load %arg1[%get3A, %get3A_0] : memref<16x32768xf32, #tpu.memory_space<vmem>>, vector<16x32768xf32>
    %slice3A = vector.extract_strided_slice %get3A_1 {offsets = [0, 0], sizes = [16, 4096], strides = [1, 1]} : vector<16x32768xf32> to vector<16x4096xf32>
    %slice3A_2 = vector.extract_strided_slice %get3A_1 {offsets = [0, 4096], sizes = [16, 4096], strides = [1, 1]} : vector<16x32768xf32> to vector<16x4096xf32>
    %slice3A_3 = vector.extract_strided_slice %get3A_1 {offsets = [0, 8192], sizes = [16, 4096], strides = [1, 1]} : vector<16x32768xf32> to vector<16x4096xf32>
    %slice3A_4 = vector.extract_strided_slice %get3A_1 {offsets = [0, 12288], sizes = [16, 4096], strides = [1, 1]} : vector<16x32768xf32> to vector<16x4096xf32>
    %slice3A_5 = vector.extract_strided_slice %get3A_1 {offsets = [0, 16384], sizes = [16, 4096], strides = [1, 1]} : vector<16x32768xf32> to vector<16x4096xf32>
    %slice3A_6 = vector.extract_strided_slice %get3A_1 {offsets = [0, 20480], sizes = [16, 4096], strides = [1, 1]} : vector<16x32768xf32> to vector<16x4096xf32>
    %slice3A_7 = vector.extract_strided_slice %get3A_1 {offsets = [0, 24576], sizes = [16, 4096], strides = [1, 1]} : vector<16x32768xf32> to vector<16x4096xf32>
    %slice3A_8 = vector.extract_strided_slice %get3A_1 {offsets = [0, 28672], sizes = [16, 4096], strides = [1, 1]} : vector<16x32768xf32> to vector<16x4096xf32>
    %concatenate3A = tpu.concatenate %slice3A, %slice3A_2, %slice3A_3, %slice3A_4, %slice3A_5, %slice3A_6, %slice3A_7, %slice3A_8 in 0 : vector<16x4096xf32>, vector<16x4096xf32>, vector<16x4096xf32>, vector<16x4096xf32>, vector<16x4096xf32>, vector<16x4096xf32>, vector<16x4096xf32>, vector<16x4096xf32> -> vector<128x4096xf32>
    %transpose3A = tpu.transpose %concatenate3A, [1, 0] : vector<128x4096xf32> -> vector<4096x128xf32>
    %swap3A = arith.constant 0 : index
    %swap3A_9 = arith.constant 0 : index
    %swap3A_10 = vector.load %arg3[%swap3A, %swap3A_9] : memref<4096x128xf32, #tpu.memory_space<vmem>>, vector<4096x128xf32>
    tpu.vector_store %arg3[%swap3A, %swap3A_9], %transpose3A {strides = array<i32>} : memref<4096x128xf32, #tpu.memory_space<vmem>>, vector<4096x128xf32>,
    %get3A_11 = arith.constant 0 : index
    %get3A_12 = arith.constant 0 : index
    %get3A_13 = vector.load %arg2[%get3A_11, %get3A_12] : memref<16x32768xf32, #tpu.memory_space<vmem>>, vector<16x32768xf32>
    %slice3A_14 = vector.extract_strided_slice %get3A_13 {offsets = [0, 0], sizes = [16, 4096], strides = [1, 1]} : vector<16x32768xf32> to vector<16x4096xf32>
    %slice3A_15 = vector.extract_strided_slice %get3A_13 {offsets = [0, 4096], sizes = [16, 4096], strides = [1, 1]} : vector<16x32768xf32> to vector<16x4096xf32>
    %slice3A_16 = vector.extract_strided_slice %get3A_13 {offsets = [0, 8192], sizes = [16, 4096], strides = [1, 1]} : vector<16x32768xf32> to vector<16x4096xf32>
    %slice3A_17 = vector.extract_strided_slice %get3A_13 {offsets = [0, 12288], sizes = [16, 4096], strides = [1, 1]} : vector<16x32768xf32> to vector<16x4096xf32>
    %slice3A_18 = vector.extract_strided_slice %get3A_13 {offsets = [0, 16384], sizes = [16, 4096], strides = [1, 1]} : vector<16x32768xf32> to vector<16x4096xf32>
    %slice3A_19 = vector.extract_strided_slice %get3A_13 {offsets = [0, 20480], sizes = [16, 4096], strides = [1, 1]} : vector<16x32768xf32> to vector<16x4096xf32>
    %slice3A_20 = vector.extract_strided_slice %get3A_13 {offsets = [0, 24576], sizes = [16, 4096], strides = [1, 1]} : vector<16x32768xf32> to vector<16x4096xf32>
    %slice3A_21 = vector.extract_strided_slice %get3A_13 {offsets = [0, 28672], sizes = [16, 4096], strides = [1, 1]} : vector<16x32768xf32> to vector<16x4096xf32>
    %concatenate3A_22 = tpu.concatenate %slice3A_14, %slice3A_15, %slice3A_16, %slice3A_17, %slice3A_18, %slice3A_19, %slice3A_20, %slice3A_21 in 0 : vector<16x4096xf32>, vector<16x4096xf32>, vector<16x4096xf32>, vector<16x4096xf32>, vector<16x4096xf32>, vector<16x4096xf32>, vector<16x4096xf32>, vector<16x4096xf32> -> vector<128x4096xf32>
    %transpose3A_23 = tpu.transpose %concatenate3A_22, [1, 0] : vector<128x4096xf32> -> vector<4096x128xf32>
    %swap3A_24 = arith.constant 0 : index
    %swap3A_25 = arith.constant 0 : index
    %swap3A_26 = vector.load %arg4[%swap3A_24, %swap3A_25] : memref<4096x128xf32, #tpu.memory_space<vmem>>, vector<4096x128xf32>
    tpu.vector_store %arg4[%swap3A_24, %swap3A_25], %transpose3A_23 {strides = array<i32>} : memref<4096x128xf32, #tpu.memory_space<vmem>>, vector<4096x128xf32>,
    return
  }
  func.func @transform_0(%arg0: i32) -> (i32, i32) {
    %c0_i32 = arith.constant 0 : i32
    %c0_i32_0 = arith.constant 0 : i32
    return %c0_i32, %arg0 : i32, i32
  }
  func.func @transform_1(%arg0: i32) -> (i32, i32) {
    %c0_i32 = arith.constant 0 : i32
    %c0_i32_0 = arith.constant 0 : i32
    return %c0_i32, %arg0 : i32, i32
  }
  func.func @transform_2(%arg0: i32) -> (i32, i32) {
    %c0_i32 = arith.constant 0 : i32
    %c0_i32_0 = arith.constant 0 : i32
    return %arg0, %c0_i32 : i32, i32
  }
  func.func @transform_3(%arg0: i32) -> (i32, i32) {
    %c0_i32 = arith.constant 0 : i32
    %c0_i32_0 = arith.constant 0 : i32
    return %arg0, %c0_i32 : i32, i32
  }
}

module attributes {stable_mosaic.version = 14 : i64} {
  func.func @_tc_body(%arg0: i32, %arg1: memref<3200x128xf32, #tpu.memory_space<vmem>>, %arg2: memref<3200x8xf32, #tpu.memory_space<vmem>>, %arg3: memref<128x16xf32, #tpu.memory_space<vmem>>, %arg4: memref<128x128xf32, #tpu.memory_space<vmem>>, %arg5: memref<40x128xf32, #tpu.memory_space<vmem>>, %arg6: memref<128x128xf32, #tpu.memory_space<vmem>>, %arg7: memref<128x128xf32, #tpu.memory_space<vmem>>, %arg8: memref<16x16xf32, #tpu.memory_space<vmem>>, %arg9: memref<128x128xf32, #tpu.memory_space<vmem>>, %arg10: memref<128x128xf32, #tpu.memory_space<vmem>>, %arg11: memref<128x8xf32, #tpu.memory_space<vmem>>, %arg12: memref<8x40xf32, #tpu.memory_space<vmem>>, %arg13: memref<8x128xf32, #tpu.memory_space<vmem>>, %arg14: memref<16x128xf32, #tpu.memory_space<vmem>>, %arg15: memref<128x16xf32, #tpu.memory_space<vmem>>, %arg16: memref<128x3200xf32, #tpu.memory_space<vmem>>, %arg17: memref<3200x128xf32, #tpu.memory_space<vmem>>, %arg18: memref<1x128xf32, #tpu.memory_space<vmem>>, %arg19: memref<1x128xf32, #tpu.memory_space<vmem>>, %arg20: memref<1x128xf32, #tpu.memory_space<vmem>>, %arg21: memref<1x128xf32, #tpu.memory_space<vmem>>, %arg22: memref<1x8xf32, #tpu.memory_space<vmem>>, %arg23: memref<128x16xf32, #tpu.memory_space<vmem>>) attributes {dimension_semantics = [#tpu.dimension_semantics<arbitrary>], iteration_bounds = array<i64: 32>, scalar_prefetch = 0 : i64, scratch_operands = 0 : i64, tpu.core_type = #tpu.core_type<tc>, window_params = [{transform_indices = @transform_0, window_bounds = array<i64: 3200, 128>}, {transform_indices = @transform_1, window_bounds = array<i64: 3200, 8>}, {transform_indices = @transform_2, window_bounds = array<i64: 128, 16>}, {pipeline_mode = #tpu.pipeline_mode<synchronous>, transform_indices = @transform_3, window_bounds = array<i64: 128, 128>}, {pipeline_mode = #tpu.pipeline_mode<synchronous>, transform_indices = @transform_4, window_bounds = array<i64: 40, 128>}, {pipeline_mode = #tpu.pipeline_mode<synchronous>, transform_indices = @transform_5, window_bounds = array<i64: 128, 128>}, {pipeline_mode = #tpu.pipeline_mode<synchronous>, transform_indices = @transform_6, window_bounds = array<i64: 128, 128>}, {pipeline_mode = #tpu.pipeline_mode<synchronous>, transform_indices = @transform_7, window_bounds = array<i64: 16, 16>}, {pipeline_mode = #tpu.pipeline_mode<synchronous>, transform_indices = @transform_8, window_bounds = array<i64: 128, 128>}, {pipeline_mode = #tpu.pipeline_mode<synchronous>, transform_indices = @transform_9, window_bounds = array<i64: 128, 128>}, {pipeline_mode = #tpu.pipeline_mode<synchronous>, transform_indices = @transform_10, window_bounds = array<i64: 128, 8>}, {pipeline_mode = #tpu.pipeline_mode<synchronous>, transform_indices = @transform_11, window_bounds = array<i64: 8, 40>}, {pipeline_mode = #tpu.pipeline_mode<synchronous>, transform_indices = @transform_12, window_bounds = array<i64: 8, 128>}, {pipeline_mode = #tpu.pipeline_mode<synchronous>, transform_indices = @transform_13, window_bounds = array<i64: 16, 128>}, {pipeline_mode = #tpu.pipeline_mode<synchronous>, transform_indices = @transform_14, window_bounds = array<i64: 128, 16>}, {pipeline_mode = #tpu.pipeline_mode<synchronous>, transform_indices = @transform_15, window_bounds = array<i64: 128, 3200>}, {pipeline_mode = #tpu.pipeline_mode<synchronous>, transform_indices = @transform_16, window_bounds = array<i64: 3200, 128>}, {pipeline_mode = #tpu.pipeline_mode<synchronous>, transform_indices = @transform_17, window_bounds = array<i64: 1, 128>}, {pipeline_mode = #tpu.pipeline_mode<synchronous>, transform_indices = @transform_18, window_bounds = array<i64: 1, 128>}, {pipeline_mode = #tpu.pipeline_mode<synchronous>, transform_indices = @transform_19, window_bounds = array<i64: 1, 128>}, {pipeline_mode = #tpu.pipeline_mode<synchronous>, transform_indices = @transform_20, window_bounds = array<i64: 1, 128>}, {pipeline_mode = #tpu.pipeline_mode<synchronous>, transform_indices = @transform_21, window_bounds = array<i64: 1, 8>}, {transform_indices = @transform_22, window_bounds = array<i64: 128, 16>}]} {
    %get3A = arith.constant 0 : index
    %get3A_0 = arith.constant 0 : index
    %get3A_1 = vector.load %arg2[%get3A, %get3A_0] : memref<3200x8xf32, #tpu.memory_space<vmem>>, vector<3200x8xf32>
    %get3A_2 = arith.constant 0 : index
    %get3A_3 = arith.constant 0 : index
    %get3A_4 = vector.load %arg12[%get3A_2, %get3A_3] : memref<8x40xf32, #tpu.memory_space<vmem>>, vector<8x40xf32>
    %dot_general3A = arith.constant dense<0.000000e+00> : vector<3200x40xf32>
    %dot_general3A_5 = tpu.matmul %get3A_1, %get3A_4, %dot_general3A {dimension_numbers = #tpu.dot_dimension_numbers<[1], [0], [0], [1], [0, 0, 1, 1], [], []>, transpose_lhs_hint = false} : vector<3200x8xf32>, vector<8x40xf32>, vector<3200x40xf32> -> vector<3200x40xf32>
    %iota3A = tpu.iota {dimensions = array<i32: 1>} : vector<3200x40xi32>
    %jit3A = arith.constant 5 : i32
    %eq3A = arith.constant 0 : i32
    %eq3A_6 = arith.cmpi eq, %jit3A, %eq3A : i32
    %jit3A_7 = arith.constant 1 : i32
    %select_n3A = arith.select %eq3A_6, %jit3A_7, %jit3A : i32
    %rem3A = vector.broadcast %select_n3A : i32 to vector<3200x40xi32>
    %rem3A_8 = arith.remsi %iota3A, %rem3A : vector<3200x40xi32>
    %ne3A = arith.constant 0 : i32
    %ne3A_9 = vector.broadcast %ne3A : i32 to vector<3200x40xi32>
    %ne3A_10 = arith.cmpi ne, %rem3A_8, %ne3A_9 : vector<3200x40xi32>
    %lt3A = arith.constant 0 : i32
    %lt3A_11 = vector.broadcast %lt3A : i32 to vector<3200x40xi32>
    %lt3A_12 = arith.cmpi slt, %rem3A_8, %lt3A_11 : vector<3200x40xi32>
    %lt3A_13 = arith.constant 0 : i32
    %lt3A_14 = arith.cmpi slt, %select_n3A, %lt3A_13 : i32
    %ne3A_15 = vector.broadcast %lt3A_14 : i1 to vector<3200x40xi1>
    %ne3A_16 = vector.broadcast %ne3A_15 : vector<3200x40xi1> to vector<3200x40xi1>
    %ne3A_17 = arith.xori %lt3A_12, %ne3A_16 : vector<3200x40xi1>
    %and3A = arith.andi %ne3A_17, %ne3A_10 : vector<3200x40xi1>
    %add3A = vector.broadcast %select_n3A : i32 to vector<3200x40xi32>
    %add3A_18 = arith.addi %rem3A_8, %add3A : vector<3200x40xi32>
    %select_n3A_19 = arith.select %and3A, %add3A_18, %rem3A_8 : vector<3200x40xi1>, vector<3200x40xi32>
    %convert_element_type3A = arith.sitofp %select_n3A_19 : vector<3200x40xi32> to vector<3200x40xf32>
    %eq3A_20 = arith.cmpf oeq, %dot_general3A_5, %convert_element_type3A : vector<3200x40xf32>
    %jit3A_21 = arith.constant 1.000000e+00 : f32
    %jit3A_22 = arith.constant 0.000000e+00 : f32
    %broadcast_in_dim3A = vector.broadcast %jit3A_21 : f32 to vector<3200x40xf32>
    %broadcast_in_dim3A_23 = vector.broadcast %jit3A_22 : f32 to vector<3200x40xf32>
    %select_n3A_24 = arith.select %eq3A_20, %broadcast_in_dim3A, %broadcast_in_dim3A_23 : vector<3200x40xi1>, vector<3200x40xf32>
    %get3A_25 = arith.constant 0 : index
    %get3A_26 = arith.constant 0 : index
    %get3A_27 = vector.load %arg5[%get3A_25, %get3A_26] : memref<40x128xf32, #tpu.memory_space<vmem>>, vector<40x128xf32>
    %get3A_28 = arith.constant 0 : index
    %get3A_29 = arith.constant 0 : index
    %get3A_30 = vector.load %arg6[%get3A_28, %get3A_29] : memref<128x128xf32, #tpu.memory_space<vmem>>, vector<128x128xf32>
    %dot_general3A_31 = arith.constant dense<0.000000e+00> : vector<40x128xf32>
    %dot_general3A_32 = tpu.matmul %get3A_27, %get3A_30, %dot_general3A_31 {dimension_numbers = #tpu.dot_dimension_numbers<[1], [0], [0], [1], [0, 0, 1, 1], [], []>, transpose_lhs_hint = false} : vector<40x128xf32>, vector<128x128xf32>, vector<40x128xf32> -> vector<40x128xf32>
    %get3A_33 = arith.constant 0 : index
    %get3A_34 = arith.constant 0 : index
    %get3A_35 = vector.load %arg1[%get3A_33, %get3A_34] : memref<3200x128xf32, #tpu.memory_space<vmem>>, vector<3200x128xf32>
    %get3A_36 = arith.constant 0 : index
    %get3A_37 = arith.constant 0 : index
    %get3A_38 = vector.load %arg4[%get3A_36, %get3A_37] : memref<128x128xf32, #tpu.memory_space<vmem>>, vector<128x128xf32>
    %dot_general3A_39 = arith.constant dense<0.000000e+00> : vector<3200x128xf32>
    %dot_general3A_40 = tpu.matmul %get3A_35, %get3A_38, %dot_general3A_39 {dimension_numbers = #tpu.dot_dimension_numbers<[1], [0], [0], [1], [0, 0, 1, 1], [], []>, transpose_lhs_hint = false} : vector<3200x128xf32>, vector<128x128xf32>, vector<3200x128xf32> -> vector<3200x128xf32>
    %dot_general3A_41 = arith.constant dense<0.000000e+00> : vector<3200x128xf32>
    %dot_general3A_42 = tpu.matmul %select_n3A_24, %dot_general3A_32, %dot_general3A_41 {dimension_numbers = #tpu.dot_dimension_numbers<[1], [0], [0], [1], [0, 0, 1, 1], [], []>, transpose_lhs_hint = false} : vector<3200x40xf32>, vector<40x128xf32>, vector<3200x128xf32> -> vector<3200x128xf32>
    %add3A_43 = arith.addf %dot_general3A_40, %dot_general3A_42 : vector<3200x128xf32>
    %get3A_44 = arith.constant 0 : index
    %get3A_45 = arith.constant 0 : index
    %get3A_46 = vector.load %arg18[%get3A_44, %get3A_45] : memref<1x128xf32, #tpu.memory_space<vmem>>, vector<1x128xf32>
    %add3A_47 = vector.broadcast %get3A_46 : vector<1x128xf32> to vector<3200x128xf32>
    %add3A_48 = arith.addf %add3A_43, %add3A_47 : vector<3200x128xf32>
    %max3A = arith.constant 0.000000e+00 : f32
    %max3A_49 = vector.broadcast %max3A : f32 to vector<3200x128xf32>
    %max3A_50 = arith.maximumf %add3A_48, %max3A_49 : vector<3200x128xf32>
    %get3A_51 = arith.constant 0 : index
    %get3A_52 = arith.constant 0 : index
    %get3A_53 = vector.load %arg7[%get3A_51, %get3A_52] : memref<128x128xf32, #tpu.memory_space<vmem>>, vector<128x128xf32>
    %dot_general3A_54 = arith.constant dense<0.000000e+00> : vector<3200x128xf32>
    %dot_general3A_55 = tpu.matmul %max3A_50, %get3A_53, %dot_general3A_54 {dimension_numbers = #tpu.dot_dimension_numbers<[1], [0], [0], [1], [0, 0, 1, 1], [], []>, transpose_lhs_hint = false} : vector<3200x128xf32>, vector<128x128xf32>, vector<3200x128xf32> -> vector<3200x128xf32>
    %get3A_56 = arith.constant 0 : index
    %get3A_57 = arith.constant 0 : index
    %get3A_58 = vector.load %arg19[%get3A_56, %get3A_57] : memref<1x128xf32, #tpu.memory_space<vmem>>, vector<1x128xf32>
    %add3A_59 = vector.broadcast %get3A_58 : vector<1x128xf32> to vector<3200x128xf32>
    %add3A_60 = arith.addf %dot_general3A_55, %add3A_59 : vector<3200x128xf32>
    %max3A_61 = arith.constant 0.000000e+00 : f32
    %max3A_62 = vector.broadcast %max3A_61 : f32 to vector<3200x128xf32>
    %max3A_63 = arith.maximumf %add3A_60, %max3A_62 : vector<3200x128xf32>
    %get3A_64 = arith.constant 0 : index
    %get3A_65 = arith.constant 0 : index
    %get3A_66 = vector.load %arg3[%get3A_64, %get3A_65] : memref<128x16xf32, #tpu.memory_space<vmem>>, vector<128x16xf32>
    %get3A_67 = arith.constant 0 : index
    %get3A_68 = arith.constant 0 : index
    %get3A_69 = vector.load %arg8[%get3A_67, %get3A_68] : memref<16x16xf32, #tpu.memory_space<vmem>>, vector<16x16xf32>
    %dot_general3A_70 = arith.constant dense<0.000000e+00> : vector<128x16xf32>
    %dot_general3A_71 = tpu.matmul %get3A_66, %get3A_69, %dot_general3A_70 {dimension_numbers = #tpu.dot_dimension_numbers<[1], [0], [0], [1], [0, 0, 1, 1], [], []>, transpose_lhs_hint = false} : vector<128x16xf32>, vector<16x16xf32>, vector<128x16xf32> -> vector<128x16xf32>
    %get3A_72 = arith.constant 0 : index
    %get3A_73 = arith.constant 0 : index
    %get3A_74 = vector.load %arg17[%get3A_72, %get3A_73] : memref<3200x128xf32, #tpu.memory_space<vmem>>, vector<3200x128xf32>
    %dot_general3A_75 = arith.constant dense<0.000000e+00> : vector<3200x16xf32>
    %dot_general3A_76 = tpu.matmul %get3A_74, %dot_general3A_71, %dot_general3A_75 {dimension_numbers = #tpu.dot_dimension_numbers<[1], [0], [0], [1], [0, 0, 1, 1], [], []>, transpose_lhs_hint = false} : vector<3200x128xf32>, vector<128x16xf32>, vector<3200x16xf32> -> vector<3200x16xf32>
    %get3A_77 = arith.constant 0 : index
    %get3A_78 = arith.constant 0 : index
    %get3A_79 = vector.load %arg14[%get3A_77, %get3A_78] : memref<16x128xf32, #tpu.memory_space<vmem>>, vector<16x128xf32>
    %dot_general3A_80 = arith.constant dense<0.000000e+00> : vector<3200x128xf32>
    %dot_general3A_81 = tpu.matmul %dot_general3A_76, %get3A_79, %dot_general3A_80 {dimension_numbers = #tpu.dot_dimension_numbers<[1], [0], [0], [1], [0, 0, 1, 1], [], []>, transpose_lhs_hint = false} : vector<3200x16xf32>, vector<16x128xf32>, vector<3200x128xf32> -> vector<3200x128xf32>
    %get3A_82 = arith.constant 0 : index
    %get3A_83 = arith.constant 0 : index
    %get3A_84 = vector.load %arg9[%get3A_82, %get3A_83] : memref<128x128xf32, #tpu.memory_space<vmem>>, vector<128x128xf32>
    %dot_general3A_85 = arith.constant dense<0.000000e+00> : vector<3200x128xf32>
    %dot_general3A_86 = tpu.matmul %max3A_63, %get3A_84, %dot_general3A_85 {dimension_numbers = #tpu.dot_dimension_numbers<[1], [0], [0], [1], [0, 0, 1, 1], [], []>, transpose_lhs_hint = false} : vector<3200x128xf32>, vector<128x128xf32>, vector<3200x128xf32> -> vector<3200x128xf32>
    %add3A_87 = arith.addf %dot_general3A_86, %dot_general3A_81 : vector<3200x128xf32>
    %get3A_88 = arith.constant 0 : index
    %get3A_89 = arith.constant 0 : index
    %get3A_90 = vector.load %arg20[%get3A_88, %get3A_89] : memref<1x128xf32, #tpu.memory_space<vmem>>, vector<1x128xf32>
    %add3A_91 = vector.broadcast %get3A_90 : vector<1x128xf32> to vector<3200x128xf32>
    %add3A_92 = arith.addf %add3A_87, %add3A_91 : vector<3200x128xf32>
    %max3A_93 = arith.constant 0.000000e+00 : f32
    %max3A_94 = vector.broadcast %max3A_93 : f32 to vector<3200x128xf32>
    %max3A_95 = arith.maximumf %add3A_92, %max3A_94 : vector<3200x128xf32>
    %get3A_96 = arith.constant 0 : index
    %get3A_97 = arith.constant 0 : index
    %get3A_98 = vector.load %arg10[%get3A_96, %get3A_97] : memref<128x128xf32, #tpu.memory_space<vmem>>, vector<128x128xf32>
    %dot_general3A_99 = arith.constant dense<0.000000e+00> : vector<3200x128xf32>
    %dot_general3A_100 = tpu.matmul %max3A_95, %get3A_98, %dot_general3A_99 {dimension_numbers = #tpu.dot_dimension_numbers<[1], [0], [0], [1], [0, 0, 1, 1], [], []>, transpose_lhs_hint = false} : vector<3200x128xf32>, vector<128x128xf32>, vector<3200x128xf32> -> vector<3200x128xf32>
    %get3A_101 = arith.constant 0 : index
    %get3A_102 = arith.constant 0 : index
    %get3A_103 = vector.load %arg21[%get3A_101, %get3A_102] : memref<1x128xf32, #tpu.memory_space<vmem>>, vector<1x128xf32>
    %add3A_104 = vector.broadcast %get3A_103 : vector<1x128xf32> to vector<3200x128xf32>
    %add3A_105 = arith.addf %dot_general3A_100, %add3A_104 : vector<3200x128xf32>
    %max3A_106 = arith.constant 0.000000e+00 : f32
    %max3A_107 = vector.broadcast %max3A_106 : f32 to vector<3200x128xf32>
    %max3A_108 = arith.maximumf %add3A_105, %max3A_107 : vector<3200x128xf32>
    %get3A_109 = arith.constant 0 : index
    %get3A_110 = arith.constant 0 : index
    %get3A_111 = vector.load %arg11[%get3A_109, %get3A_110] : memref<128x8xf32, #tpu.memory_space<vmem>>, vector<128x8xf32>
    %dot_general3A_112 = arith.constant dense<0.000000e+00> : vector<3200x8xf32>
    %dot_general3A_113 = tpu.matmul %max3A_108, %get3A_111, %dot_general3A_112 {dimension_numbers = #tpu.dot_dimension_numbers<[1], [0], [0], [1], [0, 0, 1, 1], [], []>, transpose_lhs_hint = false} : vector<3200x128xf32>, vector<128x8xf32>, vector<3200x8xf32> -> vector<3200x8xf32>
    %get3A_114 = arith.constant 0 : index
    %get3A_115 = arith.constant 0 : index
    %get3A_116 = vector.load %arg22[%get3A_114, %get3A_115] : memref<1x8xf32, #tpu.memory_space<vmem>>, vector<1x8xf32>
    %add3A_117 = vector.broadcast %get3A_116 : vector<1x8xf32> to vector<3200x8xf32>
    %add3A_118 = arith.addf %dot_general3A_113, %add3A_117 : vector<3200x8xf32>
    %exp3A = math.exp %add3A_118 : vector<3200x8xf32>
    %get3A_119 = arith.constant 0 : index
    %get3A_120 = arith.constant 0 : index
    %get3A_121 = vector.load %arg13[%get3A_119, %get3A_120] : memref<8x128xf32, #tpu.memory_space<vmem>>, vector<8x128xf32>
    %dot_general3A_122 = arith.constant dense<0.000000e+00> : vector<3200x128xf32>
    %dot_general3A_123 = tpu.matmul %exp3A, %get3A_121, %dot_general3A_122 {dimension_numbers = #tpu.dot_dimension_numbers<[1], [0], [0], [1], [0, 0, 1, 1], [], []>, transpose_lhs_hint = false} : vector<3200x8xf32>, vector<8x128xf32>, vector<3200x128xf32> -> vector<3200x128xf32>
    %mul3A = arith.mulf %max3A_63, %dot_general3A_123 : vector<3200x128xf32>
    %get3A_124 = arith.constant 0 : index
    %get3A_125 = arith.constant 0 : index
    %get3A_126 = vector.load %arg15[%get3A_124, %get3A_125] : memref<128x16xf32, #tpu.memory_space<vmem>>, vector<128x16xf32>
    %dot_general3A_127 = arith.constant dense<0.000000e+00> : vector<3200x16xf32>
    %dot_general3A_128 = tpu.matmul %mul3A, %get3A_126, %dot_general3A_127 {dimension_numbers = #tpu.dot_dimension_numbers<[1], [0], [0], [1], [0, 0, 1, 1], [], []>, transpose_lhs_hint = false} : vector<3200x128xf32>, vector<128x16xf32>, vector<3200x16xf32> -> vector<3200x16xf32>
    %get3A_129 = arith.constant 0 : index
    %get3A_130 = arith.constant 0 : index
    %get3A_131 = vector.load %arg16[%get3A_129, %get3A_130] : memref<128x3200xf32, #tpu.memory_space<vmem>>, vector<128x3200xf32>
    %dot_general3A_132 = arith.constant dense<0.000000e+00> : vector<128x16xf32>
    %dot_general3A_133 = tpu.matmul %get3A_131, %dot_general3A_128, %dot_general3A_132 {dimension_numbers = #tpu.dot_dimension_numbers<[1], [0], [0], [1], [0, 0, 1, 1], [], []>, transpose_lhs_hint = false} : vector<128x3200xf32>, vector<3200x16xf32>, vector<128x16xf32> -> vector<128x16xf32>
    %get3A_134 = arith.constant 0 : index
    %get3A_135 = arith.constant 0 : index
    %get3A_136 = vector.load %arg16[%get3A_134, %get3A_135] : memref<128x3200xf32, #tpu.memory_space<vmem>>, vector<128x3200xf32>
    %dot_general3A_137 = arith.constant dense<0.000000e+00> : vector<128x8xf32>
    %dot_general3A_138 = tpu.matmul %get3A_136, %exp3A, %dot_general3A_137 {dimension_numbers = #tpu.dot_dimension_numbers<[1], [0], [0], [1], [0, 0, 1, 1], [], []>, transpose_lhs_hint = false} : vector<128x3200xf32>, vector<3200x8xf32>, vector<128x8xf32> -> vector<128x8xf32>
    %reduce_sum3A = arith.constant dense<0.000000e+00> : vector<128xf32>
    %reduce_sum3A_139 = vector.multi_reduction <add>, %dot_general3A_138, %reduce_sum3A [1] : vector<128x8xf32> to vector<128xf32>
    %broadcast_in_dim3A_140 = vector.shape_cast %reduce_sum3A_139 : vector<128xf32> to vector<128x1xf32>
    %div3A = vector.broadcast %broadcast_in_dim3A_140 : vector<128x1xf32> to vector<128x16xf32>
    %div3A_141 = arith.divf %dot_general3A_133, %div3A : vector<128x16xf32>
    %swap3A = arith.constant 0 : index
    %swap3A_142 = arith.constant 0 : index
    %swap3A_143 = vector.load %arg23[%swap3A, %swap3A_142] : memref<128x16xf32, #tpu.memory_space<vmem>>, vector<128x16xf32>
    tpu.vector_store %arg23[%swap3A, %swap3A_142], %div3A_141 {strides = array<i32>} : memref<128x16xf32, #tpu.memory_space<vmem>>, vector<128x16xf32>,
    return
  }
  func.func @transform_0(%arg0: i32) -> (i32, i32) {
    %c0_i32 = arith.constant 0 : i32
    %c0_i32_0 = arith.constant 0 : i32
    return %arg0, %c0_i32 : i32, i32
  }
  func.func @transform_1(%arg0: i32) -> (i32, i32) {
    %c0_i32 = arith.constant 0 : i32
    %c0_i32_0 = arith.constant 0 : i32
    return %arg0, %c0_i32 : i32, i32
  }
  func.func @transform_2(%arg0: i32) -> (i32, i32) {
    %c0_i32 = arith.constant 0 : i32
    %c0_i32_0 = arith.constant 0 : i32
    return %arg0, %c0_i32 : i32, i32
  }
  func.func @transform_3(%arg0: i32) -> (i32, i32) {
    %c0_i32 = arith.constant 0 : i32
    %c0_i32_0 = arith.constant 0 : i32
    %c0_i32_1 = arith.constant 0 : i32
    return %c0_i32, %c0_i32_0 : i32, i32
  }
  func.func @transform_4(%arg0: i32) -> (i32, i32) {
    %c0_i32 = arith.constant 0 : i32
    %c0_i32_0 = arith.constant 0 : i32
    %c0_i32_1 = arith.constant 0 : i32
    return %c0_i32, %c0_i32_0 : i32, i32
  }
  func.func @transform_5(%arg0: i32) -> (i32, i32) {
    %c0_i32 = arith.constant 0 : i32
    %c0_i32_0 = arith.constant 0 : i32
    %c0_i32_1 = arith.constant 0 : i32
    return %c0_i32, %c0_i32_0 : i32, i32
  }
  func.func @transform_6(%arg0: i32) -> (i32, i32) {
    %c0_i32 = arith.constant 0 : i32
    %c0_i32_0 = arith.constant 0 : i32
    %c0_i32_1 = arith.constant 0 : i32
    return %c0_i32, %c0_i32_0 : i32, i32
  }
  func.func @transform_7(%arg0: i32) -> (i32, i32) {
    %c0_i32 = arith.constant 0 : i32
    %c0_i32_0 = arith.constant 0 : i32
    %c0_i32_1 = arith.constant 0 : i32
    return %c0_i32, %c0_i32_0 : i32, i32
  }
  func.func @transform_8(%arg0: i32) -> (i32, i32) {
    %c0_i32 = arith.constant 0 : i32
    %c0_i32_0 = arith.constant 0 : i32
    %c0_i32_1 = arith.constant 0 : i32
    return %c0_i32, %c0_i32_0 : i32, i32
  }
  func.func @transform_9(%arg0: i32) -> (i32, i32) {
    %c0_i32 = arith.constant 0 : i32
    %c0_i32_0 = arith.constant 0 : i32
    %c0_i32_1 = arith.constant 0 : i32
    return %c0_i32, %c0_i32_0 : i32, i32
  }
  func.func @transform_10(%arg0: i32) -> (i32, i32) {
    %c0_i32 = arith.constant 0 : i32
    %c0_i32_0 = arith.constant 0 : i32
    %c0_i32_1 = arith.constant 0 : i32
    return %c0_i32, %c0_i32_0 : i32, i32
  }
  func.func @transform_11(%arg0: i32) -> (i32, i32) {
    %c0_i32 = arith.constant 0 : i32
    %c0_i32_0 = arith.constant 0 : i32
    %c0_i32_1 = arith.constant 0 : i32
    return %c0_i32, %c0_i32_0 : i32, i32
  }
  func.func @transform_12(%arg0: i32) -> (i32, i32) {
    %c0_i32 = arith.constant 0 : i32
    %c0_i32_0 = arith.constant 0 : i32
    %c0_i32_1 = arith.constant 0 : i32
    return %c0_i32, %c0_i32_0 : i32, i32
  }
  func.func @transform_13(%arg0: i32) -> (i32, i32) {
    %c0_i32 = arith.constant 0 : i32
    %c0_i32_0 = arith.constant 0 : i32
    %c0_i32_1 = arith.constant 0 : i32
    return %c0_i32, %c0_i32_0 : i32, i32
  }
  func.func @transform_14(%arg0: i32) -> (i32, i32) {
    %c0_i32 = arith.constant 0 : i32
    %c0_i32_0 = arith.constant 0 : i32
    %c0_i32_1 = arith.constant 0 : i32
    return %c0_i32, %c0_i32_0 : i32, i32
  }
  func.func @transform_15(%arg0: i32) -> (i32, i32) {
    %c0_i32 = arith.constant 0 : i32
    %c0_i32_0 = arith.constant 0 : i32
    %c0_i32_1 = arith.constant 0 : i32
    return %c0_i32, %c0_i32_0 : i32, i32
  }
  func.func @transform_16(%arg0: i32) -> (i32, i32) {
    %c0_i32 = arith.constant 0 : i32
    %c0_i32_0 = arith.constant 0 : i32
    %c0_i32_1 = arith.constant 0 : i32
    return %c0_i32, %c0_i32_0 : i32, i32
  }
  func.func @transform_17(%arg0: i32) -> (i32, i32) {
    %c0_i32 = arith.constant 0 : i32
    %c0_i32_0 = arith.constant 0 : i32
    %c0_i32_1 = arith.constant 0 : i32
    return %c0_i32, %c0_i32_0 : i32, i32
  }
  func.func @transform_18(%arg0: i32) -> (i32, i32) {
    %c0_i32 = arith.constant 0 : i32
    %c0_i32_0 = arith.constant 0 : i32
    %c0_i32_1 = arith.constant 0 : i32
    return %c0_i32, %c0_i32_0 : i32, i32
  }
  func.func @transform_19(%arg0: i32) -> (i32, i32) {
    %c0_i32 = arith.constant 0 : i32
    %c0_i32_0 = arith.constant 0 : i32
    %c0_i32_1 = arith.constant 0 : i32
    return %c0_i32, %c0_i32_0 : i32, i32
  }
  func.func @transform_20(%arg0: i32) -> (i32, i32) {
    %c0_i32 = arith.constant 0 : i32
    %c0_i32_0 = arith.constant 0 : i32
    %c0_i32_1 = arith.constant 0 : i32
    return %c0_i32, %c0_i32_0 : i32, i32
  }
  func.func @transform_21(%arg0: i32) -> (i32, i32) {
    %c0_i32 = arith.constant 0 : i32
    %c0_i32_0 = arith.constant 0 : i32
    %c0_i32_1 = arith.constant 0 : i32
    return %c0_i32, %c0_i32_0 : i32, i32
  }
  func.func @transform_22(%arg0: i32) -> (i32, i32) {
    %c0_i32 = arith.constant 0 : i32
    %c0_i32_0 = arith.constant 0 : i32
    return %arg0, %c0_i32 : i32, i32
  }
}

</mosaic_0001>

<sc_bundles>
// kernel: kernel.5.cloned.1.call-start
scs
__scs_entry_jumppad:
0x0: {  	(pc) =	sbr.rel $0x88, $3  }
0x1: {  	(tag) =	ssettag $0x0;
	lr =	simm.s32 $0x1  }
0x2: {  	[smem:$0x3F91] =	sst lr;
	_ =	strace $0xD0000000  }
0x3: {  	_ = 	snop  }
0x4: {  	_ = 	snop  }
0x5: {  	_ = 	snop  }
0x6: {  	_ = 	snop  }
0x7: {  	_ = 	snop  }
__scs_overlays_trampoline_lowered:
0x8: {  	[smem:$0x3FA0] =	sst s0  }
0x9: {  	[smem:$0x3FA1] =	sst s1  }
0xa: {  	[smem:$0x3FA2] =	sst s2  }
0xb: {  	[smem:$0x3FA3] =	sst s3  }
0xc: {  	[smem:$0x3FA4] =	sst s4  }
0xd: {  	[smem:$0x3FA5] =	sst s5  }
0xe: {  	[smem:$0x3FA6] =	sst s6  }
0xf: {  	[smem:$0x3FA7] =	sst s7  }
0x10: {  	[smem:$0x3FA8] =	sst s8  }
0x11: {  	[smem:$0x3FA9] =	sst s9;
	s0 =	simm.s32 @!p0 $0x0  }
0x12: {  	s1 =	sld [smem:$0x3F8F];
	s0 =	simm.s32 @p0 $0x1  }
0x13: {  	[smem:$0x3FAA] =	sst s0;
	s0 =	simm.s32 @!p1 $0x0  }
0x14: {  	s2 =	sld [smem:$0x3F8E];
	s0 =	simm.s32 @p1 $0x1  }
0x15: {  	[smem:$0x3FAB] =	sst s0;
	s0 =	simm.s32 @!p2 $0x0  }
0x16: {  	s3 =	sld [smem:$0x3FDB];
	s0 =	simm.s32 @p2 $0x1  }
0x17: {  	s4 =	simm.s32 $0x1BF5;
	[smem:$0x3FAD] =	sst s0  }
0x18: {  	s0 =	sld [smem:$0x3F90];
	_ =	swait.ge [sflag:s4], $0x0  }
0x19: {  	s7 =	sld [smem:$0x3F91]  }
0x1a: {  	s8 =	sadd.s32 $0xFFFFE003, lr  }
0x1b: {  	s9 =	sadd.s32 $0xFFFFFEF7, lr;
	s5 =	simm.s32 $0xFFFFFFFF;
	p2 =	slt.u32 s8, $0xFFFFF086  }
0x1c: {  	p1 =	slt.u32 s9, $0xF7A;
	s5 =	simm.s32 @!p2 $0x0  }
0x1d: {  	s5 =	simm.s32 @p1 $0x1;
	p0 =	seq.s32 s7, s2  }
0x1e: {  	s7 =	smul.u32 @!p0 $0xF7A, s2;
	p2 =	seq.s32 @!p0 s5, $0x0  }
0x1f: {  	s9 =	smul.u32 $0xF7A, s1;
	s8 =	simm.s32 @!p0 $0x1BF5;
	p2 =	por !p2, p0  }
0x20: {  	[sflag:s8] =	ssyncset.s32 @!p0 $0xFFFFF086;
	s6 =	sadd.s32 @!p0 s3, s7;
	s7 =	simm.s32 @!p0 $0x108  }
0x21: {  	s3 =	sadd.s32 s3, s9;
	s6 =	sadd.s32 @!p0 $0x88, s6;
	s7 =	simm.s32 @p2 $0x1082  }
0x22: {  	[simem:s7], [sflag:s8] =	dma.local @!p0 [hbm:s6], $0xF7A  }
0x23: {  	s9 =	sor.u32 $0xD0000000, s2;
	s6 =	simm.s32 $0x108;
	_ =	swait.ge @!p0 [sflag:s8], $0x0  }
0x24: {  	s3 =	sadd.s32 $0x88, s3;
	s6 =	simm.s32 @!p1 $0x1082;
	[sflag:s4] =	ssyncset.s32 $0xFFFFF086  }
0x25: {  	[simem:s6], [sflag:s4] =	dma.local [hbm:s3], $0xF7A  }
0x26: {  	[smem:$0x3F91] =	sst s1;
	(tag) =	ssettag s2;
	_ =	strace s9  }
0x27: {  	s1 =	sld [smem:$0x3FA1]  }
0x28: {  	s2 =	sld [smem:$0x3FA2]  }
0x29: {  	s4 =	sld [smem:$0x3FA4]  }
0x2a: {  	p0 =	seq.s32 s5, $0x0;
	s5 =	sld [smem:$0x3FA5]  }
0x2b: {  	s6 =	sld [smem:$0x3FA6]  }
0x2c: {  	s7 =	sld [smem:$0x3FA7]  }
0x2d: {  	s3 =	simm.s32 $0x108;
	s8 =	sld [smem:$0x3FA8]  }
0x2e: {  	s3 =	simm.s32 @!p0 $0x1082;
	s9 =	sld [smem:$0x3FA9]  }
0x2f: {  	lr =	sadd.s32 s0, s3;
	s0 =	sld [smem:$0x3FA0]  }
0x30: {  	s3 =	sld [smem:$0x3FA3]  }
0x31: {  	[smem:$0x3FAC] =	sst s10  }
0x32: {  	s10 =	sld [smem:$0x3FAA];
	_ =	sdelay $0x3  }
0x33: {  	p0 =	seq.s32 s10, $0x1;
	s10 =	sld [smem:$0x3FAC];
	_ =	sdelay $0x3  }
0x34: {  	[smem:$0x3FAC] =	sst s10  }
0x35: {  	s10 =	sld [smem:$0x3FAB];
	_ =	sdelay $0x3  }
0x36: {  	p1 =	seq.s32 s10, $0x1;
	s10 =	sld [smem:$0x3FAC];
	_ =	sdelay $0x3  }
0x37: {  	[smem:$0x3FAC] =	sst s10  }
0x38: {  	s10 =	sld [smem:$0x3FAD]  }
0x39: {  	_ = 	snop;
	(pc) =	sbr.ind lr, $3  }
0x3a: {  	_ = 	snop  }
0x3b: {  	_ = 	snop  }
0x3c: {  	p2 =	seq.s32 s10, $0x1;
	s10 =	sld [smem:$0x3FAC]  }
0x3d: {  	_ =	shalt  }
0x3e: {  	_ =	shalt  }
0x3f: {  	_ =	shalt  }
0x40: {  	_ =	shalt  }
0x41: {  	_ =	shalt  }
0x42: {  	_ =	shalt  }
0x43: {  	_ =	shalt  }
0x44: {  	_ =	shalt  }
0x45: {  	_ =	shalt  }
0x46: {  	_ =	shalt  }
0x47: {  	_ =	shalt  }
0x48: {  	_ =	shalt  }
0x49: {  	_ =	shalt  }
0x4a: {  	_ =	shalt  }
0x4b: {  	_ =	shalt  }
0x4c: {  	_ =	shalt  }
0x4d: {  	_ =	shalt  }
0x4e: {  	_ =	shalt  }
0x4f: {  	_ =	shalt  }
0x50: {  	_ =	shalt  }
0x51: {  	_ =	shalt  }
0x52: {  	_ =	shalt  }
0x53: {  	_ =	shalt  }
0x54: {  	_ =	shalt  }
0x55: {  	_ =	shalt  }
0x56: {  	_ =	shalt  }
0x57: {  	_ =	shalt  }
0x58: {  	_ =	shalt  }
0x59: {  	_ =	shalt  }
0x5a: {  	_ =	shalt  }
0x5b: {  	_ =	shalt  }
0x5c: {  	_ =	shalt  }
0x5d: {  	_ =	shalt  }
0x5e: {  	_ =	shalt  }
0x5f: {  	_ =	shalt  }
0x60: {  	_ =	shalt  }
0x61: {  	_ =	shalt  }
0x62: {  	_ =	shalt  }
0x63: {  	_ =	shalt  }
0x64: {  	_ =	shalt  }
0x65: {  	_ =	shalt  }
0x66: {  	_ =	shalt  }
0x67: {  	_ =	shalt  }
0x68: {  	_ =	shalt  }
0x69: {  	_ =	shalt  }
0x6a: {  	_ =	shalt  }
0x6b: {  	_ =	shalt  }
0x6c: {  	_ =	shalt  }
0x6d: {  	_ =	shalt  }
0x6e: {  	_ =	shalt  }
0x6f: {  	_ =	shalt  }
0x70: {  	_ =	shalt  }
0x71: {  	_ =	shalt  }
0x72: {  	_ =	shalt  }
0x73: {  	_ =	shalt  }
0x74: {  	_ =	shalt  }
0x75: {  	_ =	shalt  }
0x76: {  	_ =	shalt  }
0x77: {  	_ =	shalt  }
0x78: {  	_ =	shalt  }
0x79: {  	_ =	shalt  }
0x7a: {  	_ =	shalt  }
0x7b: {  	_ =	shalt  }
0x7c: {  	_ =	shalt  }
0x7d: {  	_ =	shalt  }
0x7e: {  	_ =	shalt  }
0x7f: {  	_ =	shalt  }
0x80: {  	_ =	shalt  }
0x81: {  	_ =	shalt  }
0x82: {  	_ =	shalt  }
0x83: {  	_ =	shalt  }
0x84: {  	_ =	shalt  }
0x85: {  	_ =	shalt  }
0x86: {  	_ =	shalt  }
0x87: {  	_ =	shalt  }
.Lfunc_end0:
.L_simem_size_0:
called_computation_lowered:
.L_overlay_start_0:
0x88: {  	s2 =	sld [smem:$0x3FD9]  }
0x89: {  	s3 =	sld [smem:$0x3FFE];
	_ =	sdelay $0x1  }
0x8a: {  	s1 =	srdreg.scid  }
0x8b: {  	s0 =	sand.u32 $0x1, s1  }
0x8c: {  	s17 =	sshll.u32 s0, $0xA;
	s2 =	sadd.s32 s3, s2  }
0x8d: {  	s2 =	sadd.s32 s2, s17  }
0x8e: {  	[smem:$0x3FB8] =	sst s2  }
0x8f: {  	_ = 	snop  }
0x90: {  	s2 =	sld [smem:$0x3FC9]  }
0x91: {  	s18 =	sld [smem:$0x3FD0];
	(tm) =	ssettm $0x1  }
0x92: {  	s4 =	sld [smem:$0x3FFB];
	_ =	sdelay $0x3  }
0x93: {  	_ =	strace s4  }
0x94: {  	s4 =	sld [smem:$0x3FFC];
	_ =	sdelay $0x3  }
0x95: {  	_ =	strace s4  }
0x96: {  	s4 =	sld [smem:$0x3FFD];
	_ =	sdelay $0x3  }
0x97: {  	_ =	strace s4  }
0x98: {  	_ =	strace $0x8FFFFFFF  }
0x99: {  	s19 =	sld [smem:$0x3FDB];
	_ =	sdelay $0x1  }
0x9a: {  	s5 =	simm.s32 $_scs_section_size  }
0x9b: {  	s6 =	simm.s32 $_size__tile_overlayer_lowered;
	s7 =	simm.s32 $_tile_overlayer_lowered  }
0x9c: {  	s22 =	simm.s32 $0x1BFF;
	s21 =	sshll.u32 s7, $0x1;
	s4 =	sadd.s32 s5, s19  }
0x9d: {  	s8 =	simm.s32 $0x0;
	s20 =	sshll.u32 s6, $0x1;
	s6 =	sadd.s32 s21, s4  }
0x9e: {  	[timem:s8], [sflag:s22] =	dma.local [hbm:s6], s20  }
0x9f: {  	_ =	swait.ge [sflag:s22], s20  }
0xa0: {  	s5 =	ssub.s32 $0x0, s20;
	[sflag:s22] =	ssyncset.done $0x0  }
0xa1: {  	[sflag:s22] =	ssyncadd.s32 s5;
	_ =	sdelay $0x1  }
0xa2: {  	s23 =	simm.s32 $0x1B8B  }
0xa3: {  	_ =	swait.ge [sflag:s23], $0x1  }
0xa4: {  	[sflag:s23] =	ssyncset.done $0x0  }
0xa5: {  	s25 =	simm.s32 $0x1B8E;
	s24 =	sld [smem:$0x3FFE];
	[sflag:s23] =	ssyncadd.s32 $0xFFFFFFFF  }
0xa6: {  	s26 =	simm.s32 $execute0_lowered;
	[smem:$0x3FD2] =	sst s25  }
0xa7: {  	s6 =	sshll.u32 s26, $0x1;
	_ =	strace $0x80000046;
	[dreg:$0x1] =	wrdreg $0xFFFFFFFF  }
0xa8: {  	s28 =	simm.s32 $_size_execute0_lowered;
	s4 =	sadd.s32 s4, s6;
	[dreg:$0x0] =	wrdreg $0x0  }
0xa9: {  	s6 =	sshll.u32 s28, $0x1;
	[dreg:$0x2] =	wrdreg s4  }
0xaa: {  	[dreg:$0x3] =	wrdreg s6  }
0xab: {  	[dreg:$0x4] =	wrdreg $0xC0  }
0xac: {  	_ =	task [dreg:s8], $0x5FFFF  }
0xad: {  	[dreg:$0x1] =	wrdreg $0xFFFFFFFF  }
0xae: {  	[dreg:$0x0] =	wrdreg $0x60  }
0xaf: {  	[dreg:$0x2] =	wrdreg s24  }
0xb0: {  	[dreg:$0x3] =	wrdreg s2  }
0xb1: {  	[dreg:$0x4] =	wrdreg s18  }
0xb2: {  	[dreg:$0x5] =	wrdreg $0x9  }
0xb3: {  	_ =	task.clear_ibuf [dreg:s8], $0x6FFFF;
	_ =	strace $0x90000046  }
0xb4: {  	s29 =	simm.s32 $0x9;
	_ =	strace $0x80000048  }
0xb5: {  	_ =	swait.ge [sflag:s29], $0x1  }
0xb6: {  	[sflag:s29] =	ssyncadd.s32 $0xFFFFFFFF  }
0xb7: {  	_ =	strace $0x90000048  }
0xb8: {  	_ =	sfence  }
0xb9: {  	s30 =	sld [smem:$0x0];
	_ =	sdelay $0x2  }
0xba: {  	s31 =	sshll.u32 s1, $0xD;
	s1 =	sshrl.u32 s1, $0x2  }
0xbb: {  	s3 =	sand.u32 $0x4000, s31;
	s1 =	sadd.s32 s1, s30  }
0xbc: {  	s0 =	sor.u32 s3, s0;
	s1 =	sshll.u32 s1, $0x11  }
0xbd: {  	s0 =	sor.u32 s1, s0  }
0xbe: {  	s0 =	sadd.s32 $0x8F2B, s0  }
0xbf: {  	[sflag:s0] =	ssyncadd.remote.s32 $0x1  }
0xc0: {  	_ =	sfence.sel $0xFFFF  }
0xc1: {  	[dreg:$0x0] =	wrdreg $0xFFFFFFFF;
	(pc) =	sbr.abs _section_cstart, $3  }
0xc2: {  	[dreg:$0x1] =	wrdreg $0xFFFFFFFF  }
0xc3: {  	_ =	task.clear_ibuf [dreg:s8], $0x2FFFF;
	_ =	strace $0x9FFFFFFF  }
0xc4: {  	(tm) =	ssettm $0x7FFFFFFF  }
0xc5: {  	_ =	shalt  }
tec
execute0_lowered:
.L_overlay_start_1:
0x0: {  	(tag) =	ssettag $0x1  }
0x1: {  	s0 =	rddreg [dreg:$0x0];
	s1 =	srdreg.scid  }
0x2: {  	s10 =	stileid.u32;
	s5 =	rddreg [dreg:$0x1]  }
0x3: {  	s6 =	rddreg [dreg:$0x2];
	s2 =	simm.s32 $0x0;
	s11 =	simm.s32 $0x2  }
0x4: {  	s12 =	simm.s32 $0x80;
	s14 =	simm.s32 $0x4900;
	s15 =	simm.s32 $0x1  }
0x5: {  	s16 =	simm.s32 $0x400;
	s17 =	simm.s32 $0x800;
	s18 =	simm.s32 $0x480  }
0x6: {  	s19 =	simm.s32 $0x1000;
	s20 =	simm.s32 $0x500;
	s21 =	simm.s32 $0x1800  }
0x7: {  	s22 =	simm.s32 $0x580;
	s28 =	simm.s32 $0x3000;
	s29 =	simm.s32 $0x700  }
0x8: {  	s30 =	simm.s32 $0x3800;
	s31 =	simm.s32 $0x780;
	s3 =	smul.u32 $0xC800, s10  }
0x9: {  	s1 =	sand.u32 $0x1, s1;
	s7 =	smul.u32 $0xC8000, s10;
	[smem:$0x7FF] =	sst s2  }
0xa: {  	s23 =	sadd.s32 $0x20B600, s0;
	s24 =	sshll.u32 s10, $0x1;
	s4 =	smul.u32 $0x6400, s1  }
0xb: {  	s8 =	smul.u32 $0x64000, s1;
	_ =	strace $0x80000047;
	[dreg:$0x4] =	wrdreg s23  }
0xc: {  	s25 =	ssub.s32 $0x2, s1;
	s1 =	sor.u32 s1, s24;
	s23 =	simm.s32 $0x2000  }
0xd: {  	s24 =	simm.s32 $0x600;
	s26 =	sshrl.u32 s25, $0x1;
	s3 =	sadd.s32 s4, s3  }
0xe: {  	s7 =	sadd.s32 s8, s7;
	s8 =	sshll.u32 s1, $0x4;
	s1 =	sshll.u32 s1, $0x8  }
0xf: {  	s3 =	sshrl.u32 s3, $0x3;
	s7 =	sshrl.u32 s7, $0x3;
	s5 =	sadd.s32 s5, s8  }
0x10: {  	s6 =	sadd.s32 s6, s1;
	s1 =	simm.s32 $0x4000;
	s9 =	sadd.s32 s3, s0  }
0x11: {  	s3 =	sadd.s32 $0x1B600, s0;
	s0 =	sadd.s32 s7, s0;
	s7 =	ssub.s32 s25, s26  }
0x12: {  	s25 =	simm.s32 $0x2800;
	s26 =	simm.s32 $0x680;
	s7 =	smax.u32 s7, $0x1  }
0x13: {  	s13 =	sadd.s32 $0x3FB600, s0;
	s9 =	sadd.s32 $0x2600, s9;
	s0 =	simm.s32 $0x0  }
.LBB2_1:
0x14: {  	s4 =	simm.s32 $0x4800  }
0x15: {  	[tilespmem:s4], [sflag:$0x2] =	stream.linear.gather [hbm4b:s5+s2], $0x80, $0x38;
	[tilespmem:$0x5100] =	vst v63  }
0x16: {  	_ =	swait.ge [sflag:s11], $0x80  }
0x17: {  	[sflag:s11] =	ssyncset.done $0x0  }
0x18: {  	[sflag:s11] =	ssyncadd.s32 $0xFFFFFF80  }
0x19: {  	v0 =	vld [tilespmem:$0x4800]  }
0x1a: {  	v1 =	vld [tilespmem:$0x4810]  }
0x1b: {  	v2 =	vld [tilespmem:$0x4820]  }
0x1c: {  	v5 =	vld [tilespmem:$0x4830]  }
0x1d: {  	v6 =	vld [tilespmem:$0x4840]  }
0x1e: {  	v43 =	vld [tilespmem:$0x4850];
	v3 =	vshll.u32 v0, $0x3  }
0x1f: {  	v8 =	vld [tilespmem:$0x4860];
	v4 =	vand.u32 $0xFFFF8000, v0;
	v0 =	vshrl.u32 v0, $0xC;
	v40 =	vshll.u32 v1, $0x3  }
0x20: {  	v9 =	vld [tilespmem:$0x4870];
	v41 =	vand.u32 $0xFFFF8000, v1;
	v1 =	vshrl.u32 v1, $0xC;
	v42 =	vshll.u32 v2, $0x3  }
0x21: {  	v7 =	vand.u32 $0xFFFF8000, v2;
	v2 =	vshrl.u32 v2, $0xC;
	v44 =	vshll.u32 v5, $0x3  }
0x22: {  	v45 =	vand.u32 $0xFFFF8000, v5;
	v5 =	vshrl.u32 v5, $0xC;
	v47 =	vshll.u32 v6, $0x3  }
0x23: {  	v48 =	vand.u32 $0xFFFF8000, v6;
	v49 =	vshrl.u32 v6, $0xC;
	v50 =	vshll.u32 v43, $0x3  }
0x24: {  	v10 =	vand.u32 $0xFFFF8000, v43;
	v54 =	vshll.u32 v8, $0x3;
	v55 =	vand.u32 $0xFFFF8000, v8  }
0x25: {  	v56 =	vshrl.u32 v8, $0xC;
	v58 =	vshll.u32 v9, $0x3;
	v59 =	vand.u32 $0xFFFF8000, v9  }
0x26: {  	v60 =	vshrl.u32 v9, $0xC;
	v3 =	vand.u32 $0x7FF8, v3;
	v0 =	vand.u32 $0x7, v0  }
0x27: {  	v1 =	vand.u32 $0x7, v1;
	v2 =	vand.u32 $0x7, v2;
	v46 =	vand.u32 $0x7, v5  }
0x28: {  	v5 =	vand.u32 $0x7FF8, v47;
	v6 =	vand.u32 $0x7FF8, v50;
	v57 =	vand.u32 $0x7, v56  }
0x29: {  	v3 =	vor.u32 v4, v3;
	v4 =	vand.u32 $0x7FF8, v40;
	v51 =	vor.u32 v10, v6  }
0x2a: {  	v0 =	vor.u32 v0, v3;
	v3 =	vor.u32 v41, v4;
	v4 =	vand.u32 $0x7FF8, v42  }
0x2b: {  	v4 =	vor.u32 v7, v4;
	v1 =	vor.u32 v1, v3;
	v3 =	vand.u32 $0x7FF8, v44;
	[tilespmem:$0x4880] =	vst v0  }
0x2c: {  	v7 =	vshrl.u32 v43, $0xC;
	v2 =	vor.u32 v2, v4;
	v3 =	vor.u32 v45, v3;
	[tilespmem:$0x4890] =	vst v1  }
0x2d: {  	v4 =	vor.u32 v48, v5;
	v5 =	vand.u32 $0x7, v49;
	v3 =	vor.u32 v46, v3;
	[tilespmem:$0x48A0] =	vst v2  }
0x2e: {  	v52 =	vand.u32 $0x7, v7;
	v53 =	vor.u32 v5, v4;
	v4 =	vand.u32 $0x7FF8, v54;
	[tilespmem:$0x48B0] =	vst v3  }
0x2f: {  	v0 =	vor.u32 v52, v51;
	v2 =	vor.u32 v55, v4;
	[tilespmem:$0x48C0] =	vst v53;
	v4 =	vand.u32 $0x7FF8, v58  }
0x30: {  	v62 =	vand.u32 $0x7, v60;
	[tilespmem:$0x48D0] =	vst v0;
	v61 =	vor.u32 v57, v2;
	v1 =	vor.u32 v59, v4  }
0x31: {  	[tilespmem:$0x48E0] =	vst v61;
	v63 =	vor.u32 v62, v1  }
0x32: {  	s8 =	simm.s32 $0x4880;
	s10 =	rddreg [dreg:$0x4];
	[tilespmem:$0x48F0] =	vst v63  }
0x33: {  	[tilespmem:s14], [sflag:$0x1] =	stream.indirect.gather [hbm4b:s10+s12], $0x10, s8, s12, $0xb8;
	[tilespmem:$0x5100] =	vst v63  }
0x34: {  	_ =	swait.ge [sflag:s15], $0x800  }
0x35: {  	[sflag:s15] =	ssyncset.done $0x0  }
0x36: {  	[sflag:s15] =	ssyncadd.s32 $0xFFFFF800  }
0x37: {  	[hbm4b:s6+s2] =	stream.linear.scatter [tilespmem:s14], [sflag:$0x2], $0x800, $0x38;
	[tilespmem:$0x5100] =	vst v63  }
0x38: {  	_ =	swait.ge [sflag:s11], $0x800  }
0x39: {  	[sflag:s11] =	ssyncset.done $0x0  }
0x3a: {  	s10 =	simm.s32 $0x0;
	s8 =	smov.u32 s13;
	[sflag:s11] =	ssyncadd.s32 $0xFFFFF800  }
.LBB2_2:
0x3b: {  	s4 =	sadd.s32 s10, s9  }
0x3c: {  	[tilespmem:s2], [sflag:$0x2] =	stream.linear.gather [hbm4b:s4+s2], $0x400, $0x38;
	[tilespmem:$0x5100] =	vst v63  }
0x3d: {  	_ =	swait.ge [sflag:s11], $0x400  }
0x3e: {  	[sflag:s11] =	ssyncset.done $0x0  }
0x3f: {  	[sflag:s11] =	ssyncadd.s32 $0xFFFFFC00  }
0x40: {  	v0 =	vld [tilespmem:$0x0]  }
0x41: {  	v1 =	vld [tilespmem:$0x10]  }
0x42: {  	v3 =	vld [tilespmem:$0x20]  }
0x43: {  	v5 =	vld [tilespmem:$0x30]  }
0x44: {  	v7 =	vld [tilespmem:$0x40]  }
0x45: {  	v52 =	vld [tilespmem:$0x50]  }
0x46: {  	v8 =	vld [tilespmem:$0x60]  }
0x47: {  	v56 =	vld [tilespmem:$0x70]  }
0x48: {  	v10 =	vld [tilespmem:$0x80];
	v2 =	vshll.u32 v0, $0x3;
	v4 =	vand.u32 $0xFFFF8000, v0;
	v0 =	vshrl.u32 v0, $0xC  }
0x49: {  	v11 =	vld [tilespmem:$0x90];
	v47 =	vshll.u32 v1, $0x3;
	v6 =	vand.u32 $0xFFFF8000, v1;
	v1 =	vshrl.u32 v1, $0xC  }
0x4a: {  	v63 =	vld [tilespmem:$0xA0];
	v49 =	vshll.u32 v3, $0x3;
	v50 =	vand.u32 $0xFFFF8000, v3;
	v3 =	vshrl.u32 v3, $0xC  }
0x4b: {  	v13 =	vld [tilespmem:$0xB0];
	v51 =	vshll.u32 v5, $0x3;
	v53 =	vand.u32 $0xFFFF8000, v5;
	v54 =	vshrl.u32 v5, $0xC  }
0x4c: {  	v14 =	vld [tilespmem:$0xC0];
	v55 =	vshll.u32 v7, $0x3;
	v9 =	vand.u32 $0xFFFF8000, v7;
	v7 =	vshrl.u32 v7, $0xC  }
0x4d: {  	v23 =	vld [tilespmem:$0xD0];
	v57 =	vshll.u32 v52, $0x3;
	v58 =	vand.u32 $0xFFFF8000, v52;
	v59 =	vshll.u32 v8, $0x3  }
0x4e: {  	v31 =	vld [tilespmem:$0x100];
	v60 =	vand.u32 $0xFFFF8000, v8;
	v61 =	vshrl.u32 v8, $0xC;
	v62 =	vshll.u32 v56, $0x3  }
0x4f: {  	v39 =	vld [tilespmem:$0x130];
	v12 =	vand.u32 $0xFFFF8000, v56;
	v16 =	vshll.u32 v10, $0x3;
	v17 =	vand.u32 $0xFFFF8000, v10  }
0x50: {  	v10 =	vshrl.u32 v10, $0xC;
	v19 =	vshll.u32 v11, $0x3;
	v20 =	vand.u32 $0xFFFF8000, v11  }
0x51: {  	v21 =	vshrl.u32 v11, $0xC;
	v22 =	vshll.u32 v63, $0x3;
	v15 =	vand.u32 $0xFFFF8000, v63  }
0x52: {  	v24 =	vshll.u32 v13, $0x3;
	v25 =	vand.u32 $0xFFFF8000, v13;
	v13 =	vshrl.u32 v13, $0xC  }
0x53: {  	v27 =	vshll.u32 v14, $0x3;
	v28 =	vand.u32 $0xFFFF8000, v14;
	v29 =	vshrl.u32 v14, $0xC  }
0x54: {  	v30 =	vshll.u32 v23, $0x3;
	v38 =	vshll.u32 v31, $0x3;
	v46 =	vshll.u32 v39, $0x3  }
0x55: {  	v2 =	vand.u32 $0x7FF8, v2;
	v0 =	vand.u32 $0x7, v0;
	v48 =	vand.u32 $0x7, v1  }
0x56: {  	v3 =	vand.u32 $0x7, v3;
	v5 =	vand.u32 $0x7FF8, v55;
	v7 =	vand.u32 $0x7, v7  }
0x57: {  	v8 =	vand.u32 $0x7FF8, v62;
	v18 =	vand.u32 $0x7, v10;
	v10 =	vand.u32 $0x7FF8, v19  }
0x58: {  	v11 =	vand.u32 $0x7FF8, v22;
	v26 =	vand.u32 $0x7, v13;
	v13 =	vand.u32 $0x7FF8, v27  }
0x59: {  	v14 =	vand.u32 $0x7FF8, v30;
	v2 =	vor.u32 v4, v2;
	v4 =	vand.u32 $0x7FF8, v47  }
0x5a: {  	v5 =	vor.u32 v9, v5;
	v9 =	vshrl.u32 v56, $0xC;
	v8 =	vor.u32 v12, v8  }
0x5b: {  	v12 =	vshrl.u32 v63, $0xC;
	v11 =	vor.u32 v15, v11;
	v15 =	vshrl.u32 v23, $0xC  }
0x5c: {  	v4 =	vor.u32 v6, v4;
	v1 =	vor.u32 v0, v2;
	v2 =	vand.u32 $0x7FF8, v49  }
0x5d: {  	v19 =	vld [tilespmem:$0x110];
	v6 =	vshrl.u32 v52, $0xC;
	v9 =	vand.u32 $0x7, v9;
	v12 =	vand.u32 $0x7, v12  }
0x5e: {  	v22 =	vld [tilespmem:$0x140];
	v0 =	vor.u32 v48, v4;
	v2 =	vor.u32 v50, v2;
	v4 =	vand.u32 $0x7FF8, v51  }
0x5f: {  	v55 =	vld [tilespmem:$0x190];
	v2 =	vor.u32 v3, v2;
	v3 =	vor.u32 v53, v4;
	v4 =	vand.u32 $0x7, v54  }
0x60: {  	v47 =	vld [tilespmem:$0x160];
	v15 =	vand.u32 $0x7, v15;
	v6 =	vand.u32 $0x7, v6;
	v4 =	vor.u32 v4, v3  }
0x61: {  	v3 =	vor.u32 v7, v5;
	v5 =	vand.u32 $0x7FF8, v57;
	v7 =	vand.u32 $0x7FF8, v59  }
0x62: {  	v40 =	vshll.u32 v19, $0x3;
	v41 =	vand.u32 $0xFFFF8000, v19;
	v19 =	vshrl.u32 v19, $0xC  }
0x63: {  	v48 =	vshll.u32 v22, $0x3;
	v49 =	vand.u32 $0xFFFF8000, v22;
	v22 =	vshrl.u32 v22, $0xC  }
0x64: {  	v62 =	vshll.u32 v55, $0x3;
	v30 =	vand.u32 $0xFFFF8000, v55;
	v5 =	vor.u32 v58, v5  }
0x65: {  	v42 =	vand.u32 $0x7, v19;
	v50 =	vand.u32 $0x7, v22;
	v54 =	vshll.u32 v47, $0x3  }
0x66: {  	v5 =	vor.u32 v6, v5;
	v6 =	vor.u32 v60, v7;
	v7 =	vand.u32 $0x7, v61  }
0x67: {  	v27 =	vand.u32 $0xFFFF8000, v47;
	v7 =	vor.u32 v7, v6;
	v6 =	vor.u32 v9, v8  }
0x68: {  	v8 =	vand.u32 $0x7FF8, v16;
	v9 =	vor.u32 v20, v10;
	v10 =	vand.u32 $0x7, v21  }
0x69: {  	v16 =	vld [tilespmem:$0xE0];
	v21 =	vand.u32 $0xFFFF8000, v31;
	v8 =	vor.u32 v17, v8;
	v10 =	vor.u32 v10, v9  }
0x6a: {  	v20 =	vld [tilespmem:$0x120];
	v9 =	vor.u32 v12, v11;
	v11 =	vand.u32 $0x7FF8, v24;
	v12 =	vor.u32 v28, v13  }
0x6b: {  	v13 =	vand.u32 $0x7, v29;
	v24 =	vand.u32 $0xFFFF8000, v39;
	v8 =	vor.u32 v18, v8  }
0x6c: {  	v17 =	vld [tilespmem:$0xF0];
	v11 =	vor.u32 v25, v11;
	v18 =	vand.u32 $0xFFFF8000, v23;
	v13 =	vor.u32 v13, v12  }
0x6d: {  	v11 =	vor.u32 v26, v11;
	v14 =	vor.u32 v18, v14;
	v18 =	vshrl.u32 v31, $0xC  }
0x6e: {  	v12 =	vor.u32 v15, v14;
	v18 =	vand.u32 $0x7, v18;
	v32 =	vshll.u32 v16, $0x3  }
0x6f: {  	v33 =	vand.u32 $0xFFFF8000, v16;
	v16 =	vshrl.u32 v16, $0xC;
	v43 =	vshll.u32 v20, $0x3  }
0x70: {  	v23 =	vld [tilespmem:$0x150];
	v44 =	vand.u32 $0xFFFF8000, v20;
	v45 =	vshrl.u32 v20, $0xC;
	v20 =	vand.u32 $0x7FF8, v46  }
0x71: {  	v63 =	vld [tilespmem:$0x1C0];
	v14 =	vand.u32 $0x7FF8, v32;
	v34 =	vand.u32 $0x7, v16;
	v35 =	vshll.u32 v17, $0x3  }
0x72: {  	v25 =	vld [tilespmem:$0x170];
	v36 =	vand.u32 $0xFFFF8000, v17;
	v37 =	vshrl.u32 v17, $0xC;
	v17 =	vand.u32 $0x7FF8, v38  }
0x73: {  	v29 =	vld [tilespmem:$0x1B0];
	v19 =	vand.u32 $0x7FF8, v43;
	v20 =	vor.u32 v24, v20;
	v24 =	vshrl.u32 v47, $0xC  }
0x74: {  	v14 =	vor.u32 v33, v14;
	v16 =	vand.u32 $0x7FF8, v35;
	v17 =	vor.u32 v21, v17  }
0x75: {  	v21 =	vshrl.u32 v39, $0xC;
	v51 =	vshll.u32 v23, $0x3;
	v52 =	vand.u32 $0xFFFF8000, v23  }
0x76: {  	v26 =	vld [tilespmem:$0x180];
	v53 =	vshrl.u32 v23, $0xC;
	v23 =	vand.u32 $0x7FF8, v54;
	v24 =	vand.u32 $0x7, v24  }
0x77: {  	v28 =	vld [tilespmem:$0x1A0];
	v56 =	vshll.u32 v25, $0x3;
	v57 =	vand.u32 $0xFFFF8000, v25;
	v25 =	vshrl.u32 v25, $0xC  }
0x78: {  	v39 =	vshll.u32 v29, $0x3;
	v33 =	vand.u32 $0xFFFF8000, v63;
	v14 =	vor.u32 v34, v14  }
0x79: {  	v15 =	vor.u32 v36, v16;
	v16 =	vand.u32 $0x7, v37;
	v21 =	vand.u32 $0x7, v21  }
0x7a: {  	v22 =	vand.u32 $0x7FF8, v51;
	v23 =	vor.u32 v27, v23;
	v58 =	vand.u32 $0x7, v25  }
0x7b: {  	v59 =	vshll.u32 v26, $0x3;
	v60 =	vand.u32 $0xFFFF8000, v26;
	v61 =	vshrl.u32 v26, $0xC  }
0x7c: {  	v31 =	vld [tilespmem:$0x1D0];
	v26 =	vand.u32 $0x7FF8, v62;
	v27 =	vshrl.u32 v55, $0xC;
	v36 =	vshll.u32 v28, $0x3  }
0x7d: {  	v37 =	vand.u32 $0xFFFF8000, v28;
	v28 =	vshrl.u32 v28, $0xC;
	v16 =	vor.u32 v16, v15  }
0x7e: {  	v15 =	vor.u32 v18, v17;
	v17 =	vand.u32 $0x7FF8, v40;
	v18 =	vor.u32 v44, v19  }
0x7f: {  	v19 =	vand.u32 $0x7, v45;
	v25 =	vand.u32 $0x7FF8, v59;
	v26 =	vor.u32 v30, v26  }
0x80: {  	v27 =	vand.u32 $0x7, v27;
	v38 =	vand.u32 $0x7, v28;
	v40 =	vand.u32 $0xFFFF8000, v29  }
0x81: {  	v28 =	vand.u32 $0x7FF8, v39;
	v30 =	vshrl.u32 v63, $0xC;
	v44 =	vshll.u32 v31, $0x3  }
0x82: {  	v45 =	vand.u32 $0xFFFF8000, v31;
	v31 =	vshrl.u32 v31, $0xC;
	v17 =	vor.u32 v41, v17  }
0x83: {  	v32 =	vld [tilespmem:$0x1E0];
	v19 =	vor.u32 v19, v18;
	v18 =	vor.u32 v21, v20;
	v20 =	vand.u32 $0x7FF8, v48  }
0x84: {  	v21 =	vor.u32 v52, v22;
	v22 =	vand.u32 $0x7, v53;
	v41 =	vshrl.u32 v29, $0xC  }
0x85: {  	v30 =	vand.u32 $0x7, v30;
	v46 =	vand.u32 $0x7, v31;
	v17 =	vor.u32 v42, v17  }
0x86: {  	v20 =	vor.u32 v49, v20;
	v22 =	vor.u32 v22, v21;
	v21 =	vor.u32 v24, v23  }
0x87: {  	v43 =	vld [tilespmem:$0x1F0];
	v23 =	vand.u32 $0x7FF8, v56;
	v24 =	vor.u32 v60, v25;
	v25 =	vand.u32 $0x7, v61  }
0x88: {  	v35 =	vld [tilespmem:$0x210];
	v42 =	vshll.u32 v63, $0x3;
	v47 =	vshll.u32 v32, $0x3;
	v48 =	vand.u32 $0xFFFF8000, v32  }
0x89: {  	v49 =	vshrl.u32 v32, $0xC;
	v20 =	vor.u32 v50, v20;
	v23 =	vor.u32 v57, v23  }
0x8a: {  	v25 =	vor.u32 v25, v24;
	v24 =	vor.u32 v27, v26;
	v26 =	vand.u32 $0x7FF8, v36  }
0x8b: {  	v34 =	vld [tilespmem:$0x200];
	v27 =	vor.u32 v40, v28;
	v29 =	vand.u32 $0x7FF8, v42;
	v28 =	vand.u32 $0x7, v41  }
0x8c: {  	v51 =	vld [tilespmem:$0x220];
	v31 =	vand.u32 $0x7FF8, v47;
	v50 =	vshll.u32 v43, $0x3;
	v36 =	vand.u32 $0xFFFF8000, v43  }
0x8d: {  	v55 =	vshll.u32 v35, $0x3;
	v56 =	vand.u32 $0xFFFF8000, v35;
	v57 =	vshrl.u32 v35, $0xC  }
0x8e: {  	v23 =	vor.u32 v58, v23;
	v26 =	vor.u32 v37, v26;
	v29 =	vor.u32 v33, v29  }
0x8f: {  	v28 =	vor.u32 v28, v27;
	v32 =	vand.u32 $0x7FF8, v50;
	v33 =	vshrl.u32 v43, $0xC  }
0x90: {  	v59 =	vld [tilespmem:$0x250];
	v52 =	vshll.u32 v34, $0x3;
	v53 =	vand.u32 $0xFFFF8000, v34;
	v34 =	vshrl.u32 v34, $0xC  }
0x91: {  	v58 =	vshll.u32 v51, $0x3;
	v39 =	vand.u32 $0xFFFF8000, v51;
	v26 =	vor.u32 v38, v26  }
0x92: {  	v27 =	vor.u32 v30, v29;
	v29 =	vand.u32 $0x7FF8, v44;
	v30 =	vor.u32 v48, v31  }
0x93: {  	v31 =	vand.u32 $0x7, v49;
	v32 =	vor.u32 v36, v32;
	v33 =	vand.u32 $0x7, v33  }
0x94: {  	v54 =	vand.u32 $0x7, v34;
	v34 =	vand.u32 $0x7FF8, v55;
	v35 =	vand.u32 $0x7FF8, v58  }
0x95: {  	v36 =	vshrl.u32 v51, $0xC;
	v42 =	vand.u32 $0xFFFF8000, v59;
	v29 =	vor.u32 v45, v29  }
0x96: {  	v40 =	vld [tilespmem:$0x260];
	v31 =	vor.u32 v31, v30;
	v30 =	vor.u32 v33, v32;
	v32 =	vand.u32 $0x7FF8, v52  }
0x97: {  	v41 =	vld [tilespmem:$0x270];
	v33 =	vor.u32 v56, v34;
	v34 =	vand.u32 $0x7, v57;
	v35 =	vor.u32 v39, v35  }
0x98: {  	v37 =	vld [tilespmem:$0x230];
	v36 =	vand.u32 $0x7, v36;
	v39 =	vshrl.u32 v59, $0xC;
	v29 =	vor.u32 v46, v29  }
0x99: {  	v32 =	vor.u32 v53, v32;
	v34 =	vor.u32 v34, v33;
	v33 =	vor.u32 v36, v35  }
0x9a: {  	v38 =	vld [tilespmem:$0x240];
	v46 =	vshll.u32 v59, $0x3;
	v49 =	vand.u32 $0x7, v39;
	v32 =	vor.u32 v54, v32  }
0x9b: {  	v50 =	vld [tilespmem:$0x280];
	v51 =	vshll.u32 v40, $0x3;
	v52 =	vand.u32 $0xFFFF8000, v40;
	v53 =	vshrl.u32 v40, $0xC  }
0x9c: {  	[tilespmem:$0x570] =	vst v23;
	v23 =	vld [tilespmem:$0x320];
	v55 =	vshll.u32 v41, $0x3;
	v57 =	vand.u32 $0xFFFF8000, v41;
	v59 =	vshrl.u32 v41, $0xC  }
0x9d: {  	v60 =	vshll.u32 v37, $0x3;
	v61 =	vand.u32 $0xFFFF8000, v37;
	v37 =	vshrl.u32 v37, $0xC  }
0x9e: {  	[tilespmem:$0x430] =	vst v4;
	v54 =	vand.u32 $0x7, v53;
	v58 =	vand.u32 $0x7FF8, v55;
	v4 =	vand.u32 $0x7, v59  }
0x9f: {  	v56 =	vld [tilespmem:$0x290];
	v35 =	vand.u32 $0x7FF8, v60;
	v62 =	vand.u32 $0x7, v37;
	v63 =	vshll.u32 v38, $0x3  }
0xa0: {  	[tilespmem:$0x440] =	vst v3;
	v44 =	vand.u32 $0xFFFF8000, v38;
	v45 =	vshrl.u32 v38, $0xC;
	v38 =	vand.u32 $0x7FF8, v46  }
0xa1: {  	[tilespmem:$0x4F0] =	vst v16;
	v3 =	vor.u32 v57, v58;
	v60 =	vshll.u32 v50, $0x3;
	v16 =	vshrl.u32 v23, $0xC  }
0xa2: {  	v35 =	vor.u32 v61, v35;
	v37 =	vand.u32 $0x7FF8, v63;
	v47 =	vand.u32 $0x7, v45  }
0xa3: {  	[tilespmem:$0x450] =	vst v5;
	v41 =	vld [tilespmem:$0x2B0];
	v48 =	vor.u32 v42, v38;
	v5 =	vand.u32 $0x7FF8, v60;
	v63 =	vshrl.u32 v50, $0xC  }
0xa4: {  	[tilespmem:$0x400] =	vst v1;
	v4 =	vor.u32 v4, v3;
	v42 =	vshll.u32 v56, $0x3;
	v43 =	vand.u32 $0xFFFF8000, v56  }
0xa5: {  	[tilespmem:$0x410] =	vst v0;
	v35 =	vor.u32 v62, v35;
	v36 =	vor.u32 v44, v37;
	v0 =	vor.u32 v49, v48  }
0xa6: {  	[tilespmem:$0x420] =	vst v2;
	v53 =	vld [tilespmem:$0x2E0];
	v62 =	vand.u32 $0xFFFF8000, v50;
	v40 =	vand.u32 $0x7, v63;
	v44 =	vshrl.u32 v56, $0xC  }
0xa7: {  	[tilespmem:$0x460] =	vst v7;
	v1 =	vor.u32 v47, v36;
	v36 =	vand.u32 $0x7FF8, v51;
	v5 =	vor.u32 v62, v5  }
0xa8: {  	[tilespmem:$0x470] =	vst v6;
	v45 =	vand.u32 $0x7, v44;
	v50 =	vshll.u32 v41, $0x3;
	v7 =	vshrl.u32 v41, $0xC  }
0xa9: {  	[tilespmem:$0x490] =	vst v10;
	v57 =	vld [tilespmem:$0x2F0];
	v2 =	vor.u32 v52, v36;
	v3 =	vor.u32 v40, v5;
	v5 =	vand.u32 $0x7FF8, v42  }
0xaa: {  	[tilespmem:$0x480] =	vst v8;
	v61 =	vld [tilespmem:$0x2A0];
	v52 =	vand.u32 $0xFFFF8000, v41;
	v10 =	vand.u32 $0x7FF8, v50;
	v7 =	vand.u32 $0x7, v7  }
0xab: {  	[tilespmem:$0x4D0] =	vst v12;
	v60 =	vshll.u32 v53, $0x3;
	v62 =	vand.u32 $0xFFFF8000, v53;
	v12 =	vshrl.u32 v53, $0xC  }
0xac: {  	[tilespmem:$0x4C0] =	vst v13;
	v38 =	vld [tilespmem:$0x340];
	v40 =	vshll.u32 v23, $0x3;
	v41 =	vand.u32 $0xFFFF8000, v23;
	v42 =	vand.u32 $0x7, v16  }
0xad: {  	[tilespmem:$0x4B0] =	vst v11;
	v63 =	vld [tilespmem:$0x310];
	v2 =	vor.u32 v54, v2;
	v5 =	vor.u32 v43, v5;
	v10 =	vor.u32 v52, v10  }
0xae: {  	[tilespmem:$0x520] =	vst v19;
	v11 =	vand.u32 $0x7FF8, v60;
	v12 =	vand.u32 $0x7, v12;
	v19 =	vshll.u32 v57, $0x3  }
0xaf: {  	[tilespmem:$0x540] =	vst v20;
	v47 =	vld [tilespmem:$0x2C0];
	v20 =	vand.u32 $0xFFFF8000, v57;
	v13 =	vshrl.u32 v57, $0xC;
	v46 =	vshll.u32 v61, $0x3  }
0xb0: {  	[tilespmem:$0x530] =	vst v18;
	v51 =	vld [tilespmem:$0x2D0];
	v5 =	vor.u32 v45, v5;
	v48 =	vand.u32 $0xFFFF8000, v61;
	v49 =	vshrl.u32 v61, $0xC  }
0xb1: {  	[tilespmem:$0x560] =	vst v21;
	v7 =	vor.u32 v7, v10;
	v11 =	vor.u32 v62, v11;
	v21 =	vand.u32 $0x7, v13  }
0xb2: {  	[tilespmem:$0x5A0] =	vst v26;
	v18 =	vshrl.u32 v38, $0xC;
	v8 =	vand.u32 $0x7FF8, v46;
	v26 =	vshll.u32 v63, $0x3  }
0xb3: {  	[tilespmem:$0x500] =	vst v15;
	v44 =	vld [tilespmem:$0x350];
	v37 =	vand.u32 $0xFFFF8000, v63;
	v15 =	vshrl.u32 v63, $0xC;
	v18 =	vand.u32 $0x7, v18  }
0xb4: {  	[tilespmem:$0x4A0] =	vst v9;
	v6 =	vor.u32 v48, v8;
	v8 =	vand.u32 $0x7, v49;
	v54 =	vshll.u32 v47, $0x3  }
0xb5: {  	[tilespmem:$0x4E0] =	vst v14;
	v36 =	vld [tilespmem:$0x330];
	v55 =	vand.u32 $0xFFFF8000, v47;
	v9 =	vshrl.u32 v47, $0xC;
	v56 =	vshll.u32 v51, $0x3  }
0xb6: {  	[tilespmem:$0x510] =	vst v17;
	v50 =	vld [tilespmem:$0x370];
	v58 =	vand.u32 $0xFFFF8000, v51;
	v59 =	vshrl.u32 v51, $0xC;
	v14 =	vand.u32 $0x7FF8, v26  }
0xb7: {  	[tilespmem:$0x550] =	vst v22;
	v15 =	vand.u32 $0x7, v15;
	v47 =	vshll.u32 v38, $0x3;
	v49 =	vand.u32 $0xFFFF8000, v38  }
0xb8: {  	[tilespmem:$0x580] =	vst v25;
	v53 =	vshll.u32 v44, $0x3;
	v6 =	vor.u32 v8, v6;
	v8 =	vand.u32 $0x7FF8, v54  }
0xb9: {  	[tilespmem:$0x600] =	vst v32;
	v32 =	vld [tilespmem:$0x3B0];
	v9 =	vand.u32 $0x7, v9;
	v10 =	vand.u32 $0x7FF8, v56;
	v14 =	vor.u32 v37, v14  }
0xba: {  	[tilespmem:$0x590] =	vst v24;
	v43 =	vshll.u32 v36, $0x3;
	v45 =	vand.u32 $0xFFFF8000, v36;
	v46 =	vshrl.u32 v36, $0xC  }
0xbb: {  	[tilespmem:$0x5B0] =	vst v28;
	v61 =	vld [tilespmem:$0x300];
	v17 =	vand.u32 $0x7FF8, v47;
	v54 =	vand.u32 $0xFFFF8000, v44;
	v62 =	vshll.u32 v50, $0x3  }
0xbc: {  	[tilespmem:$0x5C0] =	vst v27;
	v23 =	vshrl.u32 v50, $0xC;
	v8 =	vor.u32 v55, v8;
	v39 =	vor.u32 v15, v14  }
0xbd: {  	[tilespmem:$0x5E0] =	vst v31;
	v14 =	vand.u32 $0x7FF8, v40;
	v16 =	vand.u32 $0x7FF8, v43;
	v17 =	vor.u32 v49, v17  }
0xbe: {  	[tilespmem:$0x670] =	vst v4;
	v55 =	vshrl.u32 v44, $0xC;
	v4 =	vand.u32 $0x7FF8, v62;
	v40 =	vand.u32 $0xFFFF8000, v32  }
0xbf: {  	[tilespmem:$0x5F0] =	vst v30;
	v8 =	vor.u32 v9, v8;
	v9 =	vor.u32 v58, v10;
	v10 =	vand.u32 $0x7, v59  }
0xc0: {  	[tilespmem:$0x5D0] =	vst v29;
	v63 =	vld [tilespmem:$0x390];
	v22 =	vshll.u32 v61, $0x3;
	v24 =	vand.u32 $0xFFFF8000, v61;
	v25 =	vshrl.u32 v61, $0xC  }
0xc1: {  	[tilespmem:$0x610] =	vst v34;
	v14 =	vor.u32 v41, v14;
	v15 =	vor.u32 v45, v16;
	v16 =	vand.u32 $0x7, v46  }
0xc2: {  	v52 =	vor.u32 v18, v17;
	v56 =	vand.u32 $0x7, v55;
	[tilespmem:$0x710] =	vst v39;
	v39 =	vshll.u32 v32, $0x3  }
0xc3: {  	[tilespmem:$0x620] =	vst v33;
	v48 =	vld [tilespmem:$0x360];
	v9 =	vor.u32 v10, v9;
	v10 =	vor.u32 v12, v11;
	v11 =	vand.u32 $0x7FF8, v19  }
0xc4: {  	[tilespmem:$0x630] =	vst v35;
	v13 =	vand.u32 $0x7FF8, v22;
	v14 =	vor.u32 v42, v14;
	v51 =	vor.u32 v16, v15  }
0xc5: {  	[tilespmem:$0x650] =	vst v0;
	v38 =	vld [tilespmem:$0x3D0];
	v16 =	vand.u32 $0x7FF8, v53;
	v22 =	vand.u32 $0xFFFF8000, v50;
	v31 =	vshll.u32 v63, $0x3  }
0xc6: {  	[tilespmem:$0x6C0] =	vst v8;
	v33 =	vand.u32 $0xFFFF8000, v63;
	v34 =	vshrl.u32 v63, $0xC;
	v8 =	vshrl.u32 v32, $0xC  }
0xc7: {  	[tilespmem:$0x640] =	vst v1;
	v11 =	vor.u32 v20, v11;
	v12 =	vor.u32 v24, v13;
	v13 =	vand.u32 $0x7, v25  }
0xc8: {  	[tilespmem:$0x680] =	vst v3;
	v0 =	vor.u32 v54, v16;
	v57 =	vshll.u32 v48, $0x3;
	v59 =	vand.u32 $0xFFFF8000, v48  }
0xc9: {  	[tilespmem:$0x660] =	vst v2;
	v36 =	vld [tilespmem:$0x3C0];
	v61 =	vshrl.u32 v48, $0xC;
	v4 =	vor.u32 v22, v4;
	v24 =	vand.u32 $0x7, v23  }
0xca: {  	[tilespmem:$0x6B0] =	vst v7;
	v7 =	vand.u32 $0x7FF8, v31;
	v41 =	vand.u32 $0x7, v8;
	v48 =	vshll.u32 v38, $0x3  }
0xcb: {  	[tilespmem:$0x730] =	vst v51;
	v50 =	vand.u32 $0xFFFF8000, v38;
	v51 =	vshrl.u32 v38, $0xC;
	v11 =	vor.u32 v21, v11  }
0xcc: {  	[tilespmem:$0x690] =	vst v5;
	v43 =	vld [tilespmem:$0x3E0];
	v12 =	vor.u32 v13, v12;
	v0 =	vor.u32 v56, v0;
	v60 =	vand.u32 $0x7FF8, v57  }
0xcd: {  	[tilespmem:$0x6A0] =	vst v6;
	v49 =	vld [tilespmem:$0x3F0];
	v3 =	vand.u32 $0x7, v61;
	v26 =	vor.u32 v24, v4;
	v5 =	vor.u32 v33, v7  }
0xce: {  	v58 =	vld [tilespmem:$0x380];
	[tilespmem:$0x740] =	vst v52;
	v7 =	vand.u32 $0x7, v34;
	v42 =	vshll.u32 v36, $0x3;
	v45 =	vand.u32 $0xFFFF8000, v36  }
0xcf: {  	[tilespmem:$0x6D0] =	vst v9;
	v47 =	vshrl.u32 v36, $0xC;
	v52 =	vand.u32 $0x7, v51;
	v2 =	vor.u32 v59, v60  }
0xd0: {  	[tilespmem:$0x6E0] =	vst v10;
	v5 =	vor.u32 v7, v5;
	v7 =	vand.u32 $0x7FF8, v39;
	v46 =	vand.u32 $0x7FF8, v42  }
0xd1: {  	[tilespmem:$0x720] =	vst v14;
	v54 =	vshll.u32 v43, $0x3;
	v55 =	vand.u32 $0xFFFF8000, v43;
	v56 =	vshrl.u32 v43, $0xC  }
0xd2: {  	v25 =	vld [tilespmem:$0x3A0];
	[tilespmem:$0x6F0] =	vst v11;
	v59 =	vshll.u32 v49, $0x3;
	v60 =	vand.u32 $0xFFFF8000, v49;
	v61 =	vshrl.u32 v49, $0xC  }
0xd3: {  	[tilespmem:$0x700] =	vst v12;
	v2 =	vor.u32 v3, v2;
	v27 =	vshll.u32 v58, $0x3;
	v28 =	vand.u32 $0xFFFF8000, v58  }
0xd4: {  	[tilespmem:$0x750] =	vst v0;
	v29 =	vshrl.u32 v58, $0xC;
	v1 =	vor.u32 v40, v7;
	v7 =	vand.u32 $0x7FF8, v48  }
0xd5: {  	[tilespmem:$0x770] =	vst v26;
	v58 =	vand.u32 $0x7, v56;
	v4 =	vand.u32 $0x7FF8, v27;
	v30 =	vand.u32 $0x7, v29  }
0xd6: {  	[tilespmem:$0x790] =	vst v5;
	v44 =	vor.u32 v41, v1;
	v1 =	vor.u32 v45, v46;
	v3 =	vor.u32 v50, v7  }
0xd7: {  	[tilespmem:$0x760] =	vst v2;
	v2 =	vand.u32 $0x7, v47;
	v4 =	vor.u32 v28, v4;
	v35 =	vshll.u32 v25, $0x3  }
0xd8: {  	v37 =	vand.u32 $0xFFFF8000, v25;
	v6 =	vshrl.u32 v25, $0xC;
	v1 =	vor.u32 v2, v1;
	[tilespmem:$0x7B0] =	vst v44  }
0xd9: {  	v53 =	vor.u32 v52, v3;
	v3 =	vand.u32 $0x7FF8, v54;
	v4 =	vor.u32 v30, v4;
	[tilespmem:$0x7C0] =	vst v1  }
0xda: {  	v9 =	vand.u32 $0x7FF8, v35;
	v6 =	vand.u32 $0x7, v6;
	v57 =	vor.u32 v55, v3;
	[tilespmem:$0x7D0] =	vst v53  }
0xdb: {  	v9 =	vor.u32 v37, v9;
	[tilespmem:$0x780] =	vst v4;
	v4 =	vand.u32 $0x7FF8, v59;
	v0 =	vor.u32 v58, v57  }
0xdc: {  	v62 =	vand.u32 $0x7, v61;
	v6 =	vor.u32 v6, v9;
	v1 =	vor.u32 v60, v4;
	[tilespmem:$0x7E0] =	vst v0  }
0xdd: {  	[tilespmem:$0x7A0] =	vst v6;
	v63 =	vor.u32 v62, v1  }
0xde: {  	[tilespmem:$0x7F0] =	vst v63  }
0xdf: {  	[tilespmem:s17], [sflag:$0x1] =	stream.indirect.gather [hbm4b:s3+s12], $0x10, s16, s12, $0xb8;
	[tilespmem:$0x5100] =	vst v63  }
0xe0: {  	_ = 	snop  }
0xe1: {  	[tilespmem:s19], [sflag:$0x1] =	stream.indirect.gather [hbm4b:s3+s12], $0x10, s18, s12, $0xb8;
	[tilespmem:$0x5100] =	vst v63  }
0xe2: {  	_ = 	snop  }
0xe3: {  	[tilespmem:s21], [sflag:$0x1] =	stream.indirect.gather [hbm4b:s3+s12], $0x10, s20, s12, $0xb8;
	[tilespmem:$0x5100] =	vst v63  }
0xe4: {  	_ = 	snop  }
0xe5: {  	[tilespmem:s23], [sflag:$0x1] =	stream.indirect.gather [hbm4b:s3+s12], $0x10, s22, s12, $0xb8;
	[tilespmem:$0x5100] =	vst v63  }
0xe6: {  	_ = 	snop  }
0xe7: {  	[tilespmem:s25], [sflag:$0x1] =	stream.indirect.gather [hbm4b:s3+s12], $0x10, s24, s12, $0xb8;
	[tilespmem:$0x5100] =	vst v63  }
0xe8: {  	_ = 	snop  }
0xe9: {  	[tilespmem:s28], [sflag:$0x1] =	stream.indirect.gather [hbm4b:s3+s12], $0x10, s26, s12, $0xb8;
	[tilespmem:$0x5100] =	vst v63  }
0xea: {  	_ = 	snop  }
0xeb: {  	[tilespmem:s30], [sflag:$0x1] =	stream.indirect.gather [hbm4b:s3+s12], $0x10, s29, s12, $0xb8;
	[tilespmem:$0x5100] =	vst v63  }
0xec: {  	_ = 	snop  }
0xed: {  	[tilespmem:s1], [sflag:$0x1] =	stream.indirect.gather [hbm4b:s3+s12], $0x10, s31, s12, $0xb8;
	[tilespmem:$0x5100] =	vst v63  }
0xee: {  	_ =	swait.ge [sflag:s15], $0x800  }
0xef: {  	[sflag:s15] =	ssyncset.done $0x0  }
0xf0: {  	[sflag:s15] =	ssyncadd.s32 $0xFFFFF800  }
0xf1: {  	_ =	swait.ge [sflag:s15], $0x800  }
0xf2: {  	[sflag:s15] =	ssyncset.done $0x0  }
0xf3: {  	[sflag:s15] =	ssyncadd.s32 $0xFFFFF800  }
0xf4: {  	_ =	swait.ge [sflag:s15], $0x800  }
0xf5: {  	[sflag:s15] =	ssyncset.done $0x0  }
0xf6: {  	[sflag:s15] =	ssyncadd.s32 $0xFFFFF800  }
0xf7: {  	_ =	swait.ge [sflag:s15], $0x800  }
0xf8: {  	[sflag:s15] =	ssyncset.done $0x0  }
0xf9: {  	[sflag:s15] =	ssyncadd.s32 $0xFFFFF800  }
0xfa: {  	_ =	swait.ge [sflag:s15], $0x800  }
0xfb: {  	[sflag:s15] =	ssyncset.done $0x0  }
0xfc: {  	[sflag:s15] =	ssyncadd.s32 $0xFFFFF800  }
0xfd: {  	_ =	swait.ge [sflag:s15], $0x800  }
0xfe: {  	[sflag:s15] =	ssyncset.done $0x0  }
0xff: {  	[sflag:s15] =	ssyncadd.s32 $0xFFFFF800  }
0x100: {  	_ =	swait.ge [sflag:s15], $0x800  }
0x101: {  	[sflag:s15] =	ssyncset.done $0x0  }
0x102: {  	[sflag:s15] =	ssyncadd.s32 $0xFFFFF800  }
0x103: {  	_ =	swait.ge [sflag:s15], $0x800  }
0x104: {  	p0 =	sne.s32 s10, $0xC00;
	[sflag:s15] =	ssyncset.done $0x0  }
.Ltmp0:
0x105: {  	[sflag:s15] =	ssyncadd.s32 $0xFFFFF800;
	(pc) =	sbr.rel @p0 .LBB2_2-.Ltmp0, $4  }
0x106: {  	[hbm4b:s8+s2] =	stream.linear.scatter [tilespmem:s17], [sflag:$0x2], $0x4000, $0x38;
	[tilespmem:$0x5100] =	vst v63  }
0x107: {  	_ =	swait.ge [sflag:s11], $0x4000  }
0x108: {  	[sflag:s11] =	ssyncset.done $0x0  }
0x109: {  	s10 =	sadd.s32 $0x80, s10;
	s8 =	sadd.s32 $0x800, s8;
	[sflag:s11] =	ssyncadd.s32 $0xFFFFC000  }
0x10a: {  	s0 =	sadd.s32 $0x1, s0  }
0x10b: {  	p0 =	sne.s32 s0, s7  }
.Ltmp1:
0x10c: {  	_ = 	snop;
	(pc) =	sbr.rel @p0 .LBB2_1-.Ltmp1, $1  }
0x10d: {  	_ =	sdelay $0x3  }
0x10e: {  	_ =	sfence.sel $0x180000  }
0x10f: {  	[bflag:$0x0] =	sbarrier.arrive $0xFFFF  }
0x110: {  	_ =	strace $0x90000047  }
0x111: {  	s0 =	stileid.u32;
	[bflag:$0x2] =	sbarrier.arrive $0xFFFF  }
0x112: {  	p0 =	sne.s32 s0, $0x0;
	s0 =	rddreg [dreg:$0x3]  }
0x113: {  	s0 =	sadd.s32 @!p0 $0x100000, s0  }
0x114: {  	[sflag:s0] =	ssyncadd.tile.s32 @!p0 $0x1;
	_ =	shalt  }
.Lfunc_end2:
_tile_overlayer_lowered:
.L_overlay_start_2:
0x115: {  	(tag) =	ssettag $0x2  }
0x116: {  	s0 =	rddreg [dreg:$0x0];
	s2 =	stileid.u32  }
0x117: {  	s1 =	rddreg [dreg:$0x1];
	p0 =	sne.s32 s2, $0x0  }
0x118: {  	s3 =	rddreg [dreg:$0x2];
	[bflag:$0x3] =	sbarrier.arrive $0xFFFF;
	s2 =	simm.s32 @!p0 $0x1C02  }
0x119: {  	[timem:s3], [sflag:s2] =	dma.local @!p0 [hbm:s0], s1  }
0x11a: {  	s0 =	simm.s32 @!p0 $0x2  }
0x11b: {  	_ =	swait.ge @!p0 [sflag:s0], s1  }
0x11c: {  	s1 =	ssub.s32 @!p0 $0x0, s1;
	[sflag:s0] =	ssyncset.done @!p0 $0x0  }
0x11d: {  	[sflag:s0] =	ssyncadd.s32 @!p0 s1  }
0x11e: {  	[bflag:$0x3] =	sbarrier.arrive $0xFFFF  }
0x11f: {  	_ =	shalt  }

</sc_bundles>
